<compile_context>
chip_gen: v7x
topology: tpu7x:2x2x1
jax: 0.10.2.dev20260603
libtpu: 0.0.44.dev20260713+nightly
codegen_flags: <defaults>
</compile_context>

<pallas_src>
import dataclasses
import functools

import numpy as np

import jax
import jax.numpy as jnp
from jax import lax
from jax.experimental import pallas as pl
from jax.experimental.pallas import tpu as pltpu
from jax.experimental.pallas import tpu_sc as plsc

N = 10000
E = 320000
E_TOT = E + N
F_IN = 128
D = 64
NEG_SLOPE = 0.2

NUM_CORES = 2
NUM_SUBCORES = 16
NUM_TILES = NUM_CORES * NUM_SUBCORES
PT = 10368
E_PAD = NUM_TILES * PT
W = 288
N_WIN = PT // W
N_GRP = W // 16
NP = 10240
RPS = NP // NUM_SUBCORES

_IDX = np.empty((D,), np.int32)
for _k in range(D // 32):
    _IDX[32 * _k:32 * _k + 32:2] = np.arange(32 * _k, 32 * _k + 16)
    _IDX[32 * _k + 1:32 * _k + 32:2] = np.arange(32 * _k + 16, 32 * _k + 32)
IDX = tuple(int(i) for i in _IDX)


def _edge_pass_body(src_hbm, dst_hbm, xl_hbm, xr_hbm, att_hbm, z64_hbm,
                    z1_hbm, num_out, den_out,
                    srcv0, srcv1, dstv0, dstv1, dsc0, dsc1, p0, p1,
                    xl0, xl1, xr0, xr1, sc0, sc1, att_v,
                    num_shared, den_shared,
                    sem_g0, sem_g1, sem_s0, sem_s1):
    cid = lax.axis_index("c")
    sid = lax.axis_index("s")
    wid = sid * NUM_CORES + cid
    r0 = sid * RPS

    pltpu.sync_copy(z64_hbm.at[pl.ds(r0, RPS)], num_shared.at[pl.ds(r0, RPS)])

    @pl.when(sid == 0)
    def _():
        pltpu.sync_copy(z1_hbm, den_shared)

    pltpu.sync_copy(att_hbm, att_v)
    att_vecs = [att_v[pl.ds(k * 16, 16)] for k in range(D // 16)]
    plsc.subcore_barrier()

    stages = ((srcv0, dstv0, dsc0, p0, xl0, xr0, sc0, sem_g0, sem_s0),
              (srcv1, dstv1, dsc1, p1, xl1, xr1, sc1, sem_g1, sem_s1))

    def issue_gather(w, st):
        srcv, dstv, dsc, p_v, xlr, xrr, scr, sg, ss = st
        base = wid * PT + w * W
        pltpu.sync_copy(src_hbm.at[pl.ds(base, W)], srcv)
        pltpu.sync_copy(dst_hbm.at[pl.ds(base, W)], dstv)
        pltpu.async_copy(xl_hbm.at[srcv], xlr, sg)
        pltpu.async_copy(xr_hbm.at[dstv], xrr, sg)

    def wait_gather(st):
        srcv, dstv, dsc, p_v, xlr, xrr, scr, sg, ss = st
        pltpu.make_async_copy(xl_hbm.at[srcv], xlr, sg).wait()
        pltpu.make_async_copy(xr_hbm.at[dstv], xrr, sg).wait()

    def wait_scatter(st):
        srcv, dstv, dsc, p_v, xlr, xrr, scr, sg, ss = st
        pltpu.make_async_copy(p_v, den_shared.at[dsc], ss).wait()
        pltpu.make_async_copy(scr, num_shared.at[dsc], ss).wait()

    def stage_body(w, st):
        srcv, dstv, dsc, p_v, xlr, xrr, scr, sg, ss = st
        base = wid * PT + w * W
        wait_gather(st)

        @pl.when(w >= 2)
        def _():
            wait_scatter(st)

        for k in range(N_GRP):
            dsc[pl.ds(k * 16, 16)] = dstv[pl.ds(k * 16, 16)]

        lane0 = lax.iota(jnp.int32, 16) == 0

        @plsc.parallel_loop(0, W, step=1, unroll=8)
        def _edge(row):
            vls = []
            tot = None
            for k in range(D // 32):
                vl32 = xlr[row, pl.ds(k * 32, 32)]
                vr32 = xrr[row, pl.ds(k * 32, 32)]
                la, lb = plsc.unpack(vl32, format=plsc.PackFormat.INTERLEAVED,
                                     preferred_element_type=jnp.float32)
                ra, rb = plsc.unpack(vr32, format=plsc.PackFormat.INTERLEAVED,
                                     preferred_element_type=jnp.float32)
                for j, (vl, vr) in enumerate(((la, ra), (lb, rb))):
                    vls.append(vl)
                    s = vl + vr
                    t = att_vecs[2 * k + j] * jnp.maximum(s, NEG_SLOPE * s)
                    tot = t if tot is None else tot + t
            logit = jnp.sum(tot)
            pvec = jnp.exp(jnp.full((16,), logit, jnp.float32))
            pvec = jnp.where(base + row < E_TOT, pvec,
                             jnp.zeros((16,), jnp.float32))
            plsc.store_scatter(p_v, [jnp.full((16,), row, jnp.int32)],
                               pvec, mask=lane0)
            for k in range(D // 16):
                scr[row, pl.ds(k * 16, 16)] = vls[k] * pvec

        pltpu.async_copy(p_v, den_shared.at[dsc], ss, add=True)
        pltpu.async_copy(scr, num_shared.at[dsc], ss, add=True)

        @pl.when(w + 2 < N_WIN)
        def _():
            issue_gather(w + 2, st)

    issue_gather(0, stages[0])
    issue_gather(1, stages[1])

    @pl.loop(0, N_WIN, step=2)
    def _win(w):
        stage_body(w, stages[0])
        stage_body(w + 1, stages[1])

    wait_scatter(stages[0])
    wait_scatter(stages[1])
    plsc.subcore_barrier()
    pltpu.sync_copy(num_shared.at[pl.ds(r0, RPS)],
                    num_out.at[cid].at[pl.ds(r0, RPS)])

    @pl.when(sid == 0)
    def _():
        pltpu.sync_copy(den_shared, den_out.at[cid])


def _edge_pass(src, dst, xl, xr, att, z64, z1):
    mesh = plsc.VectorSubcoreMesh(core_axis_name="c", subcore_axis_name="s")
    cp = pltpu.CompilerParams(needs_layout_passes=False,
                              use_tc_tiling_on_sc=False)
    fn = pl.kernel(
        _edge_pass_body,
        mesh=mesh,
        compiler_params=cp,
        out_type=(jax.ShapeDtypeStruct((NUM_CORES, NP, D), jnp.float32),
                  jax.ShapeDtypeStruct((NUM_CORES, NP), jnp.float32)),
        scratch_types=(
            [pltpu.VMEM((W,), jnp.int32) for _ in range(6)]
            + [pltpu.VMEM((W,), jnp.float32) for _ in range(2)]
            + [pltpu.VMEM((W, D), jnp.bfloat16) for _ in range(4)]
            + [pltpu.VMEM((W, D), jnp.float32) for _ in range(2)]
            + [pltpu.VMEM((D,), jnp.float32),
               pltpu.VMEM_SHARED((NP, D), jnp.float32),
               pltpu.VMEM_SHARED((NP,), jnp.float32),
               pltpu.SemaphoreType.DMA, pltpu.SemaphoreType.DMA,
               pltpu.SemaphoreType.DMA, pltpu.SemaphoreType.DMA]
        ),
    )
    return fn(src, dst, xl, xr, att, z64, z1)


_B = 2000


def _transform1_body(x_ref, wl_ref, bl_ref, wr_ref, br_ref, xl_ref, xr_ref):
    xb = x_ref[...]
    dn = (((1,), (1,)), ((), ()))
    xl_ref[...] = (lax.dot_general(xb, wl_ref[...], dn,
                                   preferred_element_type=jnp.float32)
                   + bl_ref[...]).astype(jnp.bfloat16)
    xr_ref[...] = (lax.dot_general(xb, wr_ref[...], dn,
                                   preferred_element_type=jnp.float32)
                   + br_ref[...]).astype(jnp.bfloat16)


def _transform1(x, Wl, bl, Wr, br):
    grid = (N // _B,)
    return pl.pallas_call(
        _transform1_body,
        grid=grid,
        in_specs=[
            pl.BlockSpec((_B, F_IN), lambda i: (i, 0)),
            pl.BlockSpec((D, F_IN), lambda i: (0, 0)),
            pl.BlockSpec((D,), lambda i: (0,)),
            pl.BlockSpec((D, F_IN), lambda i: (0, 0)),
            pl.BlockSpec((D,), lambda i: (0,)),
        ],
        out_specs=(pl.BlockSpec((_B, D), lambda i: (i, 0)),
                   pl.BlockSpec((_B, D), lambda i: (i, 0))),
        out_shape=(jax.ShapeDtypeStruct((N, D), jnp.bfloat16),
                   jax.ShapeDtypeStruct((N, D), jnp.bfloat16)),
    )(x, Wl, bl, Wr, br)


def _combine2_body(num_ref, den_ref, b1_ref, wl_ref, bl_ref, wr_ref, br_ref,
                   xl_ref, xr_ref):
    nsum = num_ref[0] + num_ref[1]
    h = jnp.maximum(nsum / den_ref[...] + b1_ref[...], 0.0)
    dn = (((1,), (1,)), ((), ()))
    xl_ref[...] = (lax.dot_general(h, wl_ref[...], dn,
                                   preferred_element_type=jnp.float32)
                   + bl_ref[...]).astype(jnp.bfloat16)
    xr_ref[...] = (lax.dot_general(h, wr_ref[...], dn,
                                   preferred_element_type=jnp.float32)
                   + br_ref[...]).astype(jnp.bfloat16)


def _combine_transform(num_p, den, b1, Wl, bl, Wr, br):
    grid = (N // _B,)
    return pl.pallas_call(
        _combine2_body,
        grid=grid,
        in_specs=[
            pl.BlockSpec((NUM_CORES, _B, D), lambda i: (0, i, 0)),
            pl.BlockSpec((_B, 1), lambda i: (i, 0)),
            pl.BlockSpec((D,), lambda i: (0,)),
            pl.BlockSpec((D, D), lambda i: (0, 0)),
            pl.BlockSpec((D,), lambda i: (0,)),
            pl.BlockSpec((D, D), lambda i: (0, 0)),
            pl.BlockSpec((D,), lambda i: (0,)),
        ],
        out_specs=(pl.BlockSpec((_B, D), lambda i: (i, 0)),
                   pl.BlockSpec((_B, D), lambda i: (i, 0))),
        out_shape=(jax.ShapeDtypeStruct((N, D), jnp.bfloat16),
                   jax.ShapeDtypeStruct((N, D), jnp.bfloat16)),
    )(num_p, den, b1, Wl, bl, Wr, br)


def _final_body(num_ref, den_ref, b2_ref, out_ref):
    nsum = num_ref[0] + num_ref[1]
    out_ref[...] = nsum[:, :40] / den_ref[...] + b2_ref[...]


def _final(num_p, den, b2):
    grid = (N // _B,)
    return pl.pallas_call(
        _final_body,
        grid=grid,
        in_specs=[
            pl.BlockSpec((NUM_CORES, _B, D), lambda i: (0, i, 0)),
            pl.BlockSpec((_B, 1), lambda i: (i, 0)),
            pl.BlockSpec((40,), lambda i: (0,)),
        ],
        out_specs=pl.BlockSpec((_B, 40), lambda i: (i, 0)),
        out_shape=jax.ShapeDtypeStruct((N, 40), jnp.float32),
    )(num_p, den, b2)


def kernel(x, edge_index, Wl1, bl1, Wr1, br1, att1, bias1,
           Wl2, bl2, Wr2, br2, att2, bias2):
    loops = jnp.arange(N, dtype=edge_index.dtype)
    ei = jnp.concatenate(
        [edge_index, jnp.stack([loops, loops], axis=0)], axis=1)
    ei = jnp.pad(ei, ((0, 0), (0, E_PAD - E_TOT)))
    src = ei[0]
    dst = ei[1]
    z64 = jnp.zeros((NP, D), jnp.float32)
    z1 = jnp.zeros((NP,), jnp.float32)

    xl1, xr1 = _transform1(x, Wl1[IDX, :], bl1[IDX,], Wr1[IDX, :], br1[IDX,])
    np1, dp1 = _edge_pass(src, dst, xl1, xr1, att1, z64, z1)
    den1 = (dp1[0, :N] + dp1[1, :N] + 1e-16).reshape(N, 1)

    Wl2p = jnp.zeros((D, D), jnp.float32).at[:40].set(Wl2)[IDX, :]
    Wr2p = jnp.zeros((D, D), jnp.float32).at[:40].set(Wr2)[IDX, :]
    bl2p = jnp.zeros((D,), jnp.float32).at[:40].set(bl2)[IDX,]
    br2p = jnp.zeros((D,), jnp.float32).at[:40].set(br2)[IDX,]
    att2p = jnp.zeros((D,), jnp.float32).at[:40].set(att2)

    xl2, xr2 = _combine_transform(np1, den1, bias1, Wl2p, bl2p, Wr2p, br2p)
    np2, dp2 = _edge_pass(src, dst, xl2, xr2, att2p, z64, z1)
    den2 = (dp2[0, :N] + dp2[1, :N] + 1e-16).reshape(N, 1)
    out = _final(np2, den2, bias2)
    return (out, edge_index)

# --- scband reference (transcript-rebuilt; emitter-appended) ---
"""Pipeline reference for scband-gatv2-convolution-36627481100821 (READ-ONLY COPY).

The authoritative reference and input builder live on the scoring server;
editing this copy changes nothing except your own understanding.
"""

import jax, jax.numpy as jnp
import numpy as np

N = 10000
E = 320000
F_IN = 128
HID = 64
C = 40
NEG_SLOPE = 0.2


def setup_inputs(seed: int = 0) -> dict:
    key = jax.random.key(seed)
    ks = jax.random.split(key, 16)
    x = jax.random.normal(ks[0], (N, F_IN), dtype=jnp.float32)
    edge_index = jax.random.randint(ks[1], (2, E), 0, N, dtype=jnp.int32)
    s = 0.1
    Wl1 = jax.random.normal(ks[2], (HID, F_IN), dtype=jnp.float32) * s
    bl1 = jnp.zeros((HID,), dtype=jnp.float32)
    Wr1 = jax.random.normal(ks[3], (HID, F_IN), dtype=jnp.float32) * s
    br1 = jnp.zeros((HID,), dtype=jnp.float32)
    att1 = jax.random.normal(ks[4], (HID,), dtype=jnp.float32) * s
    bias1 = jnp.zeros((HID,), dtype=jnp.float32)
    Wl2 = jax.random.normal(ks[5], (C, HID), dtype=jnp.float32) * s
    bl2 = jnp.zeros((C,), dtype=jnp.float32)
    Wr2 = jax.random.normal(ks[6], (C, HID), dtype=jnp.float32) * s
    br2 = jnp.zeros((C,), dtype=jnp.float32)
    att2 = jax.random.normal(ks[7], (C,), dtype=jnp.float32) * s
    bias2 = jnp.zeros((C,), dtype=jnp.float32)
    return {"x": x, "edge_index": edge_index,
            "Wl1": Wl1, "bl1": bl1, "Wr1": Wr1, "br1": br1, "att1": att1, "bias1": bias1,
            "Wl2": Wl2, "bl2": bl2, "Wr2": Wr2, "br2": br2, "att2": att2, "bias2": bias2}


def _gatv2_conv(x, ei, Wl, bl, Wr, br, att, bias, num_nodes):
    # PyG GATv2Conv, heads=1, concat=True, add_self_loops already applied to ei
    src = ei[0]
    dst = ei[1]
    x_l = x @ Wl.T + bl  # source-side transform [N, out]
    x_r = x @ Wr.T + br  # target-side transform [N, out]
    e = x_l[src] + x_r[dst]                      # gather [E, out]
    e = jax.nn.leaky_relu(e, negative_slope=NEG_SLOPE)
    logits = (e * att).sum(axis=-1)              # [E]
    # segment softmax over destination nodes
    amax = jax.ops.segment_max(logits, dst, num_segments=num_nodes)
    amax = jnp.where(jnp.isfinite(amax), amax, 0.0)
    ex = jnp.exp(logits - amax[dst])
    denom = jax.ops.segment_sum(ex, dst, num_segments=num_nodes)
    alpha = ex / (denom[dst] + 1e-16)
    out = jax.ops.segment_sum(x_l[src] * alpha[:, None], dst, num_segments=num_nodes)
    return out + bias


def reference(x, edge_index, Wl1, bl1, Wr1, br1, att1, bias1, Wl2, bl2, Wr2, br2, att2, bias2):
    # add self loops (PyG default add_self_loops=True)
    loops = jnp.arange(N, dtype=edge_index.dtype)
    ei = jnp.concatenate([edge_index, jnp.stack([loops, loops], axis=0)], axis=1)
    h = _gatv2_conv(x, ei, Wl1, bl1, Wr1, br1, att1, bias1, N)
    h = jax.nn.relu(h)
    # F.dropout(training=self.training) -> identity in eval mode
    out = _gatv2_conv(h, ei, Wl2, bl2, Wr2, br2, att2, bias2, N)
    return (out, edge_index)

if __name__ == "__main__":
    import jax
    _d = setup_inputs()
    print(jax.jit(kernel)(*tuple(_d.values())))

</pallas_src>

<mosaic_0001>
#map = affine_map<(d0, d1) -> (0)>
#map1 = affine_map<(d0, d1) -> (0, 0)>
#map2 = affine_map<(d0, d1) -> (0, 0, 0)>
module attributes {stable_mosaic.version = 14 : i64} {
  func.func @_edge_pass_body(%arg0: i32, %arg1: i32, %arg2: memref<331776xi32, #tpu.memory_space<hbm>>, %arg3: memref<331776xi32, #tpu.memory_space<hbm>>, %arg4: memref<10000x64xbf16, #tpu.memory_space<hbm>>, %arg5: memref<10000x64xbf16, #tpu.memory_space<hbm>>, %arg6: memref<64xf32, #tpu.memory_space<hbm>>, %arg7: memref<10240x64xf32, #tpu.memory_space<hbm>>, %arg8: memref<10240xf32, #tpu.memory_space<hbm>>, %arg9: memref<2x10240x64xf32, #tpu.memory_space<hbm>>, %arg10: memref<2x10240xf32, #tpu.memory_space<hbm>>, %arg11: memref<288xi32, #tpu.memory_space<vmem>>, %arg12: memref<288xi32, #tpu.memory_space<vmem>>, %arg13: memref<288xi32, #tpu.memory_space<vmem>>, %arg14: memref<288xi32, #tpu.memory_space<vmem>>, %arg15: memref<288xi32, #tpu.memory_space<vmem>>, %arg16: memref<288xi32, #tpu.memory_space<vmem>>, %arg17: memref<288xf32, #tpu.memory_space<vmem>>, %arg18: memref<288xf32, #tpu.memory_space<vmem>>, %arg19: memref<288x64xbf16, #tpu.memory_space<vmem>>, %arg20: memref<288x64xbf16, #tpu.memory_space<vmem>>, %arg21: memref<288x64xbf16, #tpu.memory_space<vmem>>, %arg22: memref<288x64xbf16, #tpu.memory_space<vmem>>, %arg23: memref<288x64xf32, #tpu.memory_space<vmem>>, %arg24: memref<288x64xf32, #tpu.memory_space<vmem>>, %arg25: memref<64xf32, #tpu.memory_space<vmem>>, %arg26: memref<10240x64xf32, #tpu.memory_space<vmem_shared>>, %arg27: memref<10240xf32, #tpu.memory_space<vmem_shared>>, %arg28: memref<!tpu.dma_semaphore, #tpu.memory_space<semaphore_mem>>, %arg29: memref<!tpu.dma_semaphore, #tpu.memory_space<semaphore_mem>>, %arg30: memref<!tpu.dma_semaphore, #tpu.memory_space<semaphore_mem>>, %arg31: memref<!tpu.dma_semaphore, #tpu.memory_space<semaphore_mem>>) attributes {dimension_semantics = [#tpu.dimension_semantics<core_parallel>, #tpu.dimension_semantics<subcore_parallel>], iteration_bounds = array<i64: 2, 16>, scalar_prefetch = 0 : i64, scratch_operands = 21 : i64, tpu.core_type = #tpu.core_type<sc_vector_subcore>, window_params = [{transform_indices = #map}, {transform_indices = #map}, {transform_indices = #map1}, {transform_indices = #map1}, {transform_indices = #map}, {transform_indices = #map1}, {transform_indices = #map}, {transform_indices = #map2}, {transform_indices = #map1}]} {
    %mul3A = arith.constant 2 : i32
    %mul3A_0 = arith.muli %arg1, %mul3A : i32
    %add3A = arith.addi %mul3A_0, %arg0 : i32
    %mul3A_1 = arith.constant 640 : i32
    %mul3A_2 = arith.muli %arg1, %mul3A_1 : i32
    "tpu.region"() ({
      %run_scoped3A = tpu.sem_alloc : memref<!tpu.dma_semaphore, #tpu.memory_space<semaphore_mem>>
      %dma_start3A_50 = arith.constant 0 : i32
      %dma_start3A_51 = tpu.memref_slice %arg26[%mul3A_2, %dma_start3A_50] : memref<10240x64xf32, #tpu.memory_space<vmem_shared>> -> memref<640x64xf32, #tpu.memory_space<vmem_shared>>
      %dma_start3A_52 = arith.constant 0 : i32
      %dma_start3A_53 = tpu.memref_slice %arg7[%mul3A_2, %dma_start3A_52] : memref<10240x64xf32, #tpu.memory_space<hbm>> -> memref<640x64xf32, #tpu.memory_space<hbm>>
      tpu.enqueue_dma source(%dma_start3A_53 : memref<640x64xf32, #tpu.memory_space<hbm>>) target(%dma_start3A_51 : memref<640x64xf32, #tpu.memory_space<vmem_shared>>) target_semaphore(%run_scoped3A : memref<!tpu.dma_semaphore, #tpu.memory_space<semaphore_mem>>)
      %dma_wait3A_54 = arith.constant 0 : i32
      %dma_wait3A_55 = tpu.memref_slice %arg26[%mul3A_2, %dma_wait3A_54] : memref<10240x64xf32, #tpu.memory_space<vmem_shared>> -> memref<640x64xf32, #tpu.memory_space<vmem_shared>>
      %dma_wait3A_56 = arith.constant 0 : i32
      %dma_wait3A_57 = tpu.memref_slice %arg7[%mul3A_2, %dma_wait3A_56] : memref<10240x64xf32, #tpu.memory_space<hbm>> -> memref<640x64xf32, #tpu.memory_space<hbm>>
      tpu.wait_dma2 semaphore(%run_scoped3A : memref<!tpu.dma_semaphore, #tpu.memory_space<semaphore_mem>>) src(%dma_wait3A_57 : memref<640x64xf32, #tpu.memory_space<hbm>>) dst(%dma_wait3A_55 : memref<640x64xf32, #tpu.memory_space<vmem_shared>>)
      tpu.yield
    }) : () -> ()
    %eq3A = arith.constant 0 : i32
    %eq3A_3 = arith.cmpi eq, %arg1, %eq3A : i32
    %convert_element_type3A = arith.extui %eq3A_3 : i1 to i32
    %cond3A = arith.constant 0 : i32
    %cond3A_4 = arith.cmpi ne, %convert_element_type3A, %cond3A : i32
    scf.if %cond3A_4 {
      "tpu.region"() ({
        %run_scoped3A = tpu.sem_alloc : memref<!tpu.dma_semaphore, #tpu.memory_space<semaphore_mem>>
        tpu.enqueue_dma source(%arg8 : memref<10240xf32, #tpu.memory_space<hbm>>) target(%arg27 : memref<10240xf32, #tpu.memory_space<vmem_shared>>) target_semaphore(%run_scoped3A : memref<!tpu.dma_semaphore, #tpu.memory_space<semaphore_mem>>)
        tpu.wait_dma2 semaphore(%run_scoped3A : memref<!tpu.dma_semaphore, #tpu.memory_space<semaphore_mem>>) src(%arg8 : memref<10240xf32, #tpu.memory_space<hbm>>) dst(%arg27 : memref<10240xf32, #tpu.memory_space<vmem_shared>>)
        tpu.yield
      }) : () -> ()
    } else {
    }
    "tpu.region"() ({
      %run_scoped3A = tpu.sem_alloc : memref<!tpu.dma_semaphore, #tpu.memory_space<semaphore_mem>>
      tpu.enqueue_dma source(%arg6 : memref<64xf32, #tpu.memory_space<hbm>>) target(%arg25 : memref<64xf32, #tpu.memory_space<vmem>>) target_semaphore(%run_scoped3A : memref<!tpu.dma_semaphore, #tpu.memory_space<semaphore_mem>>)
      tpu.wait_dma2 semaphore(%run_scoped3A : memref<!tpu.dma_semaphore, #tpu.memory_space<semaphore_mem>>) src(%arg6 : memref<64xf32, #tpu.memory_space<hbm>>) dst(%arg25 : memref<64xf32, #tpu.memory_space<vmem>>)
      tpu.yield
    }) : () -> ()
    %get3A = arith.constant 0 : index
    %get3A_5 = tpu.vector_load %arg25[%get3A] {strides = array<i32>} : memref<64xf32, #tpu.memory_space<vmem>>, vector<16xf32>,
    %get3A_6 = arith.constant 16 : index
    %get3A_7 = tpu.vector_load %arg25[%get3A_6] {strides = array<i32>} : memref<64xf32, #tpu.memory_space<vmem>>, vector<16xf32>,
    %get3A_8 = arith.constant 32 : index
    %get3A_9 = tpu.vector_load %arg25[%get3A_8] {strides = array<i32>} : memref<64xf32, #tpu.memory_space<vmem>>, vector<16xf32>,
    %get3A_10 = arith.constant 48 : index
    %get3A_11 = tpu.vector_load %arg25[%get3A_10] {strides = array<i32>} : memref<64xf32, #tpu.memory_space<vmem>>, vector<16xf32>,
    %barrier3A = arith.constant 0 : index
    tpu.barrier barrier_id(%barrier3A)
    %mul3A_12 = arith.constant 10368 : i32
    %mul3A_13 = arith.muli %add3A, %mul3A_12 : i32
    %add3A_14 = arith.constant 0 : i32
    %add3A_15 = arith.addi %mul3A_13, %add3A_14 : i32
    "tpu.region"() ({
      %run_scoped3A = tpu.sem_alloc : memref<!tpu.dma_semaphore, #tpu.memory_space<semaphore_mem>>
      %dma_start3A_50 = tpu.memref_slice %arg2[%add3A_15] : memref<331776xi32, #tpu.memory_space<hbm>> -> memref<288xi32, #tpu.memory_space<hbm>>
      %dma_start3A_51 = tpu.memref_slice %arg2[%add3A_15] : memref<331776xi32, #tpu.memory_space<hbm>> -> memref<288xi32, #tpu.memory_space<hbm>>
      tpu.enqueue_dma source(%dma_start3A_51 : memref<288xi32, #tpu.memory_space<hbm>>) target(%arg11 : memref<288xi32, #tpu.memory_space<vmem>>) target_semaphore(%run_scoped3A : memref<!tpu.dma_semaphore, #tpu.memory_space<semaphore_mem>>)
      %dma_wait3A_52 = tpu.memref_slice %arg2[%add3A_15] : memref<331776xi32, #tpu.memory_space<hbm>> -> memref<288xi32, #tpu.memory_space<hbm>>
      %dma_wait3A_53 = tpu.memref_slice %arg2[%add3A_15] : memref<331776xi32, #tpu.memory_space<hbm>> -> memref<288xi32, #tpu.memory_space<hbm>>
      tpu.wait_dma2 semaphore(%run_scoped3A : memref<!tpu.dma_semaphore, #tpu.memory_space<semaphore_mem>>) src(%dma_wait3A_53 : memref<288xi32, #tpu.memory_space<hbm>>) dst(%arg11 : memref<288xi32, #tpu.memory_space<vmem>>)
      tpu.yield
    }) : () -> ()
    "tpu.region"() ({
      %run_scoped3A = tpu.sem_alloc : memref<!tpu.dma_semaphore, #tpu.memory_space<semaphore_mem>>
      %dma_start3A_50 = tpu.memref_slice %arg3[%add3A_15] : memref<331776xi32, #tpu.memory_space<hbm>> -> memref<288xi32, #tpu.memory_space<hbm>>
      %dma_start3A_51 = tpu.memref_slice %arg3[%add3A_15] : memref<331776xi32, #tpu.memory_space<hbm>> -> memref<288xi32, #tpu.memory_space<hbm>>
      tpu.enqueue_dma source(%dma_start3A_51 : memref<288xi32, #tpu.memory_space<hbm>>) target(%arg13 : memref<288xi32, #tpu.memory_space<vmem>>) target_semaphore(%run_scoped3A : memref<!tpu.dma_semaphore, #tpu.memory_space<semaphore_mem>>)
      %dma_wait3A_52 = tpu.memref_slice %arg3[%add3A_15] : memref<331776xi32, #tpu.memory_space<hbm>> -> memref<288xi32, #tpu.memory_space<hbm>>
      %dma_wait3A_53 = tpu.memref_slice %arg3[%add3A_15] : memref<331776xi32, #tpu.memory_space<hbm>> -> memref<288xi32, #tpu.memory_space<hbm>>
      tpu.wait_dma2 semaphore(%run_scoped3A : memref<!tpu.dma_semaphore, #tpu.memory_space<semaphore_mem>>) src(%dma_wait3A_53 : memref<288xi32, #tpu.memory_space<hbm>>) dst(%arg13 : memref<288xi32, #tpu.memory_space<vmem>>)
      tpu.yield
    }) : () -> ()
    %dma_start3A = arith.constant 0 : i32
    %dma_start3A_16 = arith.constant 0 : i32
    %dma_start3A_17 = tpu.memref_slice %arg4[%dma_start3A, %dma_start3A_16] : memref<10000x64xbf16, #tpu.memory_space<hbm>> -> memref<10000x64xbf16, #tpu.memory_space<hbm>>
    tpu.enqueue_indirect_dma source(%dma_start3A_17 : memref<10000x64xbf16, #tpu.memory_space<hbm>>) target(%arg19 : memref<288x64xbf16, #tpu.memory_space<vmem>>) offsets(%arg11 : memref<288xi32, #tpu.memory_space<vmem>>) semaphore(%arg28 : memref<!tpu.dma_semaphore, #tpu.memory_space<semaphore_mem>>)
    %dma_start3A_18 = arith.constant 0 : i32
    %dma_start3A_19 = arith.constant 0 : i32
    %dma_start3A_20 = tpu.memref_slice %arg5[%dma_start3A_18, %dma_start3A_19] : memref<10000x64xbf16, #tpu.memory_space<hbm>> -> memref<10000x64xbf16, #tpu.memory_space<hbm>>
    tpu.enqueue_indirect_dma source(%dma_start3A_20 : memref<10000x64xbf16, #tpu.memory_space<hbm>>) target(%arg21 : memref<288x64xbf16, #tpu.memory_space<vmem>>) offsets(%arg13 : memref<288xi32, #tpu.memory_space<vmem>>) semaphore(%arg28 : memref<!tpu.dma_semaphore, #tpu.memory_space<semaphore_mem>>)
    %mul3A_21 = arith.constant 10368 : i32
    %mul3A_22 = arith.muli %add3A, %mul3A_21 : i32
    %add3A_23 = arith.constant 288 : i32
    %add3A_24 = arith.addi %mul3A_22, %add3A_23 : i32
    "tpu.region"() ({
      %run_scoped3A = tpu.sem_alloc : memref<!tpu.dma_semaphore, #tpu.memory_space<semaphore_mem>>
      %dma_start3A_50 = tpu.memref_slice %arg2[%add3A_24] : memref<331776xi32, #tpu.memory_space<hbm>> -> memref<288xi32, #tpu.memory_space<hbm>>
      %dma_start3A_51 = tpu.memref_slice %arg2[%add3A_24] : memref<331776xi32, #tpu.memory_space<hbm>> -> memref<288xi32, #tpu.memory_space<hbm>>
      tpu.enqueue_dma source(%dma_start3A_51 : memref<288xi32, #tpu.memory_space<hbm>>) target(%arg12 : memref<288xi32, #tpu.memory_space<vmem>>) target_semaphore(%run_scoped3A : memref<!tpu.dma_semaphore, #tpu.memory_space<semaphore_mem>>)
      %dma_wait3A_52 = tpu.memref_slice %arg2[%add3A_24] : memref<331776xi32, #tpu.memory_space<hbm>> -> memref<288xi32, #tpu.memory_space<hbm>>
      %dma_wait3A_53 = tpu.memref_slice %arg2[%add3A_24] : memref<331776xi32, #tpu.memory_space<hbm>> -> memref<288xi32, #tpu.memory_space<hbm>>
      tpu.wait_dma2 semaphore(%run_scoped3A : memref<!tpu.dma_semaphore, #tpu.memory_space<semaphore_mem>>) src(%dma_wait3A_53 : memref<288xi32, #tpu.memory_space<hbm>>) dst(%arg12 : memref<288xi32, #tpu.memory_space<vmem>>)
      tpu.yield
    }) : () -> ()
    "tpu.region"() ({
      %run_scoped3A = tpu.sem_alloc : memref<!tpu.dma_semaphore, #tpu.memory_space<semaphore_mem>>
      %dma_start3A_50 = tpu.memref_slice %arg3[%add3A_24] : memref<331776xi32, #tpu.memory_space<hbm>> -> memref<288xi32, #tpu.memory_space<hbm>>
      %dma_start3A_51 = tpu.memref_slice %arg3[%add3A_24] : memref<331776xi32, #tpu.memory_space<hbm>> -> memref<288xi32, #tpu.memory_space<hbm>>
      tpu.enqueue_dma source(%dma_start3A_51 : memref<288xi32, #tpu.memory_space<hbm>>) target(%arg14 : memref<288xi32, #tpu.memory_space<vmem>>) target_semaphore(%run_scoped3A : memref<!tpu.dma_semaphore, #tpu.memory_space<semaphore_mem>>)
      %dma_wait3A_52 = tpu.memref_slice %arg3[%add3A_24] : memref<331776xi32, #tpu.memory_space<hbm>> -> memref<288xi32, #tpu.memory_space<hbm>>
      %dma_wait3A_53 = tpu.memref_slice %arg3[%add3A_24] : memref<331776xi32, #tpu.memory_space<hbm>> -> memref<288xi32, #tpu.memory_space<hbm>>
      tpu.wait_dma2 semaphore(%run_scoped3A : memref<!tpu.dma_semaphore, #tpu.memory_space<semaphore_mem>>) src(%dma_wait3A_53 : memref<288xi32, #tpu.memory_space<hbm>>) dst(%arg14 : memref<288xi32, #tpu.memory_space<vmem>>)
      tpu.yield
    }) : () -> ()
    %dma_start3A_25 = arith.constant 0 : i32
    %dma_start3A_26 = arith.constant 0 : i32
    %dma_start3A_27 = tpu.memref_slice %arg4[%dma_start3A_25, %dma_start3A_26] : memref<10000x64xbf16, #tpu.memory_space<hbm>> -> memref<10000x64xbf16, #tpu.memory_space<hbm>>
    tpu.enqueue_indirect_dma source(%dma_start3A_27 : memref<10000x64xbf16, #tpu.memory_space<hbm>>) target(%arg20 : memref<288x64xbf16, #tpu.memory_space<vmem>>) offsets(%arg12 : memref<288xi32, #tpu.memory_space<vmem>>) semaphore(%arg29 : memref<!tpu.dma_semaphore, #tpu.memory_space<semaphore_mem>>)
    %dma_start3A_28 = arith.constant 0 : i32
    %dma_start3A_29 = arith.constant 0 : i32
    %dma_start3A_30 = tpu.memref_slice %arg5[%dma_start3A_28, %dma_start3A_29] : memref<10000x64xbf16, #tpu.memory_space<hbm>> -> memref<10000x64xbf16, #tpu.memory_space<hbm>>
    tpu.enqueue_indirect_dma source(%dma_start3A_30 : memref<10000x64xbf16, #tpu.memory_space<hbm>>) target(%arg22 : memref<288x64xbf16, #tpu.memory_space<vmem>>) offsets(%arg14 : memref<288xi32, #tpu.memory_space<vmem>>) semaphore(%arg29 : memref<!tpu.dma_semaphore, #tpu.memory_space<semaphore_mem>>)
    %scan3A = arith.constant 0 : i32
    %scan3A_31 = arith.constant 18 : i32
    %scan3A_32 = arith.addi %scan3A, %scan3A_31 : i32
    %scan3A_33 = arith.constant 1 : i32
    scf.for %scan3A_50 = %scan3A to %scan3A_32 step %scan3A_33  : i32 {
      %mul3A_51 = arith.constant 2 : i32
      %mul3A_52 = arith.muli %scan3A_50, %mul3A_51 : i32
      %add3A_53 = arith.constant 0 : i32
      %add3A_54 = arith.addi %add3A_53, %mul3A_52 : i32
      %mul3A_55 = arith.constant 10368 : i32
      %mul3A_56 = arith.muli %add3A, %mul3A_55 : i32
      %mul3A_57 = arith.constant 288 : i32
      %mul3A_58 = arith.muli %add3A_54, %mul3A_57 : i32
      %add3A_59 = arith.addi %mul3A_56, %mul3A_58 : i32
      %dma_wait3A_60 = arith.constant 0 : i32
      %dma_wait3A_61 = arith.constant 0 : i32
      %dma_wait3A_62 = tpu.memref_slice %arg4[%dma_wait3A_60, %dma_wait3A_61] : memref<10000x64xbf16, #tpu.memory_space<hbm>> -> memref<10000x64xbf16, #tpu.memory_space<hbm>>
      tpu.wait_indirect_dma semaphore(%arg28 : memref<!tpu.dma_semaphore, #tpu.memory_space<semaphore_mem>>) src(%dma_wait3A_62 : memref<10000x64xbf16, #tpu.memory_space<hbm>>) dst(%arg19 : memref<288x64xbf16, #tpu.memory_space<vmem>>)
      %dma_wait3A_63 = arith.constant 0 : i32
      %dma_wait3A_64 = arith.constant 0 : i32
      %dma_wait3A_65 = tpu.memref_slice %arg5[%dma_wait3A_63, %dma_wait3A_64] : memref<10000x64xbf16, #tpu.memory_space<hbm>> -> memref<10000x64xbf16, #tpu.memory_space<hbm>>
      tpu.wait_indirect_dma semaphore(%arg28 : memref<!tpu.dma_semaphore, #tpu.memory_space<semaphore_mem>>) src(%dma_wait3A_65 : memref<10000x64xbf16, #tpu.memory_space<hbm>>) dst(%arg21 : memref<288x64xbf16, #tpu.memory_space<vmem>>)
      %ge3A = arith.constant 2 : i32
      %ge3A_66 = arith.cmpi sge, %add3A_54, %ge3A : i32
      %convert_element_type3A_67 = arith.extui %ge3A_66 : i1 to i32
      %cond3A_68 = arith.constant 0 : i32
      %cond3A_69 = arith.cmpi ne, %convert_element_type3A_67, %cond3A_68 : i32
      scf.if %cond3A_69 {
        %dma_wait3A_266 = arith.constant 0 : i32
        %dma_wait3A_267 = tpu.memref_slice %arg27[%dma_wait3A_266] : memref<10240xf32, #tpu.memory_space<vmem_shared>> -> memref<10240xf32, #tpu.memory_space<vmem_shared>>
        tpu.wait_indirect_dma semaphore(%arg30 : memref<!tpu.dma_semaphore, #tpu.memory_space<semaphore_mem>>) src(%arg17 : memref<288xf32, #tpu.memory_space<vmem>>) dst(%dma_wait3A_267 : memref<10240xf32, #tpu.memory_space<vmem_shared>>)
        %dma_wait3A_268 = arith.constant 0 : i32
        %dma_wait3A_269 = arith.constant 0 : i32
        %dma_wait3A_270 = tpu.memref_slice %arg26[%dma_wait3A_268, %dma_wait3A_269] : memref<10240x64xf32, #tpu.memory_space<vmem_shared>> -> memref<10240x64xf32, #tpu.memory_space<vmem_shared>>
        tpu.wait_indirect_dma semaphore(%arg30 : memref<!tpu.dma_semaphore, #tpu.memory_space<semaphore_mem>>) src(%arg23 : memref<288x64xf32, #tpu.memory_space<vmem>>) dst(%dma_wait3A_270 : memref<10240x64xf32, #tpu.memory_space<vmem_shared>>)
      } else {
      }
      %get3A_70 = arith.constant 0 : index
      %get3A_71 = tpu.vector_load %arg13[%get3A_70] {strides = array<i32>} : memref<288xi32, #tpu.memory_space<vmem>>, vector<16xi32>,
      %swap3A = arith.constant 0 : index
      %swap3A_72 = tpu.vector_load %arg15[%swap3A] {strides = array<i32>} : memref<288xi32, #tpu.memory_space<vmem>>, vector<16xi32>,
      tpu.vector_store %arg15[%swap3A], %get3A_71 {strides = array<i32>} : memref<288xi32, #tpu.memory_space<vmem>>, vector<16xi32>,
      %get3A_73 = arith.constant 16 : index
      %get3A_74 = tpu.vector_load %arg13[%get3A_73] {strides = array<i32>} : memref<288xi32, #tpu.memory_space<vmem>>, vector<16xi32>,
      %swap3A_75 = arith.constant 16 : index
      %swap3A_76 = tpu.vector_load %arg15[%swap3A_75] {strides = array<i32>} : memref<288xi32, #tpu.memory_space<vmem>>, vector<16xi32>,
      tpu.vector_store %arg15[%swap3A_75], %get3A_74 {strides = array<i32>} : memref<288xi32, #tpu.memory_space<vmem>>, vector<16xi32>,
      %get3A_77 = arith.constant 32 : index
      %get3A_78 = tpu.vector_load %arg13[%get3A_77] {strides = array<i32>} : memref<288xi32, #tpu.memory_space<vmem>>, vector<16xi32>,
      %swap3A_79 = arith.constant 32 : index
      %swap3A_80 = tpu.vector_load %arg15[%swap3A_79] {strides = array<i32>} : memref<288xi32, #tpu.memory_space<vmem>>, vector<16xi32>,
      tpu.vector_store %arg15[%swap3A_79], %get3A_78 {strides = array<i32>} : memref<288xi32, #tpu.memory_space<vmem>>, vector<16xi32>,
      %get3A_81 = arith.constant 48 : index
      %get3A_82 = tpu.vector_load %arg13[%get3A_81] {strides = array<i32>} : memref<288xi32, #tpu.memory_space<vmem>>, vector<16xi32>,
      %swap3A_83 = arith.constant 48 : index
      %swap3A_84 = tpu.vector_load %arg15[%swap3A_83] {strides = array<i32>} : memref<288xi32, #tpu.memory_space<vmem>>, vector<16xi32>,
      tpu.vector_store %arg15[%swap3A_83], %get3A_82 {strides = array<i32>} : memref<288xi32, #tpu.memory_space<vmem>>, vector<16xi32>,
      %get3A_85 = arith.constant 64 : index
      %get3A_86 = tpu.vector_load %arg13[%get3A_85] {strides = array<i32>} : memref<288xi32, #tpu.memory_space<vmem>>, vector<16xi32>,
      %swap3A_87 = arith.constant 64 : index
      %swap3A_88 = tpu.vector_load %arg15[%swap3A_87] {strides = array<i32>} : memref<288xi32, #tpu.memory_space<vmem>>, vector<16xi32>,
      tpu.vector_store %arg15[%swap3A_87], %get3A_86 {strides = array<i32>} : memref<288xi32, #tpu.memory_space<vmem>>, vector<16xi32>,
      %get3A_89 = arith.constant 80 : index
      %get3A_90 = tpu.vector_load %arg13[%get3A_89] {strides = array<i32>} : memref<288xi32, #tpu.memory_space<vmem>>, vector<16xi32>,
      %swap3A_91 = arith.constant 80 : index
      %swap3A_92 = tpu.vector_load %arg15[%swap3A_91] {strides = array<i32>} : memref<288xi32, #tpu.memory_space<vmem>>, vector<16xi32>,
      tpu.vector_store %arg15[%swap3A_91], %get3A_90 {strides = array<i32>} : memref<288xi32, #tpu.memory_space<vmem>>, vector<16xi32>,
      %get3A_93 = arith.constant 96 : index
      %get3A_94 = tpu.vector_load %arg13[%get3A_93] {strides = array<i32>} : memref<288xi32, #tpu.memory_space<vmem>>, vector<16xi32>,
      %swap3A_95 = arith.constant 96 : index
      %swap3A_96 = tpu.vector_load %arg15[%swap3A_95] {strides = array<i32>} : memref<288xi32, #tpu.memory_space<vmem>>, vector<16xi32>,
      tpu.vector_store %arg15[%swap3A_95], %get3A_94 {strides = array<i32>} : memref<288xi32, #tpu.memory_space<vmem>>, vector<16xi32>,
      %get3A_97 = arith.constant 112 : index
      %get3A_98 = tpu.vector_load %arg13[%get3A_97] {strides = array<i32>} : memref<288xi32, #tpu.memory_space<vmem>>, vector<16xi32>,
      %swap3A_99 = arith.constant 112 : index
      %swap3A_100 = tpu.vector_load %arg15[%swap3A_99] {strides = array<i32>} : memref<288xi32, #tpu.memory_space<vmem>>, vector<16xi32>,
      tpu.vector_store %arg15[%swap3A_99], %get3A_98 {strides = array<i32>} : memref<288xi32, #tpu.memory_space<vmem>>, vector<16xi32>,
      %get3A_101 = arith.constant 128 : index
      %get3A_102 = tpu.vector_load %arg13[%get3A_101] {strides = array<i32>} : memref<288xi32, #tpu.memory_space<vmem>>, vector<16xi32>,
      %swap3A_103 = arith.constant 128 : index
      %swap3A_104 = tpu.vector_load %arg15[%swap3A_103] {strides = array<i32>} : memref<288xi32, #tpu.memory_space<vmem>>, vector<16xi32>,
      tpu.vector_store %arg15[%swap3A_103], %get3A_102 {strides = array<i32>} : memref<288xi32, #tpu.memory_space<vmem>>, vector<16xi32>,
      %get3A_105 = arith.constant 144 : index
      %get3A_106 = tpu.vector_load %arg13[%get3A_105] {strides = array<i32>} : memref<288xi32, #tpu.memory_space<vmem>>, vector<16xi32>,
      %swap3A_107 = arith.constant 144 : index
      %swap3A_108 = tpu.vector_load %arg15[%swap3A_107] {strides = array<i32>} : memref<288xi32, #tpu.memory_space<vmem>>, vector<16xi32>,
      tpu.vector_store %arg15[%swap3A_107], %get3A_106 {strides = array<i32>} : memref<288xi32, #tpu.memory_space<vmem>>, vector<16xi32>,
      %get3A_109 = arith.constant 160 : index
      %get3A_110 = tpu.vector_load %arg13[%get3A_109] {strides = array<i32>} : memref<288xi32, #tpu.memory_space<vmem>>, vector<16xi32>,
      %swap3A_111 = arith.constant 160 : index
      %swap3A_112 = tpu.vector_load %arg15[%swap3A_111] {strides = array<i32>} : memref<288xi32, #tpu.memory_space<vmem>>, vector<16xi32>,
      tpu.vector_store %arg15[%swap3A_111], %get3A_110 {strides = array<i32>} : memref<288xi32, #tpu.memory_space<vmem>>, vector<16xi32>,
      %get3A_113 = arith.constant 176 : index
      %get3A_114 = tpu.vector_load %arg13[%get3A_113] {strides = array<i32>} : memref<288xi32, #tpu.memory_space<vmem>>, vector<16xi32>,
      %swap3A_115 = arith.constant 176 : index
      %swap3A_116 = tpu.vector_load %arg15[%swap3A_115] {strides = array<i32>} : memref<288xi32, #tpu.memory_space<vmem>>, vector<16xi32>,
      tpu.vector_store %arg15[%swap3A_115], %get3A_114 {strides = array<i32>} : memref<288xi32, #tpu.memory_space<vmem>>, vector<16xi32>,
      %get3A_117 = arith.constant 192 : index
      %get3A_118 = tpu.vector_load %arg13[%get3A_117] {strides = array<i32>} : memref<288xi32, #tpu.memory_space<vmem>>, vector<16xi32>,
      %swap3A_119 = arith.constant 192 : index
      %swap3A_120 = tpu.vector_load %arg15[%swap3A_119] {strides = array<i32>} : memref<288xi32, #tpu.memory_space<vmem>>, vector<16xi32>,
      tpu.vector_store %arg15[%swap3A_119], %get3A_118 {strides = array<i32>} : memref<288xi32, #tpu.memory_space<vmem>>, vector<16xi32>,
      %get3A_121 = arith.constant 208 : index
      %get3A_122 = tpu.vector_load %arg13[%get3A_121] {strides = array<i32>} : memref<288xi32, #tpu.memory_space<vmem>>, vector<16xi32>,
      %swap3A_123 = arith.constant 208 : index
      %swap3A_124 = tpu.vector_load %arg15[%swap3A_123] {strides = array<i32>} : memref<288xi32, #tpu.memory_space<vmem>>, vector<16xi32>,
      tpu.vector_store %arg15[%swap3A_123], %get3A_122 {strides = array<i32>} : memref<288xi32, #tpu.memory_space<vmem>>, vector<16xi32>,
      %get3A_125 = arith.constant 224 : index
      %get3A_126 = tpu.vector_load %arg13[%get3A_125] {strides = array<i32>} : memref<288xi32, #tpu.memory_space<vmem>>, vector<16xi32>,
      %swap3A_127 = arith.constant 224 : index
      %swap3A_128 = tpu.vector_load %arg15[%swap3A_127] {strides = array<i32>} : memref<288xi32, #tpu.memory_space<vmem>>, vector<16xi32>,
      tpu.vector_store %arg15[%swap3A_127], %get3A_126 {strides = array<i32>} : memref<288xi32, #tpu.memory_space<vmem>>, vector<16xi32>,
      %get3A_129 = arith.constant 240 : index
      %get3A_130 = tpu.vector_load %arg13[%get3A_129] {strides = array<i32>} : memref<288xi32, #tpu.memory_space<vmem>>, vector<16xi32>,
      %swap3A_131 = arith.constant 240 : index
      %swap3A_132 = tpu.vector_load %arg15[%swap3A_131] {strides = array<i32>} : memref<288xi32, #tpu.memory_space<vmem>>, vector<16xi32>,
      tpu.vector_store %arg15[%swap3A_131], %get3A_130 {strides = array<i32>} : memref<288xi32, #tpu.memory_space<vmem>>, vector<16xi32>,
      %get3A_133 = arith.constant 256 : index
      %get3A_134 = tpu.vector_load %arg13[%get3A_133] {strides = array<i32>} : memref<288xi32, #tpu.memory_space<vmem>>, vector<16xi32>,
      %swap3A_135 = arith.constant 256 : index
      %swap3A_136 = tpu.vector_load %arg15[%swap3A_135] {strides = array<i32>} : memref<288xi32, #tpu.memory_space<vmem>>, vector<16xi32>,
      tpu.vector_store %arg15[%swap3A_135], %get3A_134 {strides = array<i32>} : memref<288xi32, #tpu.memory_space<vmem>>, vector<16xi32>,
      %get3A_137 = arith.constant 272 : index
      %get3A_138 = tpu.vector_load %arg13[%get3A_137] {strides = array<i32>} : memref<288xi32, #tpu.memory_space<vmem>>, vector<16xi32>,
      %swap3A_139 = arith.constant 272 : index
      %swap3A_140 = tpu.vector_load %arg15[%swap3A_139] {strides = array<i32>} : memref<288xi32, #tpu.memory_space<vmem>>, vector<16xi32>,
      tpu.vector_store %arg15[%swap3A_139], %get3A_138 {strides = array<i32>} : memref<288xi32, #tpu.memory_space<vmem>>, vector<16xi32>,
      %iota3A = tpu.iota {dimensions = array<i32: 0>} : vector<16xi32>
      %eq3A_141 = arith.constant 0 : i32
      %eq3A_142 = vector.broadcast %eq3A_141 : i32 to vector<16xi32>
      %eq3A_143 = arith.cmpi eq, %iota3A, %eq3A_142 : vector<16xi32>
      %parallel_loop3A = arith.constant 0 : i32
      %parallel_loop3A_144 = arith.constant 288 : i32
      %parallel_loop3A_145 = arith.constant 1 : i32
      scf.for %parallel_loop3A_266 = %parallel_loop3A to %parallel_loop3A_144 step %parallel_loop3A_145  : i32 {
        %parallel_loop3A_267 = arith.index_cast %parallel_loop3A_266 : i32 to index
        %parallel_loop3A_268 = arith.constant 0 : index
        %parallel_loop3A_269 = tpu.vector_load %arg19[%parallel_loop3A_267, %parallel_loop3A_268] {strides = array<i32>} : memref<288x64xbf16, #tpu.memory_space<vmem>>, vector<32xbf16>,
        %parallel_loop3A_270 = arith.index_cast %parallel_loop3A_266 : i32 to index
        %parallel_loop3A_271 = arith.constant 0 : index
        %parallel_loop3A_272 = tpu.vector_load %arg21[%parallel_loop3A_270, %parallel_loop3A_271] {strides = array<i32>} : memref<288x64xbf16, #tpu.memory_space<vmem>>, vector<32xbf16>,
        %parallel_loop3A_273 = tpu.unpack_subelements %parallel_loop3A_269, 0 {pack_format = #tpu.pack_format<interleaved>} : vector<32xbf16> -> vector<16xf32>
        %parallel_loop3A_274 = tpu.unpack_subelements %parallel_loop3A_269, 1 {pack_format = #tpu.pack_format<interleaved>} : vector<32xbf16> -> vector<16xf32>
        %parallel_loop3A_275 = tpu.unpack_subelements %parallel_loop3A_272, 0 {pack_format = #tpu.pack_format<interleaved>} : vector<32xbf16> -> vector<16xf32>
        %parallel_loop3A_276 = tpu.unpack_subelements %parallel_loop3A_272, 1 {pack_format = #tpu.pack_format<interleaved>} : vector<32xbf16> -> vector<16xf32>
        %parallel_loop3A_277 = arith.addf %parallel_loop3A_273, %parallel_loop3A_275 : vector<16xf32>
        %parallel_loop3A_278 = arith.constant 2.000000e-01 : f32
        %parallel_loop3A_279 = vector.broadcast %parallel_loop3A_278 : f32 to vector<16xf32>
        %parallel_loop3A_280 = arith.mulf %parallel_loop3A_279, %parallel_loop3A_277 : vector<16xf32>
        %parallel_loop3A_281 = arith.maximumf %parallel_loop3A_277, %parallel_loop3A_280 : vector<16xf32>
        %parallel_loop3A_282 = arith.mulf %get3A_5, %parallel_loop3A_281 : vector<16xf32>
        %parallel_loop3A_283 = arith.addf %parallel_loop3A_274, %parallel_loop3A_276 : vector<16xf32>
        %parallel_loop3A_284 = arith.constant 2.000000e-01 : f32
        %parallel_loop3A_285 = vector.broadcast %parallel_loop3A_284 : f32 to vector<16xf32>
        %parallel_loop3A_286 = arith.mulf %parallel_loop3A_285, %parallel_loop3A_283 : vector<16xf32>
        %parallel_loop3A_287 = arith.maximumf %parallel_loop3A_283, %parallel_loop3A_286 : vector<16xf32>
        %parallel_loop3A_288 = arith.mulf %get3A_7, %parallel_loop3A_287 : vector<16xf32>
        %parallel_loop3A_289 = arith.addf %parallel_loop3A_282, %parallel_loop3A_288 : vector<16xf32>
        %parallel_loop3A_290 = arith.index_cast %parallel_loop3A_266 : i32 to index
        %parallel_loop3A_291 = arith.constant 32 : index
        %parallel_loop3A_292 = tpu.vector_load %arg19[%parallel_loop3A_290, %parallel_loop3A_291] {strides = array<i32>} : memref<288x64xbf16, #tpu.memory_space<vmem>>, vector<32xbf16>,
        %parallel_loop3A_293 = arith.index_cast %parallel_loop3A_266 : i32 to index
        %parallel_loop3A_294 = arith.constant 32 : index
        %parallel_loop3A_295 = tpu.vector_load %arg21[%parallel_loop3A_293, %parallel_loop3A_294] {strides = array<i32>} : memref<288x64xbf16, #tpu.memory_space<vmem>>, vector<32xbf16>,
        %parallel_loop3A_296 = tpu.unpack_subelements %parallel_loop3A_292, 0 {pack_format = #tpu.pack_format<interleaved>} : vector<32xbf16> -> vector<16xf32>
        %parallel_loop3A_297 = tpu.unpack_subelements %parallel_loop3A_292, 1 {pack_format = #tpu.pack_format<interleaved>} : vector<32xbf16> -> vector<16xf32>
        %parallel_loop3A_298 = tpu.unpack_subelements %parallel_loop3A_295, 0 {pack_format = #tpu.pack_format<interleaved>} : vector<32xbf16> -> vector<16xf32>
        %parallel_loop3A_299 = tpu.unpack_subelements %parallel_loop3A_295, 1 {pack_format = #tpu.pack_format<interleaved>} : vector<32xbf16> -> vector<16xf32>
        %parallel_loop3A_300 = arith.addf %parallel_loop3A_296, %parallel_loop3A_298 : vector<16xf32>
        %parallel_loop3A_301 = arith.constant 2.000000e-01 : f32
        %parallel_loop3A_302 = vector.broadcast %parallel_loop3A_301 : f32 to vector<16xf32>
        %parallel_loop3A_303 = arith.mulf %parallel_loop3A_302, %parallel_loop3A_300 : vector<16xf32>
        %parallel_loop3A_304 = arith.maximumf %parallel_loop3A_300, %parallel_loop3A_303 : vector<16xf32>
        %parallel_loop3A_305 = arith.mulf %get3A_9, %parallel_loop3A_304 : vector<16xf32>
        %parallel_loop3A_306 = arith.addf %parallel_loop3A_289, %parallel_loop3A_305 : vector<16xf32>
        %parallel_loop3A_307 = arith.addf %parallel_loop3A_297, %parallel_loop3A_299 : vector<16xf32>
        %parallel_loop3A_308 = arith.constant 2.000000e-01 : f32
        %parallel_loop3A_309 = vector.broadcast %parallel_loop3A_308 : f32 to vector<16xf32>
        %parallel_loop3A_310 = arith.mulf %parallel_loop3A_309, %parallel_loop3A_307 : vector<16xf32>
        %parallel_loop3A_311 = arith.maximumf %parallel_loop3A_307, %parallel_loop3A_310 : vector<16xf32>
        %parallel_loop3A_312 = arith.mulf %get3A_11, %parallel_loop3A_311 : vector<16xf32>
        %parallel_loop3A_313 = arith.addf %parallel_loop3A_306, %parallel_loop3A_312 : vector<16xf32>
        %parallel_loop3A_314 = arith.constant true
        %parallel_loop3A_315 = vector.broadcast %parallel_loop3A_314 : i1 to vector<16xi1>
        %parallel_loop3A_316 = tpu.scan <sum>, %parallel_loop3A_313 masked %parallel_loop3A_315 : vector<16xf32>, vector<16xi1> -> vector<16xf32>
        %parallel_loop3A_317 = vector.extract %parallel_loop3A_316[15] : f32 from vector<16xf32>
        %parallel_loop3A_318 = vector.broadcast %parallel_loop3A_317 : f32 to vector<16xf32>
        %parallel_loop3A_319 = math.exp %parallel_loop3A_318 : vector<16xf32>
        %parallel_loop3A_320 = arith.addi %add3A_59, %parallel_loop3A_266 : i32
        %parallel_loop3A_321 = arith.constant 330000 : i32
        %parallel_loop3A_322 = arith.cmpi slt, %parallel_loop3A_320, %parallel_loop3A_321 : i32
        %parallel_loop3A_323 = arith.constant 0.000000e+00 : f32
        %parallel_loop3A_324 = vector.broadcast %parallel_loop3A_323 : f32 to vector<16xf32>
        %parallel_loop3A_325 = arith.select %parallel_loop3A_322, %parallel_loop3A_319, %parallel_loop3A_324 : vector<16xf32>
        %parallel_loop3A_326 = vector.broadcast %parallel_loop3A_266 : i32 to vector<16xi32>
        tpu.vector_store_idx %arg17[%parallel_loop3A_326], %parallel_loop3A_325 masked %eq3A_143 : memref<288xf32, #tpu.memory_space<vmem>>[vector<16xi32>], vector<16xf32>, vector<16xi1>
        %parallel_loop3A_327 = arith.mulf %parallel_loop3A_273, %parallel_loop3A_325 : vector<16xf32>
        %parallel_loop3A_328 = arith.index_cast %parallel_loop3A_266 : i32 to index
        %parallel_loop3A_329 = arith.constant 0 : index
        %parallel_loop3A_330 = tpu.vector_load %arg23[%parallel_loop3A_328, %parallel_loop3A_329] {strides = array<i32>} : memref<288x64xf32, #tpu.memory_space<vmem>>, vector<16xf32>,
        tpu.vector_store %arg23[%parallel_loop3A_328, %parallel_loop3A_329], %parallel_loop3A_327 {strides = array<i32>} : memref<288x64xf32, #tpu.memory_space<vmem>>, vector<16xf32>,
        %parallel_loop3A_331 = arith.mulf %parallel_loop3A_274, %parallel_loop3A_325 : vector<16xf32>
        %parallel_loop3A_332 = arith.index_cast %parallel_loop3A_266 : i32 to index
        %parallel_loop3A_333 = arith.constant 16 : index
        %parallel_loop3A_334 = tpu.vector_load %arg23[%parallel_loop3A_332, %parallel_loop3A_333] {strides = array<i32>} : memref<288x64xf32, #tpu.memory_space<vmem>>, vector<16xf32>,
        tpu.vector_store %arg23[%parallel_loop3A_332, %parallel_loop3A_333], %parallel_loop3A_331 {strides = array<i32>} : memref<288x64xf32, #tpu.memory_space<vmem>>, vector<16xf32>,
        %parallel_loop3A_335 = arith.mulf %parallel_loop3A_296, %parallel_loop3A_325 : vector<16xf32>
        %parallel_loop3A_336 = arith.index_cast %parallel_loop3A_266 : i32 to index
        %parallel_loop3A_337 = arith.constant 32 : index
        %parallel_loop3A_338 = tpu.vector_load %arg23[%parallel_loop3A_336, %parallel_loop3A_337] {strides = array<i32>} : memref<288x64xf32, #tpu.memory_space<vmem>>, vector<16xf32>,
        tpu.vector_store %arg23[%parallel_loop3A_336, %parallel_loop3A_337], %parallel_loop3A_335 {strides = array<i32>} : memref<288x64xf32, #tpu.memory_space<vmem>>, vector<16xf32>,
        %parallel_loop3A_339 = arith.mulf %parallel_loop3A_297, %parallel_loop3A_325 : vector<16xf32>
        %parallel_loop3A_340 = arith.index_cast %parallel_loop3A_266 : i32 to index
        %parallel_loop3A_341 = arith.constant 48 : index
        %parallel_loop3A_342 = tpu.vector_load %arg23[%parallel_loop3A_340, %parallel_loop3A_341] {strides = array<i32>} : memref<288x64xf32, #tpu.memory_space<vmem>>, vector<16xf32>,
        tpu.vector_store %arg23[%parallel_loop3A_340, %parallel_loop3A_341], %parallel_loop3A_339 {strides = array<i32>} : memref<288x64xf32, #tpu.memory_space<vmem>>, vector<16xf32>,
      } {sc.loop_unroll_factor = 8 : i64, sc.parallel_access}
      %dma_start3A_146 = arith.constant 0 : i32
      %dma_start3A_147 = tpu.memref_slice %arg27[%dma_start3A_146] : memref<10240xf32, #tpu.memory_space<vmem_shared>> -> memref<10240xf32, #tpu.memory_space<vmem_shared>>
      tpu.enqueue_indirect_dma source(%arg17 : memref<288xf32, #tpu.memory_space<vmem>>) target(%dma_start3A_147 : memref<10240xf32, #tpu.memory_space<vmem_shared>>) offsets(%arg15 : memref<288xi32, #tpu.memory_space<vmem>>) semaphore(%arg30 : memref<!tpu.dma_semaphore, #tpu.memory_space<semaphore_mem>>) {add = true}
      %dma_start3A_148 = arith.constant 0 : i32
      %dma_start3A_149 = arith.constant 0 : i32
      %dma_start3A_150 = tpu.memref_slice %arg26[%dma_start3A_148, %dma_start3A_149] : memref<10240x64xf32, #tpu.memory_space<vmem_shared>> -> memref<10240x64xf32, #tpu.memory_space<vmem_shared>>
      tpu.enqueue_indirect_dma source(%arg23 : memref<288x64xf32, #tpu.memory_space<vmem>>) target(%dma_start3A_150 : memref<10240x64xf32, #tpu.memory_space<vmem_shared>>) offsets(%arg15 : memref<288xi32, #tpu.memory_space<vmem>>) semaphore(%arg30 : memref<!tpu.dma_semaphore, #tpu.memory_space<semaphore_mem>>) {add = true}
      %add3A_151 = arith.constant 2 : i32
      %add3A_152 = arith.addi %add3A_54, %add3A_151 : i32
      %lt3A = arith.constant 36 : i32
      %lt3A_153 = arith.cmpi slt, %add3A_152, %lt3A : i32
      %convert_element_type3A_154 = arith.extui %lt3A_153 : i1 to i32
      %cond3A_155 = arith.constant 0 : i32
      %cond3A_156 = arith.cmpi ne, %convert_element_type3A_154, %cond3A_155 : i32
      scf.if %cond3A_156 {
        %add3A_266 = arith.constant 2 : i32
        %add3A_267 = arith.addi %add3A_54, %add3A_266 : i32
        %mul3A_268 = arith.constant 10368 : i32
        %mul3A_269 = arith.muli %add3A, %mul3A_268 : i32
        %mul3A_270 = arith.constant 288 : i32
        %mul3A_271 = arith.muli %add3A_267, %mul3A_270 : i32
        %add3A_272 = arith.addi %mul3A_269, %mul3A_271 : i32
        "tpu.region"() ({
          %run_scoped3A = tpu.sem_alloc : memref<!tpu.dma_semaphore, #tpu.memory_space<semaphore_mem>>
          %dma_start3A_279 = tpu.memref_slice %arg2[%add3A_272] : memref<331776xi32, #tpu.memory_space<hbm>> -> memref<288xi32, #tpu.memory_space<hbm>>
          %dma_start3A_280 = tpu.memref_slice %arg2[%add3A_272] : memref<331776xi32, #tpu.memory_space<hbm>> -> memref<288xi32, #tpu.memory_space<hbm>>
          tpu.enqueue_dma source(%dma_start3A_280 : memref<288xi32, #tpu.memory_space<hbm>>) target(%arg11 : memref<288xi32, #tpu.memory_space<vmem>>) target_semaphore(%run_scoped3A : memref<!tpu.dma_semaphore, #tpu.memory_space<semaphore_mem>>)
          %dma_wait3A_281 = tpu.memref_slice %arg2[%add3A_272] : memref<331776xi32, #tpu.memory_space<hbm>> -> memref<288xi32, #tpu.memory_space<hbm>>
          %dma_wait3A_282 = tpu.memref_slice %arg2[%add3A_272] : memref<331776xi32, #tpu.memory_space<hbm>> -> memref<288xi32, #tpu.memory_space<hbm>>
          tpu.wait_dma2 semaphore(%run_scoped3A : memref<!tpu.dma_semaphore, #tpu.memory_space<semaphore_mem>>) src(%dma_wait3A_282 : memref<288xi32, #tpu.memory_space<hbm>>) dst(%arg11 : memref<288xi32, #tpu.memory_space<vmem>>)
          tpu.yield
        }) : () -> ()
        "tpu.region"() ({
          %run_scoped3A = tpu.sem_alloc : memref<!tpu.dma_semaphore, #tpu.memory_space<semaphore_mem>>
          %dma_start3A_279 = tpu.memref_slice %arg3[%add3A_272] : memref<331776xi32, #tpu.memory_space<hbm>> -> memref<288xi32, #tpu.memory_space<hbm>>
          %dma_start3A_280 = tpu.memref_slice %arg3[%add3A_272] : memref<331776xi32, #tpu.memory_space<hbm>> -> memref<288xi32, #tpu.memory_space<hbm>>
          tpu.enqueue_dma source(%dma_start3A_280 : memref<288xi32, #tpu.memory_space<hbm>>) target(%arg13 : memref<288xi32, #tpu.memory_space<vmem>>) target_semaphore(%run_scoped3A : memref<!tpu.dma_semaphore, #tpu.memory_space<semaphore_mem>>)
          %dma_wait3A_281 = tpu.memref_slice %arg3[%add3A_272] : memref<331776xi32, #tpu.memory_space<hbm>> -> memref<288xi32, #tpu.memory_space<hbm>>
          %dma_wait3A_282 = tpu.memref_slice %arg3[%add3A_272] : memref<331776xi32, #tpu.memory_space<hbm>> -> memref<288xi32, #tpu.memory_space<hbm>>
          tpu.wait_dma2 semaphore(%run_scoped3A : memref<!tpu.dma_semaphore, #tpu.memory_space<semaphore_mem>>) src(%dma_wait3A_282 : memref<288xi32, #tpu.memory_space<hbm>>) dst(%arg13 : memref<288xi32, #tpu.memory_space<vmem>>)
          tpu.yield
        }) : () -> ()
        %dma_start3A_273 = arith.constant 0 : i32
        %dma_start3A_274 = arith.constant 0 : i32
        %dma_start3A_275 = tpu.memref_slice %arg4[%dma_start3A_273, %dma_start3A_274] : memref<10000x64xbf16, #tpu.memory_space<hbm>> -> memref<10000x64xbf16, #tpu.memory_space<hbm>>
        tpu.enqueue_indirect_dma source(%dma_start3A_275 : memref<10000x64xbf16, #tpu.memory_space<hbm>>) target(%arg19 : memref<288x64xbf16, #tpu.memory_space<vmem>>) offsets(%arg11 : memref<288xi32, #tpu.memory_space<vmem>>) semaphore(%arg28 : memref<!tpu.dma_semaphore, #tpu.memory_space<semaphore_mem>>)
        %dma_start3A_276 = arith.constant 0 : i32
        %dma_start3A_277 = arith.constant 0 : i32
        %dma_start3A_278 = tpu.memref_slice %arg5[%dma_start3A_276, %dma_start3A_277] : memref<10000x64xbf16, #tpu.memory_space<hbm>> -> memref<10000x64xbf16, #tpu.memory_space<hbm>>
        tpu.enqueue_indirect_dma source(%dma_start3A_278 : memref<10000x64xbf16, #tpu.memory_space<hbm>>) target(%arg21 : memref<288x64xbf16, #tpu.memory_space<vmem>>) offsets(%arg13 : memref<288xi32, #tpu.memory_space<vmem>>) semaphore(%arg28 : memref<!tpu.dma_semaphore, #tpu.memory_space<semaphore_mem>>)
      } else {
      }
      %add3A_157 = arith.constant 1 : i32
      %add3A_158 = arith.addi %add3A_54, %add3A_157 : i32
      %mul3A_159 = arith.constant 10368 : i32
      %mul3A_160 = arith.muli %add3A, %mul3A_159 : i32
      %mul3A_161 = arith.constant 288 : i32
      %mul3A_162 = arith.muli %add3A_158, %mul3A_161 : i32
      %add3A_163 = arith.addi %mul3A_160, %mul3A_162 : i32
      %dma_wait3A_164 = arith.constant 0 : i32
      %dma_wait3A_165 = arith.constant 0 : i32
      %dma_wait3A_166 = tpu.memref_slice %arg4[%dma_wait3A_164, %dma_wait3A_165] : memref<10000x64xbf16, #tpu.memory_space<hbm>> -> memref<10000x64xbf16, #tpu.memory_space<hbm>>
      tpu.wait_indirect_dma semaphore(%arg29 : memref<!tpu.dma_semaphore, #tpu.memory_space<semaphore_mem>>) src(%dma_wait3A_166 : memref<10000x64xbf16, #tpu.memory_space<hbm>>) dst(%arg20 : memref<288x64xbf16, #tpu.memory_space<vmem>>)
      %dma_wait3A_167 = arith.constant 0 : i32
      %dma_wait3A_168 = arith.constant 0 : i32
      %dma_wait3A_169 = tpu.memref_slice %arg5[%dma_wait3A_167, %dma_wait3A_168] : memref<10000x64xbf16, #tpu.memory_space<hbm>> -> memref<10000x64xbf16, #tpu.memory_space<hbm>>
      tpu.wait_indirect_dma semaphore(%arg29 : memref<!tpu.dma_semaphore, #tpu.memory_space<semaphore_mem>>) src(%dma_wait3A_169 : memref<10000x64xbf16, #tpu.memory_space<hbm>>) dst(%arg22 : memref<288x64xbf16, #tpu.memory_space<vmem>>)
      %ge3A_170 = arith.constant 2 : i32
      %ge3A_171 = arith.cmpi sge, %add3A_158, %ge3A_170 : i32
      %convert_element_type3A_172 = arith.extui %ge3A_171 : i1 to i32
      %cond3A_173 = arith.constant 0 : i32
      %cond3A_174 = arith.cmpi ne, %convert_element_type3A_172, %cond3A_173 : i32
      scf.if %cond3A_174 {
        %dma_wait3A_266 = arith.constant 0 : i32
        %dma_wait3A_267 = tpu.memref_slice %arg27[%dma_wait3A_266] : memref<10240xf32, #tpu.memory_space<vmem_shared>> -> memref<10240xf32, #tpu.memory_space<vmem_shared>>
        tpu.wait_indirect_dma semaphore(%arg31 : memref<!tpu.dma_semaphore, #tpu.memory_space<semaphore_mem>>) src(%arg18 : memref<288xf32, #tpu.memory_space<vmem>>) dst(%dma_wait3A_267 : memref<10240xf32, #tpu.memory_space<vmem_shared>>)
        %dma_wait3A_268 = arith.constant 0 : i32
        %dma_wait3A_269 = arith.constant 0 : i32
        %dma_wait3A_270 = tpu.memref_slice %arg26[%dma_wait3A_268, %dma_wait3A_269] : memref<10240x64xf32, #tpu.memory_space<vmem_shared>> -> memref<10240x64xf32, #tpu.memory_space<vmem_shared>>
        tpu.wait_indirect_dma semaphore(%arg31 : memref<!tpu.dma_semaphore, #tpu.memory_space<semaphore_mem>>) src(%arg24 : memref<288x64xf32, #tpu.memory_space<vmem>>) dst(%dma_wait3A_270 : memref<10240x64xf32, #tpu.memory_space<vmem_shared>>)
      } else {
      }
      %get3A_175 = arith.constant 0 : index
      %get3A_176 = tpu.vector_load %arg14[%get3A_175] {strides = array<i32>} : memref<288xi32, #tpu.memory_space<vmem>>, vector<16xi32>,
      %swap3A_177 = arith.constant 0 : index
      %swap3A_178 = tpu.vector_load %arg16[%swap3A_177] {strides = array<i32>} : memref<288xi32, #tpu.memory_space<vmem>>, vector<16xi32>,
      tpu.vector_store %arg16[%swap3A_177], %get3A_176 {strides = array<i32>} : memref<288xi32, #tpu.memory_space<vmem>>, vector<16xi32>,
      %get3A_179 = arith.constant 16 : index
      %get3A_180 = tpu.vector_load %arg14[%get3A_179] {strides = array<i32>} : memref<288xi32, #tpu.memory_space<vmem>>, vector<16xi32>,
      %swap3A_181 = arith.constant 16 : index
      %swap3A_182 = tpu.vector_load %arg16[%swap3A_181] {strides = array<i32>} : memref<288xi32, #tpu.memory_space<vmem>>, vector<16xi32>,
      tpu.vector_store %arg16[%swap3A_181], %get3A_180 {strides = array<i32>} : memref<288xi32, #tpu.memory_space<vmem>>, vector<16xi32>,
      %get3A_183 = arith.constant 32 : index
      %get3A_184 = tpu.vector_load %arg14[%get3A_183] {strides = array<i32>} : memref<288xi32, #tpu.memory_space<vmem>>, vector<16xi32>,
      %swap3A_185 = arith.constant 32 : index
      %swap3A_186 = tpu.vector_load %arg16[%swap3A_185] {strides = array<i32>} : memref<288xi32, #tpu.memory_space<vmem>>, vector<16xi32>,
      tpu.vector_store %arg16[%swap3A_185], %get3A_184 {strides = array<i32>} : memref<288xi32, #tpu.memory_space<vmem>>, vector<16xi32>,
      %get3A_187 = arith.constant 48 : index
      %get3A_188 = tpu.vector_load %arg14[%get3A_187] {strides = array<i32>} : memref<288xi32, #tpu.memory_space<vmem>>, vector<16xi32>,
      %swap3A_189 = arith.constant 48 : index
      %swap3A_190 = tpu.vector_load %arg16[%swap3A_189] {strides = array<i32>} : memref<288xi32, #tpu.memory_space<vmem>>, vector<16xi32>,
      tpu.vector_store %arg16[%swap3A_189], %get3A_188 {strides = array<i32>} : memref<288xi32, #tpu.memory_space<vmem>>, vector<16xi32>,
      %get3A_191 = arith.constant 64 : index
      %get3A_192 = tpu.vector_load %arg14[%get3A_191] {strides = array<i32>} : memref<288xi32, #tpu.memory_space<vmem>>, vector<16xi32>,
      %swap3A_193 = arith.constant 64 : index
      %swap3A_194 = tpu.vector_load %arg16[%swap3A_193] {strides = array<i32>} : memref<288xi32, #tpu.memory_space<vmem>>, vector<16xi32>,
      tpu.vector_store %arg16[%swap3A_193], %get3A_192 {strides = array<i32>} : memref<288xi32, #tpu.memory_space<vmem>>, vector<16xi32>,
      %get3A_195 = arith.constant 80 : index
      %get3A_196 = tpu.vector_load %arg14[%get3A_195] {strides = array<i32>} : memref<288xi32, #tpu.memory_space<vmem>>, vector<16xi32>,
      %swap3A_197 = arith.constant 80 : index
      %swap3A_198 = tpu.vector_load %arg16[%swap3A_197] {strides = array<i32>} : memref<288xi32, #tpu.memory_space<vmem>>, vector<16xi32>,
      tpu.vector_store %arg16[%swap3A_197], %get3A_196 {strides = array<i32>} : memref<288xi32, #tpu.memory_space<vmem>>, vector<16xi32>,
      %get3A_199 = arith.constant 96 : index
      %get3A_200 = tpu.vector_load %arg14[%get3A_199] {strides = array<i32>} : memref<288xi32, #tpu.memory_space<vmem>>, vector<16xi32>,
      %swap3A_201 = arith.constant 96 : index
      %swap3A_202 = tpu.vector_load %arg16[%swap3A_201] {strides = array<i32>} : memref<288xi32, #tpu.memory_space<vmem>>, vector<16xi32>,
      tpu.vector_store %arg16[%swap3A_201], %get3A_200 {strides = array<i32>} : memref<288xi32, #tpu.memory_space<vmem>>, vector<16xi32>,
      %get3A_203 = arith.constant 112 : index
      %get3A_204 = tpu.vector_load %arg14[%get3A_203] {strides = array<i32>} : memref<288xi32, #tpu.memory_space<vmem>>, vector<16xi32>,
      %swap3A_205 = arith.constant 112 : index
      %swap3A_206 = tpu.vector_load %arg16[%swap3A_205] {strides = array<i32>} : memref<288xi32, #tpu.memory_space<vmem>>, vector<16xi32>,
      tpu.vector_store %arg16[%swap3A_205], %get3A_204 {strides = array<i32>} : memref<288xi32, #tpu.memory_space<vmem>>, vector<16xi32>,
      %get3A_207 = arith.constant 128 : index
      %get3A_208 = tpu.vector_load %arg14[%get3A_207] {strides = array<i32>} : memref<288xi32, #tpu.memory_space<vmem>>, vector<16xi32>,
      %swap3A_209 = arith.constant 128 : index
      %swap3A_210 = tpu.vector_load %arg16[%swap3A_209] {strides = array<i32>} : memref<288xi32, #tpu.memory_space<vmem>>, vector<16xi32>,
      tpu.vector_store %arg16[%swap3A_209], %get3A_208 {strides = array<i32>} : memref<288xi32, #tpu.memory_space<vmem>>, vector<16xi32>,
      %get3A_211 = arith.constant 144 : index
      %get3A_212 = tpu.vector_load %arg14[%get3A_211] {strides = array<i32>} : memref<288xi32, #tpu.memory_space<vmem>>, vector<16xi32>,
      %swap3A_213 = arith.constant 144 : index
      %swap3A_214 = tpu.vector_load %arg16[%swap3A_213] {strides = array<i32>} : memref<288xi32, #tpu.memory_space<vmem>>, vector<16xi32>,
      tpu.vector_store %arg16[%swap3A_213], %get3A_212 {strides = array<i32>} : memref<288xi32, #tpu.memory_space<vmem>>, vector<16xi32>,
      %get3A_215 = arith.constant 160 : index
      %get3A_216 = tpu.vector_load %arg14[%get3A_215] {strides = array<i32>} : memref<288xi32, #tpu.memory_space<vmem>>, vector<16xi32>,
      %swap3A_217 = arith.constant 160 : index
      %swap3A_218 = tpu.vector_load %arg16[%swap3A_217] {strides = array<i32>} : memref<288xi32, #tpu.memory_space<vmem>>, vector<16xi32>,
      tpu.vector_store %arg16[%swap3A_217], %get3A_216 {strides = array<i32>} : memref<288xi32, #tpu.memory_space<vmem>>, vector<16xi32>,
      %get3A_219 = arith.constant 176 : index
      %get3A_220 = tpu.vector_load %arg14[%get3A_219] {strides = array<i32>} : memref<288xi32, #tpu.memory_space<vmem>>, vector<16xi32>,
      %swap3A_221 = arith.constant 176 : index
      %swap3A_222 = tpu.vector_load %arg16[%swap3A_221] {strides = array<i32>} : memref<288xi32, #tpu.memory_space<vmem>>, vector<16xi32>,
      tpu.vector_store %arg16[%swap3A_221], %get3A_220 {strides = array<i32>} : memref<288xi32, #tpu.memory_space<vmem>>, vector<16xi32>,
      %get3A_223 = arith.constant 192 : index
      %get3A_224 = tpu.vector_load %arg14[%get3A_223] {strides = array<i32>} : memref<288xi32, #tpu.memory_space<vmem>>, vector<16xi32>,
      %swap3A_225 = arith.constant 192 : index
      %swap3A_226 = tpu.vector_load %arg16[%swap3A_225] {strides = array<i32>} : memref<288xi32, #tpu.memory_space<vmem>>, vector<16xi32>,
      tpu.vector_store %arg16[%swap3A_225], %get3A_224 {strides = array<i32>} : memref<288xi32, #tpu.memory_space<vmem>>, vector<16xi32>,
      %get3A_227 = arith.constant 208 : index
      %get3A_228 = tpu.vector_load %arg14[%get3A_227] {strides = array<i32>} : memref<288xi32, #tpu.memory_space<vmem>>, vector<16xi32>,
      %swap3A_229 = arith.constant 208 : index
      %swap3A_230 = tpu.vector_load %arg16[%swap3A_229] {strides = array<i32>} : memref<288xi32, #tpu.memory_space<vmem>>, vector<16xi32>,
      tpu.vector_store %arg16[%swap3A_229], %get3A_228 {strides = array<i32>} : memref<288xi32, #tpu.memory_space<vmem>>, vector<16xi32>,
      %get3A_231 = arith.constant 224 : index
      %get3A_232 = tpu.vector_load %arg14[%get3A_231] {strides = array<i32>} : memref<288xi32, #tpu.memory_space<vmem>>, vector<16xi32>,
      %swap3A_233 = arith.constant 224 : index
      %swap3A_234 = tpu.vector_load %arg16[%swap3A_233] {strides = array<i32>} : memref<288xi32, #tpu.memory_space<vmem>>, vector<16xi32>,
      tpu.vector_store %arg16[%swap3A_233], %get3A_232 {strides = array<i32>} : memref<288xi32, #tpu.memory_space<vmem>>, vector<16xi32>,
      %get3A_235 = arith.constant 240 : index
      %get3A_236 = tpu.vector_load %arg14[%get3A_235] {strides = array<i32>} : memref<288xi32, #tpu.memory_space<vmem>>, vector<16xi32>,
      %swap3A_237 = arith.constant 240 : index
      %swap3A_238 = tpu.vector_load %arg16[%swap3A_237] {strides = array<i32>} : memref<288xi32, #tpu.memory_space<vmem>>, vector<16xi32>,
      tpu.vector_store %arg16[%swap3A_237], %get3A_236 {strides = array<i32>} : memref<288xi32, #tpu.memory_space<vmem>>, vector<16xi32>,
      %get3A_239 = arith.constant 256 : index
      %get3A_240 = tpu.vector_load %arg14[%get3A_239] {strides = array<i32>} : memref<288xi32, #tpu.memory_space<vmem>>, vector<16xi32>,
      %swap3A_241 = arith.constant 256 : index
      %swap3A_242 = tpu.vector_load %arg16[%swap3A_241] {strides = array<i32>} : memref<288xi32, #tpu.memory_space<vmem>>, vector<16xi32>,
      tpu.vector_store %arg16[%swap3A_241], %get3A_240 {strides = array<i32>} : memref<288xi32, #tpu.memory_space<vmem>>, vector<16xi32>,
      %get3A_243 = arith.constant 272 : index
      %get3A_244 = tpu.vector_load %arg14[%get3A_243] {strides = array<i32>} : memref<288xi32, #tpu.memory_space<vmem>>, vector<16xi32>,
      %swap3A_245 = arith.constant 272 : index
      %swap3A_246 = tpu.vector_load %arg16[%swap3A_245] {strides = array<i32>} : memref<288xi32, #tpu.memory_space<vmem>>, vector<16xi32>,
      tpu.vector_store %arg16[%swap3A_245], %get3A_244 {strides = array<i32>} : memref<288xi32, #tpu.memory_space<vmem>>, vector<16xi32>,
      %iota3A_247 = tpu.iota {dimensions = array<i32: 0>} : vector<16xi32>
      %eq3A_248 = arith.constant 0 : i32
      %eq3A_249 = vector.broadcast %eq3A_248 : i32 to vector<16xi32>
      %eq3A_250 = arith.cmpi eq, %iota3A_247, %eq3A_249 : vector<16xi32>
      %parallel_loop3A_251 = arith.constant 0 : i32
      %parallel_loop3A_252 = arith.constant 288 : i32
      %parallel_loop3A_253 = arith.constant 1 : i32
      scf.for %parallel_loop3A_266 = %parallel_loop3A_251 to %parallel_loop3A_252 step %parallel_loop3A_253  : i32 {
        %parallel_loop3A_267 = arith.index_cast %parallel_loop3A_266 : i32 to index
        %parallel_loop3A_268 = arith.constant 0 : index
        %parallel_loop3A_269 = tpu.vector_load %arg20[%parallel_loop3A_267, %parallel_loop3A_268] {strides = array<i32>} : memref<288x64xbf16, #tpu.memory_space<vmem>>, vector<32xbf16>,
        %parallel_loop3A_270 = arith.index_cast %parallel_loop3A_266 : i32 to index
        %parallel_loop3A_271 = arith.constant 0 : index
        %parallel_loop3A_272 = tpu.vector_load %arg22[%parallel_loop3A_270, %parallel_loop3A_271] {strides = array<i32>} : memref<288x64xbf16, #tpu.memory_space<vmem>>, vector<32xbf16>,
        %parallel_loop3A_273 = tpu.unpack_subelements %parallel_loop3A_269, 0 {pack_format = #tpu.pack_format<interleaved>} : vector<32xbf16> -> vector<16xf32>
        %parallel_loop3A_274 = tpu.unpack_subelements %parallel_loop3A_269, 1 {pack_format = #tpu.pack_format<interleaved>} : vector<32xbf16> -> vector<16xf32>
        %parallel_loop3A_275 = tpu.unpack_subelements %parallel_loop3A_272, 0 {pack_format = #tpu.pack_format<interleaved>} : vector<32xbf16> -> vector<16xf32>
        %parallel_loop3A_276 = tpu.unpack_subelements %parallel_loop3A_272, 1 {pack_format = #tpu.pack_format<interleaved>} : vector<32xbf16> -> vector<16xf32>
        %parallel_loop3A_277 = arith.addf %parallel_loop3A_273, %parallel_loop3A_275 : vector<16xf32>
        %parallel_loop3A_278 = arith.constant 2.000000e-01 : f32
        %parallel_loop3A_279 = vector.broadcast %parallel_loop3A_278 : f32 to vector<16xf32>
        %parallel_loop3A_280 = arith.mulf %parallel_loop3A_279, %parallel_loop3A_277 : vector<16xf32>
        %parallel_loop3A_281 = arith.maximumf %parallel_loop3A_277, %parallel_loop3A_280 : vector<16xf32>
        %parallel_loop3A_282 = arith.mulf %get3A_5, %parallel_loop3A_281 : vector<16xf32>
        %parallel_loop3A_283 = arith.addf %parallel_loop3A_274, %parallel_loop3A_276 : vector<16xf32>
        %parallel_loop3A_284 = arith.constant 2.000000e-01 : f32
        %parallel_loop3A_285 = vector.broadcast %parallel_loop3A_284 : f32 to vector<16xf32>
        %parallel_loop3A_286 = arith.mulf %parallel_loop3A_285, %parallel_loop3A_283 : vector<16xf32>
        %parallel_loop3A_287 = arith.maximumf %parallel_loop3A_283, %parallel_loop3A_286 : vector<16xf32>
        %parallel_loop3A_288 = arith.mulf %get3A_7, %parallel_loop3A_287 : vector<16xf32>
        %parallel_loop3A_289 = arith.addf %parallel_loop3A_282, %parallel_loop3A_288 : vector<16xf32>
        %parallel_loop3A_290 = arith.index_cast %parallel_loop3A_266 : i32 to index
        %parallel_loop3A_291 = arith.constant 32 : index
        %parallel_loop3A_292 = tpu.vector_load %arg20[%parallel_loop3A_290, %parallel_loop3A_291] {strides = array<i32>} : memref<288x64xbf16, #tpu.memory_space<vmem>>, vector<32xbf16>,
        %parallel_loop3A_293 = arith.index_cast %parallel_loop3A_266 : i32 to index
        %parallel_loop3A_294 = arith.constant 32 : index
        %parallel_loop3A_295 = tpu.vector_load %arg22[%parallel_loop3A_293, %parallel_loop3A_294] {strides = array<i32>} : memref<288x64xbf16, #tpu.memory_space<vmem>>, vector<32xbf16>,
        %parallel_loop3A_296 = tpu.unpack_subelements %parallel_loop3A_292, 0 {pack_format = #tpu.pack_format<interleaved>} : vector<32xbf16> -> vector<16xf32>
        %parallel_loop3A_297 = tpu.unpack_subelements %parallel_loop3A_292, 1 {pack_format = #tpu.pack_format<interleaved>} : vector<32xbf16> -> vector<16xf32>
        %parallel_loop3A_298 = tpu.unpack_subelements %parallel_loop3A_295, 0 {pack_format = #tpu.pack_format<interleaved>} : vector<32xbf16> -> vector<16xf32>
        %parallel_loop3A_299 = tpu.unpack_subelements %parallel_loop3A_295, 1 {pack_format = #tpu.pack_format<interleaved>} : vector<32xbf16> -> vector<16xf32>
        %parallel_loop3A_300 = arith.addf %parallel_loop3A_296, %parallel_loop3A_298 : vector<16xf32>
        %parallel_loop3A_301 = arith.constant 2.000000e-01 : f32
        %parallel_loop3A_302 = vector.broadcast %parallel_loop3A_301 : f32 to vector<16xf32>
        %parallel_loop3A_303 = arith.mulf %parallel_loop3A_302, %parallel_loop3A_300 : vector<16xf32>
        %parallel_loop3A_304 = arith.maximumf %parallel_loop3A_300, %parallel_loop3A_303 : vector<16xf32>
        %parallel_loop3A_305 = arith.mulf %get3A_9, %parallel_loop3A_304 : vector<16xf32>
        %parallel_loop3A_306 = arith.addf %parallel_loop3A_289, %parallel_loop3A_305 : vector<16xf32>
        %parallel_loop3A_307 = arith.addf %parallel_loop3A_297, %parallel_loop3A_299 : vector<16xf32>
        %parallel_loop3A_308 = arith.constant 2.000000e-01 : f32
        %parallel_loop3A_309 = vector.broadcast %parallel_loop3A_308 : f32 to vector<16xf32>
        %parallel_loop3A_310 = arith.mulf %parallel_loop3A_309, %parallel_loop3A_307 : vector<16xf32>
        %parallel_loop3A_311 = arith.maximumf %parallel_loop3A_307, %parallel_loop3A_310 : vector<16xf32>
        %parallel_loop3A_312 = arith.mulf %get3A_11, %parallel_loop3A_311 : vector<16xf32>
        %parallel_loop3A_313 = arith.addf %parallel_loop3A_306, %parallel_loop3A_312 : vector<16xf32>
        %parallel_loop3A_314 = arith.constant true
        %parallel_loop3A_315 = vector.broadcast %parallel_loop3A_314 : i1 to vector<16xi1>
        %parallel_loop3A_316 = tpu.scan <sum>, %parallel_loop3A_313 masked %parallel_loop3A_315 : vector<16xf32>, vector<16xi1> -> vector<16xf32>
        %parallel_loop3A_317 = vector.extract %parallel_loop3A_316[15] : f32 from vector<16xf32>
        %parallel_loop3A_318 = vector.broadcast %parallel_loop3A_317 : f32 to vector<16xf32>
        %parallel_loop3A_319 = math.exp %parallel_loop3A_318 : vector<16xf32>
        %parallel_loop3A_320 = arith.addi %add3A_163, %parallel_loop3A_266 : i32
        %parallel_loop3A_321 = arith.constant 330000 : i32
        %parallel_loop3A_322 = arith.cmpi slt, %parallel_loop3A_320, %parallel_loop3A_321 : i32
        %parallel_loop3A_323 = arith.constant 0.000000e+00 : f32
        %parallel_loop3A_324 = vector.broadcast %parallel_loop3A_323 : f32 to vector<16xf32>
        %parallel_loop3A_325 = arith.select %parallel_loop3A_322, %parallel_loop3A_319, %parallel_loop3A_324 : vector<16xf32>
        %parallel_loop3A_326 = vector.broadcast %parallel_loop3A_266 : i32 to vector<16xi32>
        tpu.vector_store_idx %arg18[%parallel_loop3A_326], %parallel_loop3A_325 masked %eq3A_250 : memref<288xf32, #tpu.memory_space<vmem>>[vector<16xi32>], vector<16xf32>, vector<16xi1>
        %parallel_loop3A_327 = arith.mulf %parallel_loop3A_273, %parallel_loop3A_325 : vector<16xf32>
        %parallel_loop3A_328 = arith.index_cast %parallel_loop3A_266 : i32 to index
        %parallel_loop3A_329 = arith.constant 0 : index
        %parallel_loop3A_330 = tpu.vector_load %arg24[%parallel_loop3A_328, %parallel_loop3A_329] {strides = array<i32>} : memref<288x64xf32, #tpu.memory_space<vmem>>, vector<16xf32>,
        tpu.vector_store %arg24[%parallel_loop3A_328, %parallel_loop3A_329], %parallel_loop3A_327 {strides = array<i32>} : memref<288x64xf32, #tpu.memory_space<vmem>>, vector<16xf32>,
        %parallel_loop3A_331 = arith.mulf %parallel_loop3A_274, %parallel_loop3A_325 : vector<16xf32>
        %parallel_loop3A_332 = arith.index_cast %parallel_loop3A_266 : i32 to index
        %parallel_loop3A_333 = arith.constant 16 : index
        %parallel_loop3A_334 = tpu.vector_load %arg24[%parallel_loop3A_332, %parallel_loop3A_333] {strides = array<i32>} : memref<288x64xf32, #tpu.memory_space<vmem>>, vector<16xf32>,
        tpu.vector_store %arg24[%parallel_loop3A_332, %parallel_loop3A_333], %parallel_loop3A_331 {strides = array<i32>} : memref<288x64xf32, #tpu.memory_space<vmem>>, vector<16xf32>,
        %parallel_loop3A_335 = arith.mulf %parallel_loop3A_296, %parallel_loop3A_325 : vector<16xf32>
        %parallel_loop3A_336 = arith.index_cast %parallel_loop3A_266 : i32 to index
        %parallel_loop3A_337 = arith.constant 32 : index
        %parallel_loop3A_338 = tpu.vector_load %arg24[%parallel_loop3A_336, %parallel_loop3A_337] {strides = array<i32>} : memref<288x64xf32, #tpu.memory_space<vmem>>, vector<16xf32>,
        tpu.vector_store %arg24[%parallel_loop3A_336, %parallel_loop3A_337], %parallel_loop3A_335 {strides = array<i32>} : memref<288x64xf32, #tpu.memory_space<vmem>>, vector<16xf32>,
        %parallel_loop3A_339 = arith.mulf %parallel_loop3A_297, %parallel_loop3A_325 : vector<16xf32>
        %parallel_loop3A_340 = arith.index_cast %parallel_loop3A_266 : i32 to index
        %parallel_loop3A_341 = arith.constant 48 : index
        %parallel_loop3A_342 = tpu.vector_load %arg24[%parallel_loop3A_340, %parallel_loop3A_341] {strides = array<i32>} : memref<288x64xf32, #tpu.memory_space<vmem>>, vector<16xf32>,
        tpu.vector_store %arg24[%parallel_loop3A_340, %parallel_loop3A_341], %parallel_loop3A_339 {strides = array<i32>} : memref<288x64xf32, #tpu.memory_space<vmem>>, vector<16xf32>,
      } {sc.loop_unroll_factor = 8 : i64, sc.parallel_access}
      %dma_start3A_254 = arith.constant 0 : i32
      %dma_start3A_255 = tpu.memref_slice %arg27[%dma_start3A_254] : memref<10240xf32, #tpu.memory_space<vmem_shared>> -> memref<10240xf32, #tpu.memory_space<vmem_shared>>
      tpu.enqueue_indirect_dma source(%arg18 : memref<288xf32, #tpu.memory_space<vmem>>) target(%dma_start3A_255 : memref<10240xf32, #tpu.memory_space<vmem_shared>>) offsets(%arg16 : memref<288xi32, #tpu.memory_space<vmem>>) semaphore(%arg31 : memref<!tpu.dma_semaphore, #tpu.memory_space<semaphore_mem>>) {add = true}
      %dma_start3A_256 = arith.constant 0 : i32
      %dma_start3A_257 = arith.constant 0 : i32
      %dma_start3A_258 = tpu.memref_slice %arg26[%dma_start3A_256, %dma_start3A_257] : memref<10240x64xf32, #tpu.memory_space<vmem_shared>> -> memref<10240x64xf32, #tpu.memory_space<vmem_shared>>
      tpu.enqueue_indirect_dma source(%arg24 : memref<288x64xf32, #tpu.memory_space<vmem>>) target(%dma_start3A_258 : memref<10240x64xf32, #tpu.memory_space<vmem_shared>>) offsets(%arg16 : memref<288xi32, #tpu.memory_space<vmem>>) semaphore(%arg31 : memref<!tpu.dma_semaphore, #tpu.memory_space<semaphore_mem>>) {add = true}
      %add3A_259 = arith.constant 2 : i32
      %add3A_260 = arith.addi %add3A_158, %add3A_259 : i32
      %lt3A_261 = arith.constant 36 : i32
      %lt3A_262 = arith.cmpi slt, %add3A_260, %lt3A_261 : i32
      %convert_element_type3A_263 = arith.extui %lt3A_262 : i1 to i32
      %cond3A_264 = arith.constant 0 : i32
      %cond3A_265 = arith.cmpi ne, %convert_element_type3A_263, %cond3A_264 : i32
      scf.if %cond3A_265 {
        %add3A_266 = arith.constant 2 : i32
        %add3A_267 = arith.addi %add3A_158, %add3A_266 : i32
        %mul3A_268 = arith.constant 10368 : i32
        %mul3A_269 = arith.muli %add3A, %mul3A_268 : i32
        %mul3A_270 = arith.constant 288 : i32
        %mul3A_271 = arith.muli %add3A_267, %mul3A_270 : i32
        %add3A_272 = arith.addi %mul3A_269, %mul3A_271 : i32
        "tpu.region"() ({
          %run_scoped3A = tpu.sem_alloc : memref<!tpu.dma_semaphore, #tpu.memory_space<semaphore_mem>>
          %dma_start3A_279 = tpu.memref_slice %arg2[%add3A_272] : memref<331776xi32, #tpu.memory_space<hbm>> -> memref<288xi32, #tpu.memory_space<hbm>>
          %dma_start3A_280 = tpu.memref_slice %arg2[%add3A_272] : memref<331776xi32, #tpu.memory_space<hbm>> -> memref<288xi32, #tpu.memory_space<hbm>>
          tpu.enqueue_dma source(%dma_start3A_280 : memref<288xi32, #tpu.memory_space<hbm>>) target(%arg12 : memref<288xi32, #tpu.memory_space<vmem>>) target_semaphore(%run_scoped3A : memref<!tpu.dma_semaphore, #tpu.memory_space<semaphore_mem>>)
          %dma_wait3A_281 = tpu.memref_slice %arg2[%add3A_272] : memref<331776xi32, #tpu.memory_space<hbm>> -> memref<288xi32, #tpu.memory_space<hbm>>
          %dma_wait3A_282 = tpu.memref_slice %arg2[%add3A_272] : memref<331776xi32, #tpu.memory_space<hbm>> -> memref<288xi32, #tpu.memory_space<hbm>>
          tpu.wait_dma2 semaphore(%run_scoped3A : memref<!tpu.dma_semaphore, #tpu.memory_space<semaphore_mem>>) src(%dma_wait3A_282 : memref<288xi32, #tpu.memory_space<hbm>>) dst(%arg12 : memref<288xi32, #tpu.memory_space<vmem>>)
          tpu.yield
        }) : () -> ()
        "tpu.region"() ({
          %run_scoped3A = tpu.sem_alloc : memref<!tpu.dma_semaphore, #tpu.memory_space<semaphore_mem>>
          %dma_start3A_279 = tpu.memref_slice %arg3[%add3A_272] : memref<331776xi32, #tpu.memory_space<hbm>> -> memref<288xi32, #tpu.memory_space<hbm>>
          %dma_start3A_280 = tpu.memref_slice %arg3[%add3A_272] : memref<331776xi32, #tpu.memory_space<hbm>> -> memref<288xi32, #tpu.memory_space<hbm>>
          tpu.enqueue_dma source(%dma_start3A_280 : memref<288xi32, #tpu.memory_space<hbm>>) target(%arg14 : memref<288xi32, #tpu.memory_space<vmem>>) target_semaphore(%run_scoped3A : memref<!tpu.dma_semaphore, #tpu.memory_space<semaphore_mem>>)
          %dma_wait3A_281 = tpu.memref_slice %arg3[%add3A_272] : memref<331776xi32, #tpu.memory_space<hbm>> -> memref<288xi32, #tpu.memory_space<hbm>>
          %dma_wait3A_282 = tpu.memref_slice %arg3[%add3A_272] : memref<331776xi32, #tpu.memory_space<hbm>> -> memref<288xi32, #tpu.memory_space<hbm>>
          tpu.wait_dma2 semaphore(%run_scoped3A : memref<!tpu.dma_semaphore, #tpu.memory_space<semaphore_mem>>) src(%dma_wait3A_282 : memref<288xi32, #tpu.memory_space<hbm>>) dst(%arg14 : memref<288xi32, #tpu.memory_space<vmem>>)
          tpu.yield
        }) : () -> ()
        %dma_start3A_273 = arith.constant 0 : i32
        %dma_start3A_274 = arith.constant 0 : i32
        %dma_start3A_275 = tpu.memref_slice %arg4[%dma_start3A_273, %dma_start3A_274] : memref<10000x64xbf16, #tpu.memory_space<hbm>> -> memref<10000x64xbf16, #tpu.memory_space<hbm>>
        tpu.enqueue_indirect_dma source(%dma_start3A_275 : memref<10000x64xbf16, #tpu.memory_space<hbm>>) target(%arg20 : memref<288x64xbf16, #tpu.memory_space<vmem>>) offsets(%arg12 : memref<288xi32, #tpu.memory_space<vmem>>) semaphore(%arg29 : memref<!tpu.dma_semaphore, #tpu.memory_space<semaphore_mem>>)
        %dma_start3A_276 = arith.constant 0 : i32
        %dma_start3A_277 = arith.constant 0 : i32
        %dma_start3A_278 = tpu.memref_slice %arg5[%dma_start3A_276, %dma_start3A_277] : memref<10000x64xbf16, #tpu.memory_space<hbm>> -> memref<10000x64xbf16, #tpu.memory_space<hbm>>
        tpu.enqueue_indirect_dma source(%dma_start3A_278 : memref<10000x64xbf16, #tpu.memory_space<hbm>>) target(%arg22 : memref<288x64xbf16, #tpu.memory_space<vmem>>) offsets(%arg14 : memref<288xi32, #tpu.memory_space<vmem>>) semaphore(%arg29 : memref<!tpu.dma_semaphore, #tpu.memory_space<semaphore_mem>>)
      } else {
      }
    }
    %scan3A_34 = arith.constant 18 : i32
    %dma_wait3A = arith.constant 0 : i32
    %dma_wait3A_35 = tpu.memref_slice %arg27[%dma_wait3A] : memref<10240xf32, #tpu.memory_space<vmem_shared>> -> memref<10240xf32, #tpu.memory_space<vmem_shared>>
    tpu.wait_indirect_dma semaphore(%arg30 : memref<!tpu.dma_semaphore, #tpu.memory_space<semaphore_mem>>) src(%arg17 : memref<288xf32, #tpu.memory_space<vmem>>) dst(%dma_wait3A_35 : memref<10240xf32, #tpu.memory_space<vmem_shared>>)
    %dma_wait3A_36 = arith.constant 0 : i32
    %dma_wait3A_37 = arith.constant 0 : i32
    %dma_wait3A_38 = tpu.memref_slice %arg26[%dma_wait3A_36, %dma_wait3A_37] : memref<10240x64xf32, #tpu.memory_space<vmem_shared>> -> memref<10240x64xf32, #tpu.memory_space<vmem_shared>>
    tpu.wait_indirect_dma semaphore(%arg30 : memref<!tpu.dma_semaphore, #tpu.memory_space<semaphore_mem>>) src(%arg23 : memref<288x64xf32, #tpu.memory_space<vmem>>) dst(%dma_wait3A_38 : memref<10240x64xf32, #tpu.memory_space<vmem_shared>>)
    %dma_wait3A_39 = arith.constant 0 : i32
    %dma_wait3A_40 = tpu.memref_slice %arg27[%dma_wait3A_39] : memref<10240xf32, #tpu.memory_space<vmem_shared>> -> memref<10240xf32, #tpu.memory_space<vmem_shared>>
    tpu.wait_indirect_dma semaphore(%arg31 : memref<!tpu.dma_semaphore, #tpu.memory_space<semaphore_mem>>) src(%arg18 : memref<288xf32, #tpu.memory_space<vmem>>) dst(%dma_wait3A_40 : memref<10240xf32, #tpu.memory_space<vmem_shared>>)
    %dma_wait3A_41 = arith.constant 0 : i32
    %dma_wait3A_42 = arith.constant 0 : i32
    %dma_wait3A_43 = tpu.memref_slice %arg26[%dma_wait3A_41, %dma_wait3A_42] : memref<10240x64xf32, #tpu.memory_space<vmem_shared>> -> memref<10240x64xf32, #tpu.memory_space<vmem_shared>>
    tpu.wait_indirect_dma semaphore(%arg31 : memref<!tpu.dma_semaphore, #tpu.memory_space<semaphore_mem>>) src(%arg24 : memref<288x64xf32, #tpu.memory_space<vmem>>) dst(%dma_wait3A_43 : memref<10240x64xf32, #tpu.memory_space<vmem_shared>>)
    %barrier3A_44 = arith.constant 0 : index
    tpu.barrier barrier_id(%barrier3A_44)
    "tpu.region"() ({
      %run_scoped3A = tpu.sem_alloc : memref<!tpu.dma_semaphore, #tpu.memory_space<semaphore_mem>>
      %dma_start3A_50 = arith.constant 0 : i32
      %dma_start3A_51 = arith.constant 0 : i32
      %dma_start3A_52 = tpu.memref_slice %arg9[%arg0, %dma_start3A_50, %dma_start3A_51] : memref<2x10240x64xf32, #tpu.memory_space<hbm>> -> memref<1x10240x64xf32, #tpu.memory_space<hbm>>
      %dma_start3A_53 = tpu.memref_squeeze %dma_start3A_52 : memref<1x10240x64xf32, #tpu.memory_space<hbm>> -> memref<10240x64xf32, #tpu.memory_space<hbm>>
      %dma_start3A_54 = arith.constant 0 : i32
      %dma_start3A_55 = tpu.memref_slice %dma_start3A_53[%mul3A_2, %dma_start3A_54] : memref<10240x64xf32, #tpu.memory_space<hbm>> -> memref<640x64xf32, #tpu.memory_space<hbm>>
      %dma_start3A_56 = arith.constant 0 : i32
      %dma_start3A_57 = tpu.memref_slice %arg26[%mul3A_2, %dma_start3A_56] : memref<10240x64xf32, #tpu.memory_space<vmem_shared>> -> memref<640x64xf32, #tpu.memory_space<vmem_shared>>
      tpu.enqueue_dma source(%dma_start3A_57 : memref<640x64xf32, #tpu.memory_space<vmem_shared>>) target(%dma_start3A_55 : memref<640x64xf32, #tpu.memory_space<hbm>>) target_semaphore(%run_scoped3A : memref<!tpu.dma_semaphore, #tpu.memory_space<semaphore_mem>>)
      %dma_wait3A_58 = arith.constant 0 : i32
      %dma_wait3A_59 = arith.constant 0 : i32
      %dma_wait3A_60 = tpu.memref_slice %arg9[%arg0, %dma_wait3A_58, %dma_wait3A_59] : memref<2x10240x64xf32, #tpu.memory_space<hbm>> -> memref<1x10240x64xf32, #tpu.memory_space<hbm>>
      %dma_wait3A_61 = tpu.memref_squeeze %dma_wait3A_60 : memref<1x10240x64xf32, #tpu.memory_space<hbm>> -> memref<10240x64xf32, #tpu.memory_space<hbm>>
      %dma_wait3A_62 = arith.constant 0 : i32
      %dma_wait3A_63 = tpu.memref_slice %dma_wait3A_61[%mul3A_2, %dma_wait3A_62] : memref<10240x64xf32, #tpu.memory_space<hbm>> -> memref<640x64xf32, #tpu.memory_space<hbm>>
      %dma_wait3A_64 = arith.constant 0 : i32
      %dma_wait3A_65 = tpu.memref_slice %arg26[%mul3A_2, %dma_wait3A_64] : memref<10240x64xf32, #tpu.memory_space<vmem_shared>> -> memref<640x64xf32, #tpu.memory_space<vmem_shared>>
      tpu.wait_dma2 semaphore(%run_scoped3A : memref<!tpu.dma_semaphore, #tpu.memory_space<semaphore_mem>>) src(%dma_wait3A_65 : memref<640x64xf32, #tpu.memory_space<vmem_shared>>) dst(%dma_wait3A_63 : memref<640x64xf32, #tpu.memory_space<hbm>>)
      tpu.yield
    }) : () -> ()
    %eq3A_45 = arith.constant 0 : i32
    %eq3A_46 = arith.cmpi eq, %arg1, %eq3A_45 : i32
    %convert_element_type3A_47 = arith.extui %eq3A_46 : i1 to i32
    %cond3A_48 = arith.constant 0 : i32
    %cond3A_49 = arith.cmpi ne, %convert_element_type3A_47, %cond3A_48 : i32
    scf.if %cond3A_49 {
      "tpu.region"() ({
        %run_scoped3A = tpu.sem_alloc : memref<!tpu.dma_semaphore, #tpu.memory_space<semaphore_mem>>
        %dma_start3A_50 = arith.constant 0 : i32
        %dma_start3A_51 = tpu.memref_slice %arg10[%arg0, %dma_start3A_50] : memref<2x10240xf32, #tpu.memory_space<hbm>> -> memref<1x10240xf32, #tpu.memory_space<hbm>>
        %dma_start3A_52 = tpu.memref_squeeze %dma_start3A_51 : memref<1x10240xf32, #tpu.memory_space<hbm>> -> memref<10240xf32, #tpu.memory_space<hbm>>
        tpu.enqueue_dma source(%arg27 : memref<10240xf32, #tpu.memory_space<vmem_shared>>) target(%dma_start3A_52 : memref<10240xf32, #tpu.memory_space<hbm>>) target_semaphore(%run_scoped3A : memref<!tpu.dma_semaphore, #tpu.memory_space<semaphore_mem>>)
        %dma_wait3A_53 = arith.constant 0 : i32
        %dma_wait3A_54 = tpu.memref_slice %arg10[%arg0, %dma_wait3A_53] : memref<2x10240xf32, #tpu.memory_space<hbm>> -> memref<1x10240xf32, #tpu.memory_space<hbm>>
        %dma_wait3A_55 = tpu.memref_squeeze %dma_wait3A_54 : memref<1x10240xf32, #tpu.memory_space<hbm>> -> memref<10240xf32, #tpu.memory_space<hbm>>
        tpu.wait_dma2 semaphore(%run_scoped3A : memref<!tpu.dma_semaphore, #tpu.memory_space<semaphore_mem>>) src(%arg27 : memref<10240xf32, #tpu.memory_space<vmem_shared>>) dst(%dma_wait3A_55 : memref<10240xf32, #tpu.memory_space<hbm>>)
        tpu.yield
      }) : () -> ()
    } else {
    }
    return
  }
}

#map = affine_map<(d0, d1) -> (0)>
#map1 = affine_map<(d0, d1) -> (0, 0)>
#map2 = affine_map<(d0, d1) -> (0, 0, 0)>
module attributes {stable_mosaic.version = 14 : i64} {
  func.func @_edge_pass_body(%arg0: i32, %arg1: i32, %arg2: memref<331776xi32, #tpu.memory_space<hbm>>, %arg3: memref<331776xi32, #tpu.memory_space<hbm>>, %arg4: memref<10000x64xbf16, #tpu.memory_space<hbm>>, %arg5: memref<10000x64xbf16, #tpu.memory_space<hbm>>, %arg6: memref<64xf32, #tpu.memory_space<hbm>>, %arg7: memref<10240x64xf32, #tpu.memory_space<hbm>>, %arg8: memref<10240xf32, #tpu.memory_space<hbm>>, %arg9: memref<2x10240x64xf32, #tpu.memory_space<hbm>>, %arg10: memref<2x10240xf32, #tpu.memory_space<hbm>>, %arg11: memref<288xi32, #tpu.memory_space<vmem>>, %arg12: memref<288xi32, #tpu.memory_space<vmem>>, %arg13: memref<288xi32, #tpu.memory_space<vmem>>, %arg14: memref<288xi32, #tpu.memory_space<vmem>>, %arg15: memref<288xi32, #tpu.memory_space<vmem>>, %arg16: memref<288xi32, #tpu.memory_space<vmem>>, %arg17: memref<288xf32, #tpu.memory_space<vmem>>, %arg18: memref<288xf32, #tpu.memory_space<vmem>>, %arg19: memref<288x64xbf16, #tpu.memory_space<vmem>>, %arg20: memref<288x64xbf16, #tpu.memory_space<vmem>>, %arg21: memref<288x64xbf16, #tpu.memory_space<vmem>>, %arg22: memref<288x64xbf16, #tpu.memory_space<vmem>>, %arg23: memref<288x64xf32, #tpu.memory_space<vmem>>, %arg24: memref<288x64xf32, #tpu.memory_space<vmem>>, %arg25: memref<64xf32, #tpu.memory_space<vmem>>, %arg26: memref<10240x64xf32, #tpu.memory_space<vmem_shared>>, %arg27: memref<10240xf32, #tpu.memory_space<vmem_shared>>, %arg28: memref<!tpu.dma_semaphore, #tpu.memory_space<semaphore_mem>>, %arg29: memref<!tpu.dma_semaphore, #tpu.memory_space<semaphore_mem>>, %arg30: memref<!tpu.dma_semaphore, #tpu.memory_space<semaphore_mem>>, %arg31: memref<!tpu.dma_semaphore, #tpu.memory_space<semaphore_mem>>) attributes {dimension_semantics = [#tpu.dimension_semantics<core_parallel>, #tpu.dimension_semantics<subcore_parallel>], iteration_bounds = array<i64: 2, 16>, scalar_prefetch = 0 : i64, scratch_operands = 21 : i64, tpu.core_type = #tpu.core_type<sc_vector_subcore>, window_params = [{transform_indices = #map}, {transform_indices = #map}, {transform_indices = #map1}, {transform_indices = #map1}, {transform_indices = #map}, {transform_indices = #map1}, {transform_indices = #map}, {transform_indices = #map2}, {transform_indices = #map1}]} {
    %mul3A = arith.constant 2 : i32
    %mul3A_0 = arith.muli %arg1, %mul3A : i32
    %add3A = arith.addi %mul3A_0, %arg0 : i32
    %mul3A_1 = arith.constant 640 : i32
    %mul3A_2 = arith.muli %arg1, %mul3A_1 : i32
    "tpu.region"() ({
      %run_scoped3A = tpu.sem_alloc : memref<!tpu.dma_semaphore, #tpu.memory_space<semaphore_mem>>
      %dma_start3A_50 = arith.constant 0 : i32
      %dma_start3A_51 = tpu.memref_slice %arg26[%mul3A_2, %dma_start3A_50] : memref<10240x64xf32, #tpu.memory_space<vmem_shared>> -> memref<640x64xf32, #tpu.memory_space<vmem_shared>>
      %dma_start3A_52 = arith.constant 0 : i32
      %dma_start3A_53 = tpu.memref_slice %arg7[%mul3A_2, %dma_start3A_52] : memref<10240x64xf32, #tpu.memory_space<hbm>> -> memref<640x64xf32, #tpu.memory_space<hbm>>
      tpu.enqueue_dma source(%dma_start3A_53 : memref<640x64xf32, #tpu.memory_space<hbm>>) target(%dma_start3A_51 : memref<640x64xf32, #tpu.memory_space<vmem_shared>>) target_semaphore(%run_scoped3A : memref<!tpu.dma_semaphore, #tpu.memory_space<semaphore_mem>>)
      %dma_wait3A_54 = arith.constant 0 : i32
      %dma_wait3A_55 = tpu.memref_slice %arg26[%mul3A_2, %dma_wait3A_54] : memref<10240x64xf32, #tpu.memory_space<vmem_shared>> -> memref<640x64xf32, #tpu.memory_space<vmem_shared>>
      %dma_wait3A_56 = arith.constant 0 : i32
      %dma_wait3A_57 = tpu.memref_slice %arg7[%mul3A_2, %dma_wait3A_56] : memref<10240x64xf32, #tpu.memory_space<hbm>> -> memref<640x64xf32, #tpu.memory_space<hbm>>
      tpu.wait_dma2 semaphore(%run_scoped3A : memref<!tpu.dma_semaphore, #tpu.memory_space<semaphore_mem>>) src(%dma_wait3A_57 : memref<640x64xf32, #tpu.memory_space<hbm>>) dst(%dma_wait3A_55 : memref<640x64xf32, #tpu.memory_space<vmem_shared>>)
      tpu.yield
    }) : () -> ()
    %eq3A = arith.constant 0 : i32
    %eq3A_3 = arith.cmpi eq, %arg1, %eq3A : i32
    %convert_element_type3A = arith.extui %eq3A_3 : i1 to i32
    %cond3A = arith.constant 0 : i32
    %cond3A_4 = arith.cmpi ne, %convert_element_type3A, %cond3A : i32
    scf.if %cond3A_4 {
      "tpu.region"() ({
        %run_scoped3A = tpu.sem_alloc : memref<!tpu.dma_semaphore, #tpu.memory_space<semaphore_mem>>
        tpu.enqueue_dma source(%arg8 : memref<10240xf32, #tpu.memory_space<hbm>>) target(%arg27 : memref<10240xf32, #tpu.memory_space<vmem_shared>>) target_semaphore(%run_scoped3A : memref<!tpu.dma_semaphore, #tpu.memory_space<semaphore_mem>>)
        tpu.wait_dma2 semaphore(%run_scoped3A : memref<!tpu.dma_semaphore, #tpu.memory_space<semaphore_mem>>) src(%arg8 : memref<10240xf32, #tpu.memory_space<hbm>>) dst(%arg27 : memref<10240xf32, #tpu.memory_space<vmem_shared>>)
        tpu.yield
      }) : () -> ()
    } else {
    }
    "tpu.region"() ({
      %run_scoped3A = tpu.sem_alloc : memref<!tpu.dma_semaphore, #tpu.memory_space<semaphore_mem>>
      tpu.enqueue_dma source(%arg6 : memref<64xf32, #tpu.memory_space<hbm>>) target(%arg25 : memref<64xf32, #tpu.memory_space<vmem>>) target_semaphore(%run_scoped3A : memref<!tpu.dma_semaphore, #tpu.memory_space<semaphore_mem>>)
      tpu.wait_dma2 semaphore(%run_scoped3A : memref<!tpu.dma_semaphore, #tpu.memory_space<semaphore_mem>>) src(%arg6 : memref<64xf32, #tpu.memory_space<hbm>>) dst(%arg25 : memref<64xf32, #tpu.memory_space<vmem>>)
      tpu.yield
    }) : () -> ()
    %get3A = arith.constant 0 : index
    %get3A_5 = tpu.vector_load %arg25[%get3A] {strides = array<i32>} : memref<64xf32, #tpu.memory_space<vmem>>, vector<16xf32>,
    %get3A_6 = arith.constant 16 : index
    %get3A_7 = tpu.vector_load %arg25[%get3A_6] {strides = array<i32>} : memref<64xf32, #tpu.memory_space<vmem>>, vector<16xf32>,
    %get3A_8 = arith.constant 32 : index
    %get3A_9 = tpu.vector_load %arg25[%get3A_8] {strides = array<i32>} : memref<64xf32, #tpu.memory_space<vmem>>, vector<16xf32>,
    %get3A_10 = arith.constant 48 : index
    %get3A_11 = tpu.vector_load %arg25[%get3A_10] {strides = array<i32>} : memref<64xf32, #tpu.memory_space<vmem>>, vector<16xf32>,
    %barrier3A = arith.constant 0 : index
    tpu.barrier barrier_id(%barrier3A)
    %mul3A_12 = arith.constant 10368 : i32
    %mul3A_13 = arith.muli %add3A, %mul3A_12 : i32
    %add3A_14 = arith.constant 0 : i32
    %add3A_15 = arith.addi %mul3A_13, %add3A_14 : i32
    "tpu.region"() ({
      %run_scoped3A = tpu.sem_alloc : memref<!tpu.dma_semaphore, #tpu.memory_space<semaphore_mem>>
      %dma_start3A_50 = tpu.memref_slice %arg2[%add3A_15] : memref<331776xi32, #tpu.memory_space<hbm>> -> memref<288xi32, #tpu.memory_space<hbm>>
      %dma_start3A_51 = tpu.memref_slice %arg2[%add3A_15] : memref<331776xi32, #tpu.memory_space<hbm>> -> memref<288xi32, #tpu.memory_space<hbm>>
      tpu.enqueue_dma source(%dma_start3A_51 : memref<288xi32, #tpu.memory_space<hbm>>) target(%arg11 : memref<288xi32, #tpu.memory_space<vmem>>) target_semaphore(%run_scoped3A : memref<!tpu.dma_semaphore, #tpu.memory_space<semaphore_mem>>)
      %dma_wait3A_52 = tpu.memref_slice %arg2[%add3A_15] : memref<331776xi32, #tpu.memory_space<hbm>> -> memref<288xi32, #tpu.memory_space<hbm>>
      %dma_wait3A_53 = tpu.memref_slice %arg2[%add3A_15] : memref<331776xi32, #tpu.memory_space<hbm>> -> memref<288xi32, #tpu.memory_space<hbm>>
      tpu.wait_dma2 semaphore(%run_scoped3A : memref<!tpu.dma_semaphore, #tpu.memory_space<semaphore_mem>>) src(%dma_wait3A_53 : memref<288xi32, #tpu.memory_space<hbm>>) dst(%arg11 : memref<288xi32, #tpu.memory_space<vmem>>)
      tpu.yield
    }) : () -> ()
    "tpu.region"() ({
      %run_scoped3A = tpu.sem_alloc : memref<!tpu.dma_semaphore, #tpu.memory_space<semaphore_mem>>
      %dma_start3A_50 = tpu.memref_slice %arg3[%add3A_15] : memref<331776xi32, #tpu.memory_space<hbm>> -> memref<288xi32, #tpu.memory_space<hbm>>
      %dma_start3A_51 = tpu.memref_slice %arg3[%add3A_15] : memref<331776xi32, #tpu.memory_space<hbm>> -> memref<288xi32, #tpu.memory_space<hbm>>
      tpu.enqueue_dma source(%dma_start3A_51 : memref<288xi32, #tpu.memory_space<hbm>>) target(%arg13 : memref<288xi32, #tpu.memory_space<vmem>>) target_semaphore(%run_scoped3A : memref<!tpu.dma_semaphore, #tpu.memory_space<semaphore_mem>>)
      %dma_wait3A_52 = tpu.memref_slice %arg3[%add3A_15] : memref<331776xi32, #tpu.memory_space<hbm>> -> memref<288xi32, #tpu.memory_space<hbm>>
      %dma_wait3A_53 = tpu.memref_slice %arg3[%add3A_15] : memref<331776xi32, #tpu.memory_space<hbm>> -> memref<288xi32, #tpu.memory_space<hbm>>
      tpu.wait_dma2 semaphore(%run_scoped3A : memref<!tpu.dma_semaphore, #tpu.memory_space<semaphore_mem>>) src(%dma_wait3A_53 : memref<288xi32, #tpu.memory_space<hbm>>) dst(%arg13 : memref<288xi32, #tpu.memory_space<vmem>>)
      tpu.yield
    }) : () -> ()
    %dma_start3A = arith.constant 0 : i32
    %dma_start3A_16 = arith.constant 0 : i32
    %dma_start3A_17 = tpu.memref_slice %arg4[%dma_start3A, %dma_start3A_16] : memref<10000x64xbf16, #tpu.memory_space<hbm>> -> memref<10000x64xbf16, #tpu.memory_space<hbm>>
    tpu.enqueue_indirect_dma source(%dma_start3A_17 : memref<10000x64xbf16, #tpu.memory_space<hbm>>) target(%arg19 : memref<288x64xbf16, #tpu.memory_space<vmem>>) offsets(%arg11 : memref<288xi32, #tpu.memory_space<vmem>>) semaphore(%arg28 : memref<!tpu.dma_semaphore, #tpu.memory_space<semaphore_mem>>)
    %dma_start3A_18 = arith.constant 0 : i32
    %dma_start3A_19 = arith.constant 0 : i32
    %dma_start3A_20 = tpu.memref_slice %arg5[%dma_start3A_18, %dma_start3A_19] : memref<10000x64xbf16, #tpu.memory_space<hbm>> -> memref<10000x64xbf16, #tpu.memory_space<hbm>>
    tpu.enqueue_indirect_dma source(%dma_start3A_20 : memref<10000x64xbf16, #tpu.memory_space<hbm>>) target(%arg21 : memref<288x64xbf16, #tpu.memory_space<vmem>>) offsets(%arg13 : memref<288xi32, #tpu.memory_space<vmem>>) semaphore(%arg28 : memref<!tpu.dma_semaphore, #tpu.memory_space<semaphore_mem>>)
    %mul3A_21 = arith.constant 10368 : i32
    %mul3A_22 = arith.muli %add3A, %mul3A_21 : i32
    %add3A_23 = arith.constant 288 : i32
    %add3A_24 = arith.addi %mul3A_22, %add3A_23 : i32
    "tpu.region"() ({
      %run_scoped3A = tpu.sem_alloc : memref<!tpu.dma_semaphore, #tpu.memory_space<semaphore_mem>>
      %dma_start3A_50 = tpu.memref_slice %arg2[%add3A_24] : memref<331776xi32, #tpu.memory_space<hbm>> -> memref<288xi32, #tpu.memory_space<hbm>>
      %dma_start3A_51 = tpu.memref_slice %arg2[%add3A_24] : memref<331776xi32, #tpu.memory_space<hbm>> -> memref<288xi32, #tpu.memory_space<hbm>>
      tpu.enqueue_dma source(%dma_start3A_51 : memref<288xi32, #tpu.memory_space<hbm>>) target(%arg12 : memref<288xi32, #tpu.memory_space<vmem>>) target_semaphore(%run_scoped3A : memref<!tpu.dma_semaphore, #tpu.memory_space<semaphore_mem>>)
      %dma_wait3A_52 = tpu.memref_slice %arg2[%add3A_24] : memref<331776xi32, #tpu.memory_space<hbm>> -> memref<288xi32, #tpu.memory_space<hbm>>
      %dma_wait3A_53 = tpu.memref_slice %arg2[%add3A_24] : memref<331776xi32, #tpu.memory_space<hbm>> -> memref<288xi32, #tpu.memory_space<hbm>>
      tpu.wait_dma2 semaphore(%run_scoped3A : memref<!tpu.dma_semaphore, #tpu.memory_space<semaphore_mem>>) src(%dma_wait3A_53 : memref<288xi32, #tpu.memory_space<hbm>>) dst(%arg12 : memref<288xi32, #tpu.memory_space<vmem>>)
      tpu.yield
    }) : () -> ()
    "tpu.region"() ({
      %run_scoped3A = tpu.sem_alloc : memref<!tpu.dma_semaphore, #tpu.memory_space<semaphore_mem>>
      %dma_start3A_50 = tpu.memref_slice %arg3[%add3A_24] : memref<331776xi32, #tpu.memory_space<hbm>> -> memref<288xi32, #tpu.memory_space<hbm>>
      %dma_start3A_51 = tpu.memref_slice %arg3[%add3A_24] : memref<331776xi32, #tpu.memory_space<hbm>> -> memref<288xi32, #tpu.memory_space<hbm>>
      tpu.enqueue_dma source(%dma_start3A_51 : memref<288xi32, #tpu.memory_space<hbm>>) target(%arg14 : memref<288xi32, #tpu.memory_space<vmem>>) target_semaphore(%run_scoped3A : memref<!tpu.dma_semaphore, #tpu.memory_space<semaphore_mem>>)
      %dma_wait3A_52 = tpu.memref_slice %arg3[%add3A_24] : memref<331776xi32, #tpu.memory_space<hbm>> -> memref<288xi32, #tpu.memory_space<hbm>>
      %dma_wait3A_53 = tpu.memref_slice %arg3[%add3A_24] : memref<331776xi32, #tpu.memory_space<hbm>> -> memref<288xi32, #tpu.memory_space<hbm>>
      tpu.wait_dma2 semaphore(%run_scoped3A : memref<!tpu.dma_semaphore, #tpu.memory_space<semaphore_mem>>) src(%dma_wait3A_53 : memref<288xi32, #tpu.memory_space<hbm>>) dst(%arg14 : memref<288xi32, #tpu.memory_space<vmem>>)
      tpu.yield
    }) : () -> ()
    %dma_start3A_25 = arith.constant 0 : i32
    %dma_start3A_26 = arith.constant 0 : i32
    %dma_start3A_27 = tpu.memref_slice %arg4[%dma_start3A_25, %dma_start3A_26] : memref<10000x64xbf16, #tpu.memory_space<hbm>> -> memref<10000x64xbf16, #tpu.memory_space<hbm>>
    tpu.enqueue_indirect_dma source(%dma_start3A_27 : memref<10000x64xbf16, #tpu.memory_space<hbm>>) target(%arg20 : memref<288x64xbf16, #tpu.memory_space<vmem>>) offsets(%arg12 : memref<288xi32, #tpu.memory_space<vmem>>) semaphore(%arg29 : memref<!tpu.dma_semaphore, #tpu.memory_space<semaphore_mem>>)
    %dma_start3A_28 = arith.constant 0 : i32
    %dma_start3A_29 = arith.constant 0 : i32
    %dma_start3A_30 = tpu.memref_slice %arg5[%dma_start3A_28, %dma_start3A_29] : memref<10000x64xbf16, #tpu.memory_space<hbm>> -> memref<10000x64xbf16, #tpu.memory_space<hbm>>
    tpu.enqueue_indirect_dma source(%dma_start3A_30 : memref<10000x64xbf16, #tpu.memory_space<hbm>>) target(%arg22 : memref<288x64xbf16, #tpu.memory_space<vmem>>) offsets(%arg14 : memref<288xi32, #tpu.memory_space<vmem>>) semaphore(%arg29 : memref<!tpu.dma_semaphore, #tpu.memory_space<semaphore_mem>>)
    %scan3A = arith.constant 0 : i32
    %scan3A_31 = arith.constant 18 : i32
    %scan3A_32 = arith.addi %scan3A, %scan3A_31 : i32
    %scan3A_33 = arith.constant 1 : i32
    scf.for %scan3A_50 = %scan3A to %scan3A_32 step %scan3A_33  : i32 {
      %mul3A_51 = arith.constant 2 : i32
      %mul3A_52 = arith.muli %scan3A_50, %mul3A_51 : i32
      %add3A_53 = arith.constant 0 : i32
      %add3A_54 = arith.addi %add3A_53, %mul3A_52 : i32
      %mul3A_55 = arith.constant 10368 : i32
      %mul3A_56 = arith.muli %add3A, %mul3A_55 : i32
      %mul3A_57 = arith.constant 288 : i32
      %mul3A_58 = arith.muli %add3A_54, %mul3A_57 : i32
      %add3A_59 = arith.addi %mul3A_56, %mul3A_58 : i32
      %dma_wait3A_60 = arith.constant 0 : i32
      %dma_wait3A_61 = arith.constant 0 : i32
      %dma_wait3A_62 = tpu.memref_slice %arg4[%dma_wait3A_60, %dma_wait3A_61] : memref<10000x64xbf16, #tpu.memory_space<hbm>> -> memref<10000x64xbf16, #tpu.memory_space<hbm>>
      tpu.wait_indirect_dma semaphore(%arg28 : memref<!tpu.dma_semaphore, #tpu.memory_space<semaphore_mem>>) src(%dma_wait3A_62 : memref<10000x64xbf16, #tpu.memory_space<hbm>>) dst(%arg19 : memref<288x64xbf16, #tpu.memory_space<vmem>>)
      %dma_wait3A_63 = arith.constant 0 : i32
      %dma_wait3A_64 = arith.constant 0 : i32
      %dma_wait3A_65 = tpu.memref_slice %arg5[%dma_wait3A_63, %dma_wait3A_64] : memref<10000x64xbf16, #tpu.memory_space<hbm>> -> memref<10000x64xbf16, #tpu.memory_space<hbm>>
      tpu.wait_indirect_dma semaphore(%arg28 : memref<!tpu.dma_semaphore, #tpu.memory_space<semaphore_mem>>) src(%dma_wait3A_65 : memref<10000x64xbf16, #tpu.memory_space<hbm>>) dst(%arg21 : memref<288x64xbf16, #tpu.memory_space<vmem>>)
      %ge3A = arith.constant 2 : i32
      %ge3A_66 = arith.cmpi sge, %add3A_54, %ge3A : i32
      %convert_element_type3A_67 = arith.extui %ge3A_66 : i1 to i32
      %cond3A_68 = arith.constant 0 : i32
      %cond3A_69 = arith.cmpi ne, %convert_element_type3A_67, %cond3A_68 : i32
      scf.if %cond3A_69 {
        %dma_wait3A_266 = arith.constant 0 : i32
        %dma_wait3A_267 = tpu.memref_slice %arg27[%dma_wait3A_266] : memref<10240xf32, #tpu.memory_space<vmem_shared>> -> memref<10240xf32, #tpu.memory_space<vmem_shared>>
        tpu.wait_indirect_dma semaphore(%arg30 : memref<!tpu.dma_semaphore, #tpu.memory_space<semaphore_mem>>) src(%arg17 : memref<288xf32, #tpu.memory_space<vmem>>) dst(%dma_wait3A_267 : memref<10240xf32, #tpu.memory_space<vmem_shared>>)
        %dma_wait3A_268 = arith.constant 0 : i32
        %dma_wait3A_269 = arith.constant 0 : i32
        %dma_wait3A_270 = tpu.memref_slice %arg26[%dma_wait3A_268, %dma_wait3A_269] : memref<10240x64xf32, #tpu.memory_space<vmem_shared>> -> memref<10240x64xf32, #tpu.memory_space<vmem_shared>>
        tpu.wait_indirect_dma semaphore(%arg30 : memref<!tpu.dma_semaphore, #tpu.memory_space<semaphore_mem>>) src(%arg23 : memref<288x64xf32, #tpu.memory_space<vmem>>) dst(%dma_wait3A_270 : memref<10240x64xf32, #tpu.memory_space<vmem_shared>>)
      } else {
      }
      %get3A_70 = arith.constant 0 : index
      %get3A_71 = tpu.vector_load %arg13[%get3A_70] {strides = array<i32>} : memref<288xi32, #tpu.memory_space<vmem>>, vector<16xi32>,
      %swap3A = arith.constant 0 : index
      %swap3A_72 = tpu.vector_load %arg15[%swap3A] {strides = array<i32>} : memref<288xi32, #tpu.memory_space<vmem>>, vector<16xi32>,
      tpu.vector_store %arg15[%swap3A], %get3A_71 {strides = array<i32>} : memref<288xi32, #tpu.memory_space<vmem>>, vector<16xi32>,
      %get3A_73 = arith.constant 16 : index
      %get3A_74 = tpu.vector_load %arg13[%get3A_73] {strides = array<i32>} : memref<288xi32, #tpu.memory_space<vmem>>, vector<16xi32>,
      %swap3A_75 = arith.constant 16 : index
      %swap3A_76 = tpu.vector_load %arg15[%swap3A_75] {strides = array<i32>} : memref<288xi32, #tpu.memory_space<vmem>>, vector<16xi32>,
      tpu.vector_store %arg15[%swap3A_75], %get3A_74 {strides = array<i32>} : memref<288xi32, #tpu.memory_space<vmem>>, vector<16xi32>,
      %get3A_77 = arith.constant 32 : index
      %get3A_78 = tpu.vector_load %arg13[%get3A_77] {strides = array<i32>} : memref<288xi32, #tpu.memory_space<vmem>>, vector<16xi32>,
      %swap3A_79 = arith.constant 32 : index
      %swap3A_80 = tpu.vector_load %arg15[%swap3A_79] {strides = array<i32>} : memref<288xi32, #tpu.memory_space<vmem>>, vector<16xi32>,
      tpu.vector_store %arg15[%swap3A_79], %get3A_78 {strides = array<i32>} : memref<288xi32, #tpu.memory_space<vmem>>, vector<16xi32>,
      %get3A_81 = arith.constant 48 : index
      %get3A_82 = tpu.vector_load %arg13[%get3A_81] {strides = array<i32>} : memref<288xi32, #tpu.memory_space<vmem>>, vector<16xi32>,
      %swap3A_83 = arith.constant 48 : index
      %swap3A_84 = tpu.vector_load %arg15[%swap3A_83] {strides = array<i32>} : memref<288xi32, #tpu.memory_space<vmem>>, vector<16xi32>,
      tpu.vector_store %arg15[%swap3A_83], %get3A_82 {strides = array<i32>} : memref<288xi32, #tpu.memory_space<vmem>>, vector<16xi32>,
      %get3A_85 = arith.constant 64 : index
      %get3A_86 = tpu.vector_load %arg13[%get3A_85] {strides = array<i32>} : memref<288xi32, #tpu.memory_space<vmem>>, vector<16xi32>,
      %swap3A_87 = arith.constant 64 : index
      %swap3A_88 = tpu.vector_load %arg15[%swap3A_87] {strides = array<i32>} : memref<288xi32, #tpu.memory_space<vmem>>, vector<16xi32>,
      tpu.vector_store %arg15[%swap3A_87], %get3A_86 {strides = array<i32>} : memref<288xi32, #tpu.memory_space<vmem>>, vector<16xi32>,
      %get3A_89 = arith.constant 80 : index
      %get3A_90 = tpu.vector_load %arg13[%get3A_89] {strides = array<i32>} : memref<288xi32, #tpu.memory_space<vmem>>, vector<16xi32>,
      %swap3A_91 = arith.constant 80 : index
      %swap3A_92 = tpu.vector_load %arg15[%swap3A_91] {strides = array<i32>} : memref<288xi32, #tpu.memory_space<vmem>>, vector<16xi32>,
      tpu.vector_store %arg15[%swap3A_91], %get3A_90 {strides = array<i32>} : memref<288xi32, #tpu.memory_space<vmem>>, vector<16xi32>,
      %get3A_93 = arith.constant 96 : index
      %get3A_94 = tpu.vector_load %arg13[%get3A_93] {strides = array<i32>} : memref<288xi32, #tpu.memory_space<vmem>>, vector<16xi32>,
      %swap3A_95 = arith.constant 96 : index
      %swap3A_96 = tpu.vector_load %arg15[%swap3A_95] {strides = array<i32>} : memref<288xi32, #tpu.memory_space<vmem>>, vector<16xi32>,
      tpu.vector_store %arg15[%swap3A_95], %get3A_94 {strides = array<i32>} : memref<288xi32, #tpu.memory_space<vmem>>, vector<16xi32>,
      %get3A_97 = arith.constant 112 : index
      %get3A_98 = tpu.vector_load %arg13[%get3A_97] {strides = array<i32>} : memref<288xi32, #tpu.memory_space<vmem>>, vector<16xi32>,
      %swap3A_99 = arith.constant 112 : index
      %swap3A_100 = tpu.vector_load %arg15[%swap3A_99] {strides = array<i32>} : memref<288xi32, #tpu.memory_space<vmem>>, vector<16xi32>,
      tpu.vector_store %arg15[%swap3A_99], %get3A_98 {strides = array<i32>} : memref<288xi32, #tpu.memory_space<vmem>>, vector<16xi32>,
      %get3A_101 = arith.constant 128 : index
      %get3A_102 = tpu.vector_load %arg13[%get3A_101] {strides = array<i32>} : memref<288xi32, #tpu.memory_space<vmem>>, vector<16xi32>,
      %swap3A_103 = arith.constant 128 : index
      %swap3A_104 = tpu.vector_load %arg15[%swap3A_103] {strides = array<i32>} : memref<288xi32, #tpu.memory_space<vmem>>, vector<16xi32>,
      tpu.vector_store %arg15[%swap3A_103], %get3A_102 {strides = array<i32>} : memref<288xi32, #tpu.memory_space<vmem>>, vector<16xi32>,
      %get3A_105 = arith.constant 144 : index
      %get3A_106 = tpu.vector_load %arg13[%get3A_105] {strides = array<i32>} : memref<288xi32, #tpu.memory_space<vmem>>, vector<16xi32>,
      %swap3A_107 = arith.constant 144 : index
      %swap3A_108 = tpu.vector_load %arg15[%swap3A_107] {strides = array<i32>} : memref<288xi32, #tpu.memory_space<vmem>>, vector<16xi32>,
      tpu.vector_store %arg15[%swap3A_107], %get3A_106 {strides = array<i32>} : memref<288xi32, #tpu.memory_space<vmem>>, vector<16xi32>,
      %get3A_109 = arith.constant 160 : index
      %get3A_110 = tpu.vector_load %arg13[%get3A_109] {strides = array<i32>} : memref<288xi32, #tpu.memory_space<vmem>>, vector<16xi32>,
      %swap3A_111 = arith.constant 160 : index
      %swap3A_112 = tpu.vector_load %arg15[%swap3A_111] {strides = array<i32>} : memref<288xi32, #tpu.memory_space<vmem>>, vector<16xi32>,
      tpu.vector_store %arg15[%swap3A_111], %get3A_110 {strides = array<i32>} : memref<288xi32, #tpu.memory_space<vmem>>, vector<16xi32>,
      %get3A_113 = arith.constant 176 : index
      %get3A_114 = tpu.vector_load %arg13[%get3A_113] {strides = array<i32>} : memref<288xi32, #tpu.memory_space<vmem>>, vector<16xi32>,
      %swap3A_115 = arith.constant 176 : index
      %swap3A_116 = tpu.vector_load %arg15[%swap3A_115] {strides = array<i32>} : memref<288xi32, #tpu.memory_space<vmem>>, vector<16xi32>,
      tpu.vector_store %arg15[%swap3A_115], %get3A_114 {strides = array<i32>} : memref<288xi32, #tpu.memory_space<vmem>>, vector<16xi32>,
      %get3A_117 = arith.constant 192 : index
      %get3A_118 = tpu.vector_load %arg13[%get3A_117] {strides = array<i32>} : memref<288xi32, #tpu.memory_space<vmem>>, vector<16xi32>,
      %swap3A_119 = arith.constant 192 : index
      %swap3A_120 = tpu.vector_load %arg15[%swap3A_119] {strides = array<i32>} : memref<288xi32, #tpu.memory_space<vmem>>, vector<16xi32>,
      tpu.vector_store %arg15[%swap3A_119], %get3A_118 {strides = array<i32>} : memref<288xi32, #tpu.memory_space<vmem>>, vector<16xi32>,
      %get3A_121 = arith.constant 208 : index
      %get3A_122 = tpu.vector_load %arg13[%get3A_121] {strides = array<i32>} : memref<288xi32, #tpu.memory_space<vmem>>, vector<16xi32>,
      %swap3A_123 = arith.constant 208 : index
      %swap3A_124 = tpu.vector_load %arg15[%swap3A_123] {strides = array<i32>} : memref<288xi32, #tpu.memory_space<vmem>>, vector<16xi32>,
      tpu.vector_store %arg15[%swap3A_123], %get3A_122 {strides = array<i32>} : memref<288xi32, #tpu.memory_space<vmem>>, vector<16xi32>,
      %get3A_125 = arith.constant 224 : index
      %get3A_126 = tpu.vector_load %arg13[%get3A_125] {strides = array<i32>} : memref<288xi32, #tpu.memory_space<vmem>>, vector<16xi32>,
      %swap3A_127 = arith.constant 224 : index
      %swap3A_128 = tpu.vector_load %arg15[%swap3A_127] {strides = array<i32>} : memref<288xi32, #tpu.memory_space<vmem>>, vector<16xi32>,
      tpu.vector_store %arg15[%swap3A_127], %get3A_126 {strides = array<i32>} : memref<288xi32, #tpu.memory_space<vmem>>, vector<16xi32>,
      %get3A_129 = arith.constant 240 : index
      %get3A_130 = tpu.vector_load %arg13[%get3A_129] {strides = array<i32>} : memref<288xi32, #tpu.memory_space<vmem>>, vector<16xi32>,
      %swap3A_131 = arith.constant 240 : index
      %swap3A_132 = tpu.vector_load %arg15[%swap3A_131] {strides = array<i32>} : memref<288xi32, #tpu.memory_space<vmem>>, vector<16xi32>,
      tpu.vector_store %arg15[%swap3A_131], %get3A_130 {strides = array<i32>} : memref<288xi32, #tpu.memory_space<vmem>>, vector<16xi32>,
      %get3A_133 = arith.constant 256 : index
      %get3A_134 = tpu.vector_load %arg13[%get3A_133] {strides = array<i32>} : memref<288xi32, #tpu.memory_space<vmem>>, vector<16xi32>,
      %swap3A_135 = arith.constant 256 : index
      %swap3A_136 = tpu.vector_load %arg15[%swap3A_135] {strides = array<i32>} : memref<288xi32, #tpu.memory_space<vmem>>, vector<16xi32>,
      tpu.vector_store %arg15[%swap3A_135], %get3A_134 {strides = array<i32>} : memref<288xi32, #tpu.memory_space<vmem>>, vector<16xi32>,
      %get3A_137 = arith.constant 272 : index
      %get3A_138 = tpu.vector_load %arg13[%get3A_137] {strides = array<i32>} : memref<288xi32, #tpu.memory_space<vmem>>, vector<16xi32>,
      %swap3A_139 = arith.constant 272 : index
      %swap3A_140 = tpu.vector_load %arg15[%swap3A_139] {strides = array<i32>} : memref<288xi32, #tpu.memory_space<vmem>>, vector<16xi32>,
      tpu.vector_store %arg15[%swap3A_139], %get3A_138 {strides = array<i32>} : memref<288xi32, #tpu.memory_space<vmem>>, vector<16xi32>,
      %iota3A = tpu.iota {dimensions = array<i32: 0>} : vector<16xi32>
      %eq3A_141 = arith.constant 0 : i32
      %eq3A_142 = vector.broadcast %eq3A_141 : i32 to vector<16xi32>
      %eq3A_143 = arith.cmpi eq, %iota3A, %eq3A_142 : vector<16xi32>
      %parallel_loop3A = arith.constant 0 : i32
      %parallel_loop3A_144 = arith.constant 288 : i32
      %parallel_loop3A_145 = arith.constant 1 : i32
      scf.for %parallel_loop3A_266 = %parallel_loop3A to %parallel_loop3A_144 step %parallel_loop3A_145  : i32 {
        %parallel_loop3A_267 = arith.index_cast %parallel_loop3A_266 : i32 to index
        %parallel_loop3A_268 = arith.constant 0 : index
        %parallel_loop3A_269 = tpu.vector_load %arg19[%parallel_loop3A_267, %parallel_loop3A_268] {strides = array<i32>} : memref<288x64xbf16, #tpu.memory_space<vmem>>, vector<32xbf16>,
        %parallel_loop3A_270 = arith.index_cast %parallel_loop3A_266 : i32 to index
        %parallel_loop3A_271 = arith.constant 0 : index
        %parallel_loop3A_272 = tpu.vector_load %arg21[%parallel_loop3A_270, %parallel_loop3A_271] {strides = array<i32>} : memref<288x64xbf16, #tpu.memory_space<vmem>>, vector<32xbf16>,
        %parallel_loop3A_273 = tpu.unpack_subelements %parallel_loop3A_269, 0 {pack_format = #tpu.pack_format<interleaved>} : vector<32xbf16> -> vector<16xf32>
        %parallel_loop3A_274 = tpu.unpack_subelements %parallel_loop3A_269, 1 {pack_format = #tpu.pack_format<interleaved>} : vector<32xbf16> -> vector<16xf32>
        %parallel_loop3A_275 = tpu.unpack_subelements %parallel_loop3A_272, 0 {pack_format = #tpu.pack_format<interleaved>} : vector<32xbf16> -> vector<16xf32>
        %parallel_loop3A_276 = tpu.unpack_subelements %parallel_loop3A_272, 1 {pack_format = #tpu.pack_format<interleaved>} : vector<32xbf16> -> vector<16xf32>
        %parallel_loop3A_277 = arith.addf %parallel_loop3A_273, %parallel_loop3A_275 : vector<16xf32>
        %parallel_loop3A_278 = arith.constant 2.000000e-01 : f32
        %parallel_loop3A_279 = vector.broadcast %parallel_loop3A_278 : f32 to vector<16xf32>
        %parallel_loop3A_280 = arith.mulf %parallel_loop3A_279, %parallel_loop3A_277 : vector<16xf32>
        %parallel_loop3A_281 = arith.maximumf %parallel_loop3A_277, %parallel_loop3A_280 : vector<16xf32>
        %parallel_loop3A_282 = arith.mulf %get3A_5, %parallel_loop3A_281 : vector<16xf32>
        %parallel_loop3A_283 = arith.addf %parallel_loop3A_274, %parallel_loop3A_276 : vector<16xf32>
        %parallel_loop3A_284 = arith.constant 2.000000e-01 : f32
        %parallel_loop3A_285 = vector.broadcast %parallel_loop3A_284 : f32 to vector<16xf32>
        %parallel_loop3A_286 = arith.mulf %parallel_loop3A_285, %parallel_loop3A_283 : vector<16xf32>
        %parallel_loop3A_287 = arith.maximumf %parallel_loop3A_283, %parallel_loop3A_286 : vector<16xf32>
        %parallel_loop3A_288 = arith.mulf %get3A_7, %parallel_loop3A_287 : vector<16xf32>
        %parallel_loop3A_289 = arith.addf %parallel_loop3A_282, %parallel_loop3A_288 : vector<16xf32>
        %parallel_loop3A_290 = arith.index_cast %parallel_loop3A_266 : i32 to index
        %parallel_loop3A_291 = arith.constant 32 : index
        %parallel_loop3A_292 = tpu.vector_load %arg19[%parallel_loop3A_290, %parallel_loop3A_291] {strides = array<i32>} : memref<288x64xbf16, #tpu.memory_space<vmem>>, vector<32xbf16>,
        %parallel_loop3A_293 = arith.index_cast %parallel_loop3A_266 : i32 to index
        %parallel_loop3A_294 = arith.constant 32 : index
        %parallel_loop3A_295 = tpu.vector_load %arg21[%parallel_loop3A_293, %parallel_loop3A_294] {strides = array<i32>} : memref<288x64xbf16, #tpu.memory_space<vmem>>, vector<32xbf16>,
        %parallel_loop3A_296 = tpu.unpack_subelements %parallel_loop3A_292, 0 {pack_format = #tpu.pack_format<interleaved>} : vector<32xbf16> -> vector<16xf32>
        %parallel_loop3A_297 = tpu.unpack_subelements %parallel_loop3A_292, 1 {pack_format = #tpu.pack_format<interleaved>} : vector<32xbf16> -> vector<16xf32>
        %parallel_loop3A_298 = tpu.unpack_subelements %parallel_loop3A_295, 0 {pack_format = #tpu.pack_format<interleaved>} : vector<32xbf16> -> vector<16xf32>
        %parallel_loop3A_299 = tpu.unpack_subelements %parallel_loop3A_295, 1 {pack_format = #tpu.pack_format<interleaved>} : vector<32xbf16> -> vector<16xf32>
        %parallel_loop3A_300 = arith.addf %parallel_loop3A_296, %parallel_loop3A_298 : vector<16xf32>
        %parallel_loop3A_301 = arith.constant 2.000000e-01 : f32
        %parallel_loop3A_302 = vector.broadcast %parallel_loop3A_301 : f32 to vector<16xf32>
        %parallel_loop3A_303 = arith.mulf %parallel_loop3A_302, %parallel_loop3A_300 : vector<16xf32>
        %parallel_loop3A_304 = arith.maximumf %parallel_loop3A_300, %parallel_loop3A_303 : vector<16xf32>
        %parallel_loop3A_305 = arith.mulf %get3A_9, %parallel_loop3A_304 : vector<16xf32>
        %parallel_loop3A_306 = arith.addf %parallel_loop3A_289, %parallel_loop3A_305 : vector<16xf32>
        %parallel_loop3A_307 = arith.addf %parallel_loop3A_297, %parallel_loop3A_299 : vector<16xf32>
        %parallel_loop3A_308 = arith.constant 2.000000e-01 : f32
        %parallel_loop3A_309 = vector.broadcast %parallel_loop3A_308 : f32 to vector<16xf32>
        %parallel_loop3A_310 = arith.mulf %parallel_loop3A_309, %parallel_loop3A_307 : vector<16xf32>
        %parallel_loop3A_311 = arith.maximumf %parallel_loop3A_307, %parallel_loop3A_310 : vector<16xf32>
        %parallel_loop3A_312 = arith.mulf %get3A_11, %parallel_loop3A_311 : vector<16xf32>
        %parallel_loop3A_313 = arith.addf %parallel_loop3A_306, %parallel_loop3A_312 : vector<16xf32>
        %parallel_loop3A_314 = arith.constant true
        %parallel_loop3A_315 = vector.broadcast %parallel_loop3A_314 : i1 to vector<16xi1>
        %parallel_loop3A_316 = tpu.scan <sum>, %parallel_loop3A_313 masked %parallel_loop3A_315 : vector<16xf32>, vector<16xi1> -> vector<16xf32>
        %parallel_loop3A_317 = vector.extract %parallel_loop3A_316[15] : f32 from vector<16xf32>
        %parallel_loop3A_318 = vector.broadcast %parallel_loop3A_317 : f32 to vector<16xf32>
        %parallel_loop3A_319 = math.exp %parallel_loop3A_318 : vector<16xf32>
        %parallel_loop3A_320 = arith.addi %add3A_59, %parallel_loop3A_266 : i32
        %parallel_loop3A_321 = arith.constant 330000 : i32
        %parallel_loop3A_322 = arith.cmpi slt, %parallel_loop3A_320, %parallel_loop3A_321 : i32
        %parallel_loop3A_323 = arith.constant 0.000000e+00 : f32
        %parallel_loop3A_324 = vector.broadcast %parallel_loop3A_323 : f32 to vector<16xf32>
        %parallel_loop3A_325 = arith.select %parallel_loop3A_322, %parallel_loop3A_319, %parallel_loop3A_324 : vector<16xf32>
        %parallel_loop3A_326 = vector.broadcast %parallel_loop3A_266 : i32 to vector<16xi32>
        tpu.vector_store_idx %arg17[%parallel_loop3A_326], %parallel_loop3A_325 masked %eq3A_143 : memref<288xf32, #tpu.memory_space<vmem>>[vector<16xi32>], vector<16xf32>, vector<16xi1>
        %parallel_loop3A_327 = arith.mulf %parallel_loop3A_273, %parallel_loop3A_325 : vector<16xf32>
        %parallel_loop3A_328 = arith.index_cast %parallel_loop3A_266 : i32 to index
        %parallel_loop3A_329 = arith.constant 0 : index
        %parallel_loop3A_330 = tpu.vector_load %arg23[%parallel_loop3A_328, %parallel_loop3A_329] {strides = array<i32>} : memref<288x64xf32, #tpu.memory_space<vmem>>, vector<16xf32>,
        tpu.vector_store %arg23[%parallel_loop3A_328, %parallel_loop3A_329], %parallel_loop3A_327 {strides = array<i32>} : memref<288x64xf32, #tpu.memory_space<vmem>>, vector<16xf32>,
        %parallel_loop3A_331 = arith.mulf %parallel_loop3A_274, %parallel_loop3A_325 : vector<16xf32>
        %parallel_loop3A_332 = arith.index_cast %parallel_loop3A_266 : i32 to index
        %parallel_loop3A_333 = arith.constant 16 : index
        %parallel_loop3A_334 = tpu.vector_load %arg23[%parallel_loop3A_332, %parallel_loop3A_333] {strides = array<i32>} : memref<288x64xf32, #tpu.memory_space<vmem>>, vector<16xf32>,
        tpu.vector_store %arg23[%parallel_loop3A_332, %parallel_loop3A_333], %parallel_loop3A_331 {strides = array<i32>} : memref<288x64xf32, #tpu.memory_space<vmem>>, vector<16xf32>,
        %parallel_loop3A_335 = arith.mulf %parallel_loop3A_296, %parallel_loop3A_325 : vector<16xf32>
        %parallel_loop3A_336 = arith.index_cast %parallel_loop3A_266 : i32 to index
        %parallel_loop3A_337 = arith.constant 32 : index
        %parallel_loop3A_338 = tpu.vector_load %arg23[%parallel_loop3A_336, %parallel_loop3A_337] {strides = array<i32>} : memref<288x64xf32, #tpu.memory_space<vmem>>, vector<16xf32>,
        tpu.vector_store %arg23[%parallel_loop3A_336, %parallel_loop3A_337], %parallel_loop3A_335 {strides = array<i32>} : memref<288x64xf32, #tpu.memory_space<vmem>>, vector<16xf32>,
        %parallel_loop3A_339 = arith.mulf %parallel_loop3A_297, %parallel_loop3A_325 : vector<16xf32>
        %parallel_loop3A_340 = arith.index_cast %parallel_loop3A_266 : i32 to index
        %parallel_loop3A_341 = arith.constant 48 : index
        %parallel_loop3A_342 = tpu.vector_load %arg23[%parallel_loop3A_340, %parallel_loop3A_341] {strides = array<i32>} : memref<288x64xf32, #tpu.memory_space<vmem>>, vector<16xf32>,
        tpu.vector_store %arg23[%parallel_loop3A_340, %parallel_loop3A_341], %parallel_loop3A_339 {strides = array<i32>} : memref<288x64xf32, #tpu.memory_space<vmem>>, vector<16xf32>,
      } {sc.loop_unroll_factor = 8 : i64, sc.parallel_access}
      %dma_start3A_146 = arith.constant 0 : i32
      %dma_start3A_147 = tpu.memref_slice %arg27[%dma_start3A_146] : memref<10240xf32, #tpu.memory_space<vmem_shared>> -> memref<10240xf32, #tpu.memory_space<vmem_shared>>
      tpu.enqueue_indirect_dma source(%arg17 : memref<288xf32, #tpu.memory_space<vmem>>) target(%dma_start3A_147 : memref<10240xf32, #tpu.memory_space<vmem_shared>>) offsets(%arg15 : memref<288xi32, #tpu.memory_space<vmem>>) semaphore(%arg30 : memref<!tpu.dma_semaphore, #tpu.memory_space<semaphore_mem>>) {add = true}
      %dma_start3A_148 = arith.constant 0 : i32
      %dma_start3A_149 = arith.constant 0 : i32
      %dma_start3A_150 = tpu.memref_slice %arg26[%dma_start3A_148, %dma_start3A_149] : memref<10240x64xf32, #tpu.memory_space<vmem_shared>> -> memref<10240x64xf32, #tpu.memory_space<vmem_shared>>
      tpu.enqueue_indirect_dma source(%arg23 : memref<288x64xf32, #tpu.memory_space<vmem>>) target(%dma_start3A_150 : memref<10240x64xf32, #tpu.memory_space<vmem_shared>>) offsets(%arg15 : memref<288xi32, #tpu.memory_space<vmem>>) semaphore(%arg30 : memref<!tpu.dma_semaphore, #tpu.memory_space<semaphore_mem>>) {add = true}
      %add3A_151 = arith.constant 2 : i32
      %add3A_152 = arith.addi %add3A_54, %add3A_151 : i32
      %lt3A = arith.constant 36 : i32
      %lt3A_153 = arith.cmpi slt, %add3A_152, %lt3A : i32
      %convert_element_type3A_154 = arith.extui %lt3A_153 : i1 to i32
      %cond3A_155 = arith.constant 0 : i32
      %cond3A_156 = arith.cmpi ne, %convert_element_type3A_154, %cond3A_155 : i32
      scf.if %cond3A_156 {
        %add3A_266 = arith.constant 2 : i32
        %add3A_267 = arith.addi %add3A_54, %add3A_266 : i32
        %mul3A_268 = arith.constant 10368 : i32
        %mul3A_269 = arith.muli %add3A, %mul3A_268 : i32
        %mul3A_270 = arith.constant 288 : i32
        %mul3A_271 = arith.muli %add3A_267, %mul3A_270 : i32
        %add3A_272 = arith.addi %mul3A_269, %mul3A_271 : i32
        "tpu.region"() ({
          %run_scoped3A = tpu.sem_alloc : memref<!tpu.dma_semaphore, #tpu.memory_space<semaphore_mem>>
          %dma_start3A_279 = tpu.memref_slice %arg2[%add3A_272] : memref<331776xi32, #tpu.memory_space<hbm>> -> memref<288xi32, #tpu.memory_space<hbm>>
          %dma_start3A_280 = tpu.memref_slice %arg2[%add3A_272] : memref<331776xi32, #tpu.memory_space<hbm>> -> memref<288xi32, #tpu.memory_space<hbm>>
          tpu.enqueue_dma source(%dma_start3A_280 : memref<288xi32, #tpu.memory_space<hbm>>) target(%arg11 : memref<288xi32, #tpu.memory_space<vmem>>) target_semaphore(%run_scoped3A : memref<!tpu.dma_semaphore, #tpu.memory_space<semaphore_mem>>)
          %dma_wait3A_281 = tpu.memref_slice %arg2[%add3A_272] : memref<331776xi32, #tpu.memory_space<hbm>> -> memref<288xi32, #tpu.memory_space<hbm>>
          %dma_wait3A_282 = tpu.memref_slice %arg2[%add3A_272] : memref<331776xi32, #tpu.memory_space<hbm>> -> memref<288xi32, #tpu.memory_space<hbm>>
          tpu.wait_dma2 semaphore(%run_scoped3A : memref<!tpu.dma_semaphore, #tpu.memory_space<semaphore_mem>>) src(%dma_wait3A_282 : memref<288xi32, #tpu.memory_space<hbm>>) dst(%arg11 : memref<288xi32, #tpu.memory_space<vmem>>)
          tpu.yield
        }) : () -> ()
        "tpu.region"() ({
          %run_scoped3A = tpu.sem_alloc : memref<!tpu.dma_semaphore, #tpu.memory_space<semaphore_mem>>
          %dma_start3A_279 = tpu.memref_slice %arg3[%add3A_272] : memref<331776xi32, #tpu.memory_space<hbm>> -> memref<288xi32, #tpu.memory_space<hbm>>
          %dma_start3A_280 = tpu.memref_slice %arg3[%add3A_272] : memref<331776xi32, #tpu.memory_space<hbm>> -> memref<288xi32, #tpu.memory_space<hbm>>
          tpu.enqueue_dma source(%dma_start3A_280 : memref<288xi32, #tpu.memory_space<hbm>>) target(%arg13 : memref<288xi32, #tpu.memory_space<vmem>>) target_semaphore(%run_scoped3A : memref<!tpu.dma_semaphore, #tpu.memory_space<semaphore_mem>>)
          %dma_wait3A_281 = tpu.memref_slice %arg3[%add3A_272] : memref<331776xi32, #tpu.memory_space<hbm>> -> memref<288xi32, #tpu.memory_space<hbm>>
          %dma_wait3A_282 = tpu.memref_slice %arg3[%add3A_272] : memref<331776xi32, #tpu.memory_space<hbm>> -> memref<288xi32, #tpu.memory_space<hbm>>
          tpu.wait_dma2 semaphore(%run_scoped3A : memref<!tpu.dma_semaphore, #tpu.memory_space<semaphore_mem>>) src(%dma_wait3A_282 : memref<288xi32, #tpu.memory_space<hbm>>) dst(%arg13 : memref<288xi32, #tpu.memory_space<vmem>>)
          tpu.yield
        }) : () -> ()
        %dma_start3A_273 = arith.constant 0 : i32
        %dma_start3A_274 = arith.constant 0 : i32
        %dma_start3A_275 = tpu.memref_slice %arg4[%dma_start3A_273, %dma_start3A_274] : memref<10000x64xbf16, #tpu.memory_space<hbm>> -> memref<10000x64xbf16, #tpu.memory_space<hbm>>
        tpu.enqueue_indirect_dma source(%dma_start3A_275 : memref<10000x64xbf16, #tpu.memory_space<hbm>>) target(%arg19 : memref<288x64xbf16, #tpu.memory_space<vmem>>) offsets(%arg11 : memref<288xi32, #tpu.memory_space<vmem>>) semaphore(%arg28 : memref<!tpu.dma_semaphore, #tpu.memory_space<semaphore_mem>>)
        %dma_start3A_276 = arith.constant 0 : i32
        %dma_start3A_277 = arith.constant 0 : i32
        %dma_start3A_278 = tpu.memref_slice %arg5[%dma_start3A_276, %dma_start3A_277] : memref<10000x64xbf16, #tpu.memory_space<hbm>> -> memref<10000x64xbf16, #tpu.memory_space<hbm>>
        tpu.enqueue_indirect_dma source(%dma_start3A_278 : memref<10000x64xbf16, #tpu.memory_space<hbm>>) target(%arg21 : memref<288x64xbf16, #tpu.memory_space<vmem>>) offsets(%arg13 : memref<288xi32, #tpu.memory_space<vmem>>) semaphore(%arg28 : memref<!tpu.dma_semaphore, #tpu.memory_space<semaphore_mem>>)
      } else {
      }
      %add3A_157 = arith.constant 1 : i32
      %add3A_158 = arith.addi %add3A_54, %add3A_157 : i32
      %mul3A_159 = arith.constant 10368 : i32
      %mul3A_160 = arith.muli %add3A, %mul3A_159 : i32
      %mul3A_161 = arith.constant 288 : i32
      %mul3A_162 = arith.muli %add3A_158, %mul3A_161 : i32
      %add3A_163 = arith.addi %mul3A_160, %mul3A_162 : i32
      %dma_wait3A_164 = arith.constant 0 : i32
      %dma_wait3A_165 = arith.constant 0 : i32
      %dma_wait3A_166 = tpu.memref_slice %arg4[%dma_wait3A_164, %dma_wait3A_165] : memref<10000x64xbf16, #tpu.memory_space<hbm>> -> memref<10000x64xbf16, #tpu.memory_space<hbm>>
      tpu.wait_indirect_dma semaphore(%arg29 : memref<!tpu.dma_semaphore, #tpu.memory_space<semaphore_mem>>) src(%dma_wait3A_166 : memref<10000x64xbf16, #tpu.memory_space<hbm>>) dst(%arg20 : memref<288x64xbf16, #tpu.memory_space<vmem>>)
      %dma_wait3A_167 = arith.constant 0 : i32
      %dma_wait3A_168 = arith.constant 0 : i32
      %dma_wait3A_169 = tpu.memref_slice %arg5[%dma_wait3A_167, %dma_wait3A_168] : memref<10000x64xbf16, #tpu.memory_space<hbm>> -> memref<10000x64xbf16, #tpu.memory_space<hbm>>
      tpu.wait_indirect_dma semaphore(%arg29 : memref<!tpu.dma_semaphore, #tpu.memory_space<semaphore_mem>>) src(%dma_wait3A_169 : memref<10000x64xbf16, #tpu.memory_space<hbm>>) dst(%arg22 : memref<288x64xbf16, #tpu.memory_space<vmem>>)
      %ge3A_170 = arith.constant 2 : i32
      %ge3A_171 = arith.cmpi sge, %add3A_158, %ge3A_170 : i32
      %convert_element_type3A_172 = arith.extui %ge3A_171 : i1 to i32
      %cond3A_173 = arith.constant 0 : i32
      %cond3A_174 = arith.cmpi ne, %convert_element_type3A_172, %cond3A_173 : i32
      scf.if %cond3A_174 {
        %dma_wait3A_266 = arith.constant 0 : i32
        %dma_wait3A_267 = tpu.memref_slice %arg27[%dma_wait3A_266] : memref<10240xf32, #tpu.memory_space<vmem_shared>> -> memref<10240xf32, #tpu.memory_space<vmem_shared>>
        tpu.wait_indirect_dma semaphore(%arg31 : memref<!tpu.dma_semaphore, #tpu.memory_space<semaphore_mem>>) src(%arg18 : memref<288xf32, #tpu.memory_space<vmem>>) dst(%dma_wait3A_267 : memref<10240xf32, #tpu.memory_space<vmem_shared>>)
        %dma_wait3A_268 = arith.constant 0 : i32
        %dma_wait3A_269 = arith.constant 0 : i32
        %dma_wait3A_270 = tpu.memref_slice %arg26[%dma_wait3A_268, %dma_wait3A_269] : memref<10240x64xf32, #tpu.memory_space<vmem_shared>> -> memref<10240x64xf32, #tpu.memory_space<vmem_shared>>
        tpu.wait_indirect_dma semaphore(%arg31 : memref<!tpu.dma_semaphore, #tpu.memory_space<semaphore_mem>>) src(%arg24 : memref<288x64xf32, #tpu.memory_space<vmem>>) dst(%dma_wait3A_270 : memref<10240x64xf32, #tpu.memory_space<vmem_shared>>)
      } else {
      }
      %get3A_175 = arith.constant 0 : index
      %get3A_176 = tpu.vector_load %arg14[%get3A_175] {strides = array<i32>} : memref<288xi32, #tpu.memory_space<vmem>>, vector<16xi32>,
      %swap3A_177 = arith.constant 0 : index
      %swap3A_178 = tpu.vector_load %arg16[%swap3A_177] {strides = array<i32>} : memref<288xi32, #tpu.memory_space<vmem>>, vector<16xi32>,
      tpu.vector_store %arg16[%swap3A_177], %get3A_176 {strides = array<i32>} : memref<288xi32, #tpu.memory_space<vmem>>, vector<16xi32>,
      %get3A_179 = arith.constant 16 : index
      %get3A_180 = tpu.vector_load %arg14[%get3A_179] {strides = array<i32>} : memref<288xi32, #tpu.memory_space<vmem>>, vector<16xi32>,
      %swap3A_181 = arith.constant 16 : index
      %swap3A_182 = tpu.vector_load %arg16[%swap3A_181] {strides = array<i32>} : memref<288xi32, #tpu.memory_space<vmem>>, vector<16xi32>,
      tpu.vector_store %arg16[%swap3A_181], %get3A_180 {strides = array<i32>} : memref<288xi32, #tpu.memory_space<vmem>>, vector<16xi32>,
      %get3A_183 = arith.constant 32 : index
      %get3A_184 = tpu.vector_load %arg14[%get3A_183] {strides = array<i32>} : memref<288xi32, #tpu.memory_space<vmem>>, vector<16xi32>,
      %swap3A_185 = arith.constant 32 : index
      %swap3A_186 = tpu.vector_load %arg16[%swap3A_185] {strides = array<i32>} : memref<288xi32, #tpu.memory_space<vmem>>, vector<16xi32>,
      tpu.vector_store %arg16[%swap3A_185], %get3A_184 {strides = array<i32>} : memref<288xi32, #tpu.memory_space<vmem>>, vector<16xi32>,
      %get3A_187 = arith.constant 48 : index
      %get3A_188 = tpu.vector_load %arg14[%get3A_187] {strides = array<i32>} : memref<288xi32, #tpu.memory_space<vmem>>, vector<16xi32>,
      %swap3A_189 = arith.constant 48 : index
      %swap3A_190 = tpu.vector_load %arg16[%swap3A_189] {strides = array<i32>} : memref<288xi32, #tpu.memory_space<vmem>>, vector<16xi32>,
      tpu.vector_store %arg16[%swap3A_189], %get3A_188 {strides = array<i32>} : memref<288xi32, #tpu.memory_space<vmem>>, vector<16xi32>,
      %get3A_191 = arith.constant 64 : index
      %get3A_192 = tpu.vector_load %arg14[%get3A_191] {strides = array<i32>} : memref<288xi32, #tpu.memory_space<vmem>>, vector<16xi32>,
      %swap3A_193 = arith.constant 64 : index
      %swap3A_194 = tpu.vector_load %arg16[%swap3A_193] {strides = array<i32>} : memref<288xi32, #tpu.memory_space<vmem>>, vector<16xi32>,
      tpu.vector_store %arg16[%swap3A_193], %get3A_192 {strides = array<i32>} : memref<288xi32, #tpu.memory_space<vmem>>, vector<16xi32>,
      %get3A_195 = arith.constant 80 : index
      %get3A_196 = tpu.vector_load %arg14[%get3A_195] {strides = array<i32>} : memref<288xi32, #tpu.memory_space<vmem>>, vector<16xi32>,
      %swap3A_197 = arith.constant 80 : index
      %swap3A_198 = tpu.vector_load %arg16[%swap3A_197] {strides = array<i32>} : memref<288xi32, #tpu.memory_space<vmem>>, vector<16xi32>,
      tpu.vector_store %arg16[%swap3A_197], %get3A_196 {strides = array<i32>} : memref<288xi32, #tpu.memory_space<vmem>>, vector<16xi32>,
      %get3A_199 = arith.constant 96 : index
      %get3A_200 = tpu.vector_load %arg14[%get3A_199] {strides = array<i32>} : memref<288xi32, #tpu.memory_space<vmem>>, vector<16xi32>,
      %swap3A_201 = arith.constant 96 : index
      %swap3A_202 = tpu.vector_load %arg16[%swap3A_201] {strides = array<i32>} : memref<288xi32, #tpu.memory_space<vmem>>, vector<16xi32>,
      tpu.vector_store %arg16[%swap3A_201], %get3A_200 {strides = array<i32>} : memref<288xi32, #tpu.memory_space<vmem>>, vector<16xi32>,
      %get3A_203 = arith.constant 112 : index
      %get3A_204 = tpu.vector_load %arg14[%get3A_203] {strides = array<i32>} : memref<288xi32, #tpu.memory_space<vmem>>, vector<16xi32>,
      %swap3A_205 = arith.constant 112 : index
      %swap3A_206 = tpu.vector_load %arg16[%swap3A_205] {strides = array<i32>} : memref<288xi32, #tpu.memory_space<vmem>>, vector<16xi32>,
      tpu.vector_store %arg16[%swap3A_205], %get3A_204 {strides = array<i32>} : memref<288xi32, #tpu.memory_space<vmem>>, vector<16xi32>,
      %get3A_207 = arith.constant 128 : index
      %get3A_208 = tpu.vector_load %arg14[%get3A_207] {strides = array<i32>} : memref<288xi32, #tpu.memory_space<vmem>>, vector<16xi32>,
      %swap3A_209 = arith.constant 128 : index
      %swap3A_210 = tpu.vector_load %arg16[%swap3A_209] {strides = array<i32>} : memref<288xi32, #tpu.memory_space<vmem>>, vector<16xi32>,
      tpu.vector_store %arg16[%swap3A_209], %get3A_208 {strides = array<i32>} : memref<288xi32, #tpu.memory_space<vmem>>, vector<16xi32>,
      %get3A_211 = arith.constant 144 : index
      %get3A_212 = tpu.vector_load %arg14[%get3A_211] {strides = array<i32>} : memref<288xi32, #tpu.memory_space<vmem>>, vector<16xi32>,
      %swap3A_213 = arith.constant 144 : index
      %swap3A_214 = tpu.vector_load %arg16[%swap3A_213] {strides = array<i32>} : memref<288xi32, #tpu.memory_space<vmem>>, vector<16xi32>,
      tpu.vector_store %arg16[%swap3A_213], %get3A_212 {strides = array<i32>} : memref<288xi32, #tpu.memory_space<vmem>>, vector<16xi32>,
      %get3A_215 = arith.constant 160 : index
      %get3A_216 = tpu.vector_load %arg14[%get3A_215] {strides = array<i32>} : memref<288xi32, #tpu.memory_space<vmem>>, vector<16xi32>,
      %swap3A_217 = arith.constant 160 : index
      %swap3A_218 = tpu.vector_load %arg16[%swap3A_217] {strides = array<i32>} : memref<288xi32, #tpu.memory_space<vmem>>, vector<16xi32>,
      tpu.vector_store %arg16[%swap3A_217], %get3A_216 {strides = array<i32>} : memref<288xi32, #tpu.memory_space<vmem>>, vector<16xi32>,
      %get3A_219 = arith.constant 176 : index
      %get3A_220 = tpu.vector_load %arg14[%get3A_219] {strides = array<i32>} : memref<288xi32, #tpu.memory_space<vmem>>, vector<16xi32>,
      %swap3A_221 = arith.constant 176 : index
      %swap3A_222 = tpu.vector_load %arg16[%swap3A_221] {strides = array<i32>} : memref<288xi32, #tpu.memory_space<vmem>>, vector<16xi32>,
      tpu.vector_store %arg16[%swap3A_221], %get3A_220 {strides = array<i32>} : memref<288xi32, #tpu.memory_space<vmem>>, vector<16xi32>,
      %get3A_223 = arith.constant 192 : index
      %get3A_224 = tpu.vector_load %arg14[%get3A_223] {strides = array<i32>} : memref<288xi32, #tpu.memory_space<vmem>>, vector<16xi32>,
      %swap3A_225 = arith.constant 192 : index
      %swap3A_226 = tpu.vector_load %arg16[%swap3A_225] {strides = array<i32>} : memref<288xi32, #tpu.memory_space<vmem>>, vector<16xi32>,
      tpu.vector_store %arg16[%swap3A_225], %get3A_224 {strides = array<i32>} : memref<288xi32, #tpu.memory_space<vmem>>, vector<16xi32>,
      %get3A_227 = arith.constant 208 : index
      %get3A_228 = tpu.vector_load %arg14[%get3A_227] {strides = array<i32>} : memref<288xi32, #tpu.memory_space<vmem>>, vector<16xi32>,
      %swap3A_229 = arith.constant 208 : index
      %swap3A_230 = tpu.vector_load %arg16[%swap3A_229] {strides = array<i32>} : memref<288xi32, #tpu.memory_space<vmem>>, vector<16xi32>,
      tpu.vector_store %arg16[%swap3A_229], %get3A_228 {strides = array<i32>} : memref<288xi32, #tpu.memory_space<vmem>>, vector<16xi32>,
      %get3A_231 = arith.constant 224 : index
      %get3A_232 = tpu.vector_load %arg14[%get3A_231] {strides = array<i32>} : memref<288xi32, #tpu.memory_space<vmem>>, vector<16xi32>,
      %swap3A_233 = arith.constant 224 : index
      %swap3A_234 = tpu.vector_load %arg16[%swap3A_233] {strides = array<i32>} : memref<288xi32, #tpu.memory_space<vmem>>, vector<16xi32>,
      tpu.vector_store %arg16[%swap3A_233], %get3A_232 {strides = array<i32>} : memref<288xi32, #tpu.memory_space<vmem>>, vector<16xi32>,
      %get3A_235 = arith.constant 240 : index
      %get3A_236 = tpu.vector_load %arg14[%get3A_235] {strides = array<i32>} : memref<288xi32, #tpu.memory_space<vmem>>, vector<16xi32>,
      %swap3A_237 = arith.constant 240 : index
      %swap3A_238 = tpu.vector_load %arg16[%swap3A_237] {strides = array<i32>} : memref<288xi32, #tpu.memory_space<vmem>>, vector<16xi32>,
      tpu.vector_store %arg16[%swap3A_237], %get3A_236 {strides = array<i32>} : memref<288xi32, #tpu.memory_space<vmem>>, vector<16xi32>,
      %get3A_239 = arith.constant 256 : index
      %get3A_240 = tpu.vector_load %arg14[%get3A_239] {strides = array<i32>} : memref<288xi32, #tpu.memory_space<vmem>>, vector<16xi32>,
      %swap3A_241 = arith.constant 256 : index
      %swap3A_242 = tpu.vector_load %arg16[%swap3A_241] {strides = array<i32>} : memref<288xi32, #tpu.memory_space<vmem>>, vector<16xi32>,
      tpu.vector_store %arg16[%swap3A_241], %get3A_240 {strides = array<i32>} : memref<288xi32, #tpu.memory_space<vmem>>, vector<16xi32>,
      %get3A_243 = arith.constant 272 : index
      %get3A_244 = tpu.vector_load %arg14[%get3A_243] {strides = array<i32>} : memref<288xi32, #tpu.memory_space<vmem>>, vector<16xi32>,
      %swap3A_245 = arith.constant 272 : index
      %swap3A_246 = tpu.vector_load %arg16[%swap3A_245] {strides = array<i32>} : memref<288xi32, #tpu.memory_space<vmem>>, vector<16xi32>,
      tpu.vector_store %arg16[%swap3A_245], %get3A_244 {strides = array<i32>} : memref<288xi32, #tpu.memory_space<vmem>>, vector<16xi32>,
      %iota3A_247 = tpu.iota {dimensions = array<i32: 0>} : vector<16xi32>
      %eq3A_248 = arith.constant 0 : i32
      %eq3A_249 = vector.broadcast %eq3A_248 : i32 to vector<16xi32>
      %eq3A_250 = arith.cmpi eq, %iota3A_247, %eq3A_249 : vector<16xi32>
      %parallel_loop3A_251 = arith.constant 0 : i32
      %parallel_loop3A_252 = arith.constant 288 : i32
      %parallel_loop3A_253 = arith.constant 1 : i32
      scf.for %parallel_loop3A_266 = %parallel_loop3A_251 to %parallel_loop3A_252 step %parallel_loop3A_253  : i32 {
        %parallel_loop3A_267 = arith.index_cast %parallel_loop3A_266 : i32 to index
        %parallel_loop3A_268 = arith.constant 0 : index
        %parallel_loop3A_269 = tpu.vector_load %arg20[%parallel_loop3A_267, %parallel_loop3A_268] {strides = array<i32>} : memref<288x64xbf16, #tpu.memory_space<vmem>>, vector<32xbf16>,
        %parallel_loop3A_270 = arith.index_cast %parallel_loop3A_266 : i32 to index
        %parallel_loop3A_271 = arith.constant 0 : index
        %parallel_loop3A_272 = tpu.vector_load %arg22[%parallel_loop3A_270, %parallel_loop3A_271] {strides = array<i32>} : memref<288x64xbf16, #tpu.memory_space<vmem>>, vector<32xbf16>,
        %parallel_loop3A_273 = tpu.unpack_subelements %parallel_loop3A_269, 0 {pack_format = #tpu.pack_format<interleaved>} : vector<32xbf16> -> vector<16xf32>
        %parallel_loop3A_274 = tpu.unpack_subelements %parallel_loop3A_269, 1 {pack_format = #tpu.pack_format<interleaved>} : vector<32xbf16> -> vector<16xf32>
        %parallel_loop3A_275 = tpu.unpack_subelements %parallel_loop3A_272, 0 {pack_format = #tpu.pack_format<interleaved>} : vector<32xbf16> -> vector<16xf32>
        %parallel_loop3A_276 = tpu.unpack_subelements %parallel_loop3A_272, 1 {pack_format = #tpu.pack_format<interleaved>} : vector<32xbf16> -> vector<16xf32>
        %parallel_loop3A_277 = arith.addf %parallel_loop3A_273, %parallel_loop3A_275 : vector<16xf32>
        %parallel_loop3A_278 = arith.constant 2.000000e-01 : f32
        %parallel_loop3A_279 = vector.broadcast %parallel_loop3A_278 : f32 to vector<16xf32>
        %parallel_loop3A_280 = arith.mulf %parallel_loop3A_279, %parallel_loop3A_277 : vector<16xf32>
        %parallel_loop3A_281 = arith.maximumf %parallel_loop3A_277, %parallel_loop3A_280 : vector<16xf32>
        %parallel_loop3A_282 = arith.mulf %get3A_5, %parallel_loop3A_281 : vector<16xf32>
        %parallel_loop3A_283 = arith.addf %parallel_loop3A_274, %parallel_loop3A_276 : vector<16xf32>
        %parallel_loop3A_284 = arith.constant 2.000000e-01 : f32
        %parallel_loop3A_285 = vector.broadcast %parallel_loop3A_284 : f32 to vector<16xf32>
        %parallel_loop3A_286 = arith.mulf %parallel_loop3A_285, %parallel_loop3A_283 : vector<16xf32>
        %parallel_loop3A_287 = arith.maximumf %parallel_loop3A_283, %parallel_loop3A_286 : vector<16xf32>
        %parallel_loop3A_288 = arith.mulf %get3A_7, %parallel_loop3A_287 : vector<16xf32>
        %parallel_loop3A_289 = arith.addf %parallel_loop3A_282, %parallel_loop3A_288 : vector<16xf32>
        %parallel_loop3A_290 = arith.index_cast %parallel_loop3A_266 : i32 to index
        %parallel_loop3A_291 = arith.constant 32 : index
        %parallel_loop3A_292 = tpu.vector_load %arg20[%parallel_loop3A_290, %parallel_loop3A_291] {strides = array<i32>} : memref<288x64xbf16, #tpu.memory_space<vmem>>, vector<32xbf16>,
        %parallel_loop3A_293 = arith.index_cast %parallel_loop3A_266 : i32 to index
        %parallel_loop3A_294 = arith.constant 32 : index
        %parallel_loop3A_295 = tpu.vector_load %arg22[%parallel_loop3A_293, %parallel_loop3A_294] {strides = array<i32>} : memref<288x64xbf16, #tpu.memory_space<vmem>>, vector<32xbf16>,
        %parallel_loop3A_296 = tpu.unpack_subelements %parallel_loop3A_292, 0 {pack_format = #tpu.pack_format<interleaved>} : vector<32xbf16> -> vector<16xf32>
        %parallel_loop3A_297 = tpu.unpack_subelements %parallel_loop3A_292, 1 {pack_format = #tpu.pack_format<interleaved>} : vector<32xbf16> -> vector<16xf32>
        %parallel_loop3A_298 = tpu.unpack_subelements %parallel_loop3A_295, 0 {pack_format = #tpu.pack_format<interleaved>} : vector<32xbf16> -> vector<16xf32>
        %parallel_loop3A_299 = tpu.unpack_subelements %parallel_loop3A_295, 1 {pack_format = #tpu.pack_format<interleaved>} : vector<32xbf16> -> vector<16xf32>
        %parallel_loop3A_300 = arith.addf %parallel_loop3A_296, %parallel_loop3A_298 : vector<16xf32>
        %parallel_loop3A_301 = arith.constant 2.000000e-01 : f32
        %parallel_loop3A_302 = vector.broadcast %parallel_loop3A_301 : f32 to vector<16xf32>
        %parallel_loop3A_303 = arith.mulf %parallel_loop3A_302, %parallel_loop3A_300 : vector<16xf32>
        %parallel_loop3A_304 = arith.maximumf %parallel_loop3A_300, %parallel_loop3A_303 : vector<16xf32>
        %parallel_loop3A_305 = arith.mulf %get3A_9, %parallel_loop3A_304 : vector<16xf32>
        %parallel_loop3A_306 = arith.addf %parallel_loop3A_289, %parallel_loop3A_305 : vector<16xf32>
        %parallel_loop3A_307 = arith.addf %parallel_loop3A_297, %parallel_loop3A_299 : vector<16xf32>
        %parallel_loop3A_308 = arith.constant 2.000000e-01 : f32
        %parallel_loop3A_309 = vector.broadcast %parallel_loop3A_308 : f32 to vector<16xf32>
        %parallel_loop3A_310 = arith.mulf %parallel_loop3A_309, %parallel_loop3A_307 : vector<16xf32>
        %parallel_loop3A_311 = arith.maximumf %parallel_loop3A_307, %parallel_loop3A_310 : vector<16xf32>
        %parallel_loop3A_312 = arith.mulf %get3A_11, %parallel_loop3A_311 : vector<16xf32>
        %parallel_loop3A_313 = arith.addf %parallel_loop3A_306, %parallel_loop3A_312 : vector<16xf32>
        %parallel_loop3A_314 = arith.constant true
        %parallel_loop3A_315 = vector.broadcast %parallel_loop3A_314 : i1 to vector<16xi1>
        %parallel_loop3A_316 = tpu.scan <sum>, %parallel_loop3A_313 masked %parallel_loop3A_315 : vector<16xf32>, vector<16xi1> -> vector<16xf32>
        %parallel_loop3A_317 = vector.extract %parallel_loop3A_316[15] : f32 from vector<16xf32>
        %parallel_loop3A_318 = vector.broadcast %parallel_loop3A_317 : f32 to vector<16xf32>
        %parallel_loop3A_319 = math.exp %parallel_loop3A_318 : vector<16xf32>
        %parallel_loop3A_320 = arith.addi %add3A_163, %parallel_loop3A_266 : i32
        %parallel_loop3A_321 = arith.constant 330000 : i32
        %parallel_loop3A_322 = arith.cmpi slt, %parallel_loop3A_320, %parallel_loop3A_321 : i32
        %parallel_loop3A_323 = arith.constant 0.000000e+00 : f32
        %parallel_loop3A_324 = vector.broadcast %parallel_loop3A_323 : f32 to vector<16xf32>
        %parallel_loop3A_325 = arith.select %parallel_loop3A_322, %parallel_loop3A_319, %parallel_loop3A_324 : vector<16xf32>
        %parallel_loop3A_326 = vector.broadcast %parallel_loop3A_266 : i32 to vector<16xi32>
        tpu.vector_store_idx %arg18[%parallel_loop3A_326], %parallel_loop3A_325 masked %eq3A_250 : memref<288xf32, #tpu.memory_space<vmem>>[vector<16xi32>], vector<16xf32>, vector<16xi1>
        %parallel_loop3A_327 = arith.mulf %parallel_loop3A_273, %parallel_loop3A_325 : vector<16xf32>
        %parallel_loop3A_328 = arith.index_cast %parallel_loop3A_266 : i32 to index
        %parallel_loop3A_329 = arith.constant 0 : index
        %parallel_loop3A_330 = tpu.vector_load %arg24[%parallel_loop3A_328, %parallel_loop3A_329] {strides = array<i32>} : memref<288x64xf32, #tpu.memory_space<vmem>>, vector<16xf32>,
        tpu.vector_store %arg24[%parallel_loop3A_328, %parallel_loop3A_329], %parallel_loop3A_327 {strides = array<i32>} : memref<288x64xf32, #tpu.memory_space<vmem>>, vector<16xf32>,
        %parallel_loop3A_331 = arith.mulf %parallel_loop3A_274, %parallel_loop3A_325 : vector<16xf32>
        %parallel_loop3A_332 = arith.index_cast %parallel_loop3A_266 : i32 to index
        %parallel_loop3A_333 = arith.constant 16 : index
        %parallel_loop3A_334 = tpu.vector_load %arg24[%parallel_loop3A_332, %parallel_loop3A_333] {strides = array<i32>} : memref<288x64xf32, #tpu.memory_space<vmem>>, vector<16xf32>,
        tpu.vector_store %arg24[%parallel_loop3A_332, %parallel_loop3A_333], %parallel_loop3A_331 {strides = array<i32>} : memref<288x64xf32, #tpu.memory_space<vmem>>, vector<16xf32>,
        %parallel_loop3A_335 = arith.mulf %parallel_loop3A_296, %parallel_loop3A_325 : vector<16xf32>
        %parallel_loop3A_336 = arith.index_cast %parallel_loop3A_266 : i32 to index
        %parallel_loop3A_337 = arith.constant 32 : index
        %parallel_loop3A_338 = tpu.vector_load %arg24[%parallel_loop3A_336, %parallel_loop3A_337] {strides = array<i32>} : memref<288x64xf32, #tpu.memory_space<vmem>>, vector<16xf32>,
        tpu.vector_store %arg24[%parallel_loop3A_336, %parallel_loop3A_337], %parallel_loop3A_335 {strides = array<i32>} : memref<288x64xf32, #tpu.memory_space<vmem>>, vector<16xf32>,
        %parallel_loop3A_339 = arith.mulf %parallel_loop3A_297, %parallel_loop3A_325 : vector<16xf32>
        %parallel_loop3A_340 = arith.index_cast %parallel_loop3A_266 : i32 to index
        %parallel_loop3A_341 = arith.constant 48 : index
        %parallel_loop3A_342 = tpu.vector_load %arg24[%parallel_loop3A_340, %parallel_loop3A_341] {strides = array<i32>} : memref<288x64xf32, #tpu.memory_space<vmem>>, vector<16xf32>,
        tpu.vector_store %arg24[%parallel_loop3A_340, %parallel_loop3A_341], %parallel_loop3A_339 {strides = array<i32>} : memref<288x64xf32, #tpu.memory_space<vmem>>, vector<16xf32>,
      } {sc.loop_unroll_factor = 8 : i64, sc.parallel_access}
      %dma_start3A_254 = arith.constant 0 : i32
      %dma_start3A_255 = tpu.memref_slice %arg27[%dma_start3A_254] : memref<10240xf32, #tpu.memory_space<vmem_shared>> -> memref<10240xf32, #tpu.memory_space<vmem_shared>>
      tpu.enqueue_indirect_dma source(%arg18 : memref<288xf32, #tpu.memory_space<vmem>>) target(%dma_start3A_255 : memref<10240xf32, #tpu.memory_space<vmem_shared>>) offsets(%arg16 : memref<288xi32, #tpu.memory_space<vmem>>) semaphore(%arg31 : memref<!tpu.dma_semaphore, #tpu.memory_space<semaphore_mem>>) {add = true}
      %dma_start3A_256 = arith.constant 0 : i32
      %dma_start3A_257 = arith.constant 0 : i32
      %dma_start3A_258 = tpu.memref_slice %arg26[%dma_start3A_256, %dma_start3A_257] : memref<10240x64xf32, #tpu.memory_space<vmem_shared>> -> memref<10240x64xf32, #tpu.memory_space<vmem_shared>>
      tpu.enqueue_indirect_dma source(%arg24 : memref<288x64xf32, #tpu.memory_space<vmem>>) target(%dma_start3A_258 : memref<10240x64xf32, #tpu.memory_space<vmem_shared>>) offsets(%arg16 : memref<288xi32, #tpu.memory_space<vmem>>) semaphore(%arg31 : memref<!tpu.dma_semaphore, #tpu.memory_space<semaphore_mem>>) {add = true}
      %add3A_259 = arith.constant 2 : i32
      %add3A_260 = arith.addi %add3A_158, %add3A_259 : i32
      %lt3A_261 = arith.constant 36 : i32
      %lt3A_262 = arith.cmpi slt, %add3A_260, %lt3A_261 : i32
      %convert_element_type3A_263 = arith.extui %lt3A_262 : i1 to i32
      %cond3A_264 = arith.constant 0 : i32
      %cond3A_265 = arith.cmpi ne, %convert_element_type3A_263, %cond3A_264 : i32
      scf.if %cond3A_265 {
        %add3A_266 = arith.constant 2 : i32
        %add3A_267 = arith.addi %add3A_158, %add3A_266 : i32
        %mul3A_268 = arith.constant 10368 : i32
        %mul3A_269 = arith.muli %add3A, %mul3A_268 : i32
        %mul3A_270 = arith.constant 288 : i32
        %mul3A_271 = arith.muli %add3A_267, %mul3A_270 : i32
        %add3A_272 = arith.addi %mul3A_269, %mul3A_271 : i32
        "tpu.region"() ({
          %run_scoped3A = tpu.sem_alloc : memref<!tpu.dma_semaphore, #tpu.memory_space<semaphore_mem>>
          %dma_start3A_279 = tpu.memref_slice %arg2[%add3A_272] : memref<331776xi32, #tpu.memory_space<hbm>> -> memref<288xi32, #tpu.memory_space<hbm>>
          %dma_start3A_280 = tpu.memref_slice %arg2[%add3A_272] : memref<331776xi32, #tpu.memory_space<hbm>> -> memref<288xi32, #tpu.memory_space<hbm>>
          tpu.enqueue_dma source(%dma_start3A_280 : memref<288xi32, #tpu.memory_space<hbm>>) target(%arg12 : memref<288xi32, #tpu.memory_space<vmem>>) target_semaphore(%run_scoped3A : memref<!tpu.dma_semaphore, #tpu.memory_space<semaphore_mem>>)
          %dma_wait3A_281 = tpu.memref_slice %arg2[%add3A_272] : memref<331776xi32, #tpu.memory_space<hbm>> -> memref<288xi32, #tpu.memory_space<hbm>>
          %dma_wait3A_282 = tpu.memref_slice %arg2[%add3A_272] : memref<331776xi32, #tpu.memory_space<hbm>> -> memref<288xi32, #tpu.memory_space<hbm>>
          tpu.wait_dma2 semaphore(%run_scoped3A : memref<!tpu.dma_semaphore, #tpu.memory_space<semaphore_mem>>) src(%dma_wait3A_282 : memref<288xi32, #tpu.memory_space<hbm>>) dst(%arg12 : memref<288xi32, #tpu.memory_space<vmem>>)
          tpu.yield
        }) : () -> ()
        "tpu.region"() ({
          %run_scoped3A = tpu.sem_alloc : memref<!tpu.dma_semaphore, #tpu.memory_space<semaphore_mem>>
          %dma_start3A_279 = tpu.memref_slice %arg3[%add3A_272] : memref<331776xi32, #tpu.memory_space<hbm>> -> memref<288xi32, #tpu.memory_space<hbm>>
          %dma_start3A_280 = tpu.memref_slice %arg3[%add3A_272] : memref<331776xi32, #tpu.memory_space<hbm>> -> memref<288xi32, #tpu.memory_space<hbm>>
          tpu.enqueue_dma source(%dma_start3A_280 : memref<288xi32, #tpu.memory_space<hbm>>) target(%arg14 : memref<288xi32, #tpu.memory_space<vmem>>) target_semaphore(%run_scoped3A : memref<!tpu.dma_semaphore, #tpu.memory_space<semaphore_mem>>)
          %dma_wait3A_281 = tpu.memref_slice %arg3[%add3A_272] : memref<331776xi32, #tpu.memory_space<hbm>> -> memref<288xi32, #tpu.memory_space<hbm>>
          %dma_wait3A_282 = tpu.memref_slice %arg3[%add3A_272] : memref<331776xi32, #tpu.memory_space<hbm>> -> memref<288xi32, #tpu.memory_space<hbm>>
          tpu.wait_dma2 semaphore(%run_scoped3A : memref<!tpu.dma_semaphore, #tpu.memory_space<semaphore_mem>>) src(%dma_wait3A_282 : memref<288xi32, #tpu.memory_space<hbm>>) dst(%arg14 : memref<288xi32, #tpu.memory_space<vmem>>)
          tpu.yield
        }) : () -> ()
        %dma_start3A_273 = arith.constant 0 : i32
        %dma_start3A_274 = arith.constant 0 : i32
        %dma_start3A_275 = tpu.memref_slice %arg4[%dma_start3A_273, %dma_start3A_274] : memref<10000x64xbf16, #tpu.memory_space<hbm>> -> memref<10000x64xbf16, #tpu.memory_space<hbm>>
        tpu.enqueue_indirect_dma source(%dma_start3A_275 : memref<10000x64xbf16, #tpu.memory_space<hbm>>) target(%arg20 : memref<288x64xbf16, #tpu.memory_space<vmem>>) offsets(%arg12 : memref<288xi32, #tpu.memory_space<vmem>>) semaphore(%arg29 : memref<!tpu.dma_semaphore, #tpu.memory_space<semaphore_mem>>)
        %dma_start3A_276 = arith.constant 0 : i32
        %dma_start3A_277 = arith.constant 0 : i32
        %dma_start3A_278 = tpu.memref_slice %arg5[%dma_start3A_276, %dma_start3A_277] : memref<10000x64xbf16, #tpu.memory_space<hbm>> -> memref<10000x64xbf16, #tpu.memory_space<hbm>>
        tpu.enqueue_indirect_dma source(%dma_start3A_278 : memref<10000x64xbf16, #tpu.memory_space<hbm>>) target(%arg22 : memref<288x64xbf16, #tpu.memory_space<vmem>>) offsets(%arg14 : memref<288xi32, #tpu.memory_space<vmem>>) semaphore(%arg29 : memref<!tpu.dma_semaphore, #tpu.memory_space<semaphore_mem>>)
      } else {
      }
    }
    %scan3A_34 = arith.constant 18 : i32
    %dma_wait3A = arith.constant 0 : i32
    %dma_wait3A_35 = tpu.memref_slice %arg27[%dma_wait3A] : memref<10240xf32, #tpu.memory_space<vmem_shared>> -> memref<10240xf32, #tpu.memory_space<vmem_shared>>
    tpu.wait_indirect_dma semaphore(%arg30 : memref<!tpu.dma_semaphore, #tpu.memory_space<semaphore_mem>>) src(%arg17 : memref<288xf32, #tpu.memory_space<vmem>>) dst(%dma_wait3A_35 : memref<10240xf32, #tpu.memory_space<vmem_shared>>)
    %dma_wait3A_36 = arith.constant 0 : i32
    %dma_wait3A_37 = arith.constant 0 : i32
    %dma_wait3A_38 = tpu.memref_slice %arg26[%dma_wait3A_36, %dma_wait3A_37] : memref<10240x64xf32, #tpu.memory_space<vmem_shared>> -> memref<10240x64xf32, #tpu.memory_space<vmem_shared>>
    tpu.wait_indirect_dma semaphore(%arg30 : memref<!tpu.dma_semaphore, #tpu.memory_space<semaphore_mem>>) src(%arg23 : memref<288x64xf32, #tpu.memory_space<vmem>>) dst(%dma_wait3A_38 : memref<10240x64xf32, #tpu.memory_space<vmem_shared>>)
    %dma_wait3A_39 = arith.constant 0 : i32
    %dma_wait3A_40 = tpu.memref_slice %arg27[%dma_wait3A_39] : memref<10240xf32, #tpu.memory_space<vmem_shared>> -> memref<10240xf32, #tpu.memory_space<vmem_shared>>
    tpu.wait_indirect_dma semaphore(%arg31 : memref<!tpu.dma_semaphore, #tpu.memory_space<semaphore_mem>>) src(%arg18 : memref<288xf32, #tpu.memory_space<vmem>>) dst(%dma_wait3A_40 : memref<10240xf32, #tpu.memory_space<vmem_shared>>)
    %dma_wait3A_41 = arith.constant 0 : i32
    %dma_wait3A_42 = arith.constant 0 : i32
    %dma_wait3A_43 = tpu.memref_slice %arg26[%dma_wait3A_41, %dma_wait3A_42] : memref<10240x64xf32, #tpu.memory_space<vmem_shared>> -> memref<10240x64xf32, #tpu.memory_space<vmem_shared>>
    tpu.wait_indirect_dma semaphore(%arg31 : memref<!tpu.dma_semaphore, #tpu.memory_space<semaphore_mem>>) src(%arg24 : memref<288x64xf32, #tpu.memory_space<vmem>>) dst(%dma_wait3A_43 : memref<10240x64xf32, #tpu.memory_space<vmem_shared>>)
    %barrier3A_44 = arith.constant 0 : index
    tpu.barrier barrier_id(%barrier3A_44)
    "tpu.region"() ({
      %run_scoped3A = tpu.sem_alloc : memref<!tpu.dma_semaphore, #tpu.memory_space<semaphore_mem>>
      %dma_start3A_50 = arith.constant 0 : i32
      %dma_start3A_51 = arith.constant 0 : i32
      %dma_start3A_52 = tpu.memref_slice %arg9[%arg0, %dma_start3A_50, %dma_start3A_51] : memref<2x10240x64xf32, #tpu.memory_space<hbm>> -> memref<1x10240x64xf32, #tpu.memory_space<hbm>>
      %dma_start3A_53 = tpu.memref_squeeze %dma_start3A_52 : memref<1x10240x64xf32, #tpu.memory_space<hbm>> -> memref<10240x64xf32, #tpu.memory_space<hbm>>
      %dma_start3A_54 = arith.constant 0 : i32
      %dma_start3A_55 = tpu.memref_slice %dma_start3A_53[%mul3A_2, %dma_start3A_54] : memref<10240x64xf32, #tpu.memory_space<hbm>> -> memref<640x64xf32, #tpu.memory_space<hbm>>
      %dma_start3A_56 = arith.constant 0 : i32
      %dma_start3A_57 = tpu.memref_slice %arg26[%mul3A_2, %dma_start3A_56] : memref<10240x64xf32, #tpu.memory_space<vmem_shared>> -> memref<640x64xf32, #tpu.memory_space<vmem_shared>>
      tpu.enqueue_dma source(%dma_start3A_57 : memref<640x64xf32, #tpu.memory_space<vmem_shared>>) target(%dma_start3A_55 : memref<640x64xf32, #tpu.memory_space<hbm>>) target_semaphore(%run_scoped3A : memref<!tpu.dma_semaphore, #tpu.memory_space<semaphore_mem>>)
      %dma_wait3A_58 = arith.constant 0 : i32
      %dma_wait3A_59 = arith.constant 0 : i32
      %dma_wait3A_60 = tpu.memref_slice %arg9[%arg0, %dma_wait3A_58, %dma_wait3A_59] : memref<2x10240x64xf32, #tpu.memory_space<hbm>> -> memref<1x10240x64xf32, #tpu.memory_space<hbm>>
      %dma_wait3A_61 = tpu.memref_squeeze %dma_wait3A_60 : memref<1x10240x64xf32, #tpu.memory_space<hbm>> -> memref<10240x64xf32, #tpu.memory_space<hbm>>
      %dma_wait3A_62 = arith.constant 0 : i32
      %dma_wait3A_63 = tpu.memref_slice %dma_wait3A_61[%mul3A_2, %dma_wait3A_62] : memref<10240x64xf32, #tpu.memory_space<hbm>> -> memref<640x64xf32, #tpu.memory_space<hbm>>
      %dma_wait3A_64 = arith.constant 0 : i32
      %dma_wait3A_65 = tpu.memref_slice %arg26[%mul3A_2, %dma_wait3A_64] : memref<10240x64xf32, #tpu.memory_space<vmem_shared>> -> memref<640x64xf32, #tpu.memory_space<vmem_shared>>
      tpu.wait_dma2 semaphore(%run_scoped3A : memref<!tpu.dma_semaphore, #tpu.memory_space<semaphore_mem>>) src(%dma_wait3A_65 : memref<640x64xf32, #tpu.memory_space<vmem_shared>>) dst(%dma_wait3A_63 : memref<640x64xf32, #tpu.memory_space<hbm>>)
      tpu.yield
    }) : () -> ()
    %eq3A_45 = arith.constant 0 : i32
    %eq3A_46 = arith.cmpi eq, %arg1, %eq3A_45 : i32
    %convert_element_type3A_47 = arith.extui %eq3A_46 : i1 to i32
    %cond3A_48 = arith.constant 0 : i32
    %cond3A_49 = arith.cmpi ne, %convert_element_type3A_47, %cond3A_48 : i32
    scf.if %cond3A_49 {
      "tpu.region"() ({
        %run_scoped3A = tpu.sem_alloc : memref<!tpu.dma_semaphore, #tpu.memory_space<semaphore_mem>>
        %dma_start3A_50 = arith.constant 0 : i32
        %dma_start3A_51 = tpu.memref_slice %arg10[%arg0, %dma_start3A_50] : memref<2x10240xf32, #tpu.memory_space<hbm>> -> memref<1x10240xf32, #tpu.memory_space<hbm>>
        %dma_start3A_52 = tpu.memref_squeeze %dma_start3A_51 : memref<1x10240xf32, #tpu.memory_space<hbm>> -> memref<10240xf32, #tpu.memory_space<hbm>>
        tpu.enqueue_dma source(%arg27 : memref<10240xf32, #tpu.memory_space<vmem_shared>>) target(%dma_start3A_52 : memref<10240xf32, #tpu.memory_space<hbm>>) target_semaphore(%run_scoped3A : memref<!tpu.dma_semaphore, #tpu.memory_space<semaphore_mem>>)
        %dma_wait3A_53 = arith.constant 0 : i32
        %dma_wait3A_54 = tpu.memref_slice %arg10[%arg0, %dma_wait3A_53] : memref<2x10240xf32, #tpu.memory_space<hbm>> -> memref<1x10240xf32, #tpu.memory_space<hbm>>
        %dma_wait3A_55 = tpu.memref_squeeze %dma_wait3A_54 : memref<1x10240xf32, #tpu.memory_space<hbm>> -> memref<10240xf32, #tpu.memory_space<hbm>>
        tpu.wait_dma2 semaphore(%run_scoped3A : memref<!tpu.dma_semaphore, #tpu.memory_space<semaphore_mem>>) src(%arg27 : memref<10240xf32, #tpu.memory_space<vmem_shared>>) dst(%dma_wait3A_55 : memref<10240xf32, #tpu.memory_space<hbm>>)
        tpu.yield
      }) : () -> ()
    } else {
    }
    return
  }
}

module attributes {stable_mosaic.version = 14 : i64} {
  func.func @_transform1_body(%arg0: i32, %arg1: memref<2000x128xf32, #tpu.memory_space<vmem>>, %arg2: memref<64x128xf32, #tpu.memory_space<vmem>>, %arg3: memref<64xf32, #tpu.memory_space<vmem>>, %arg4: memref<64x128xf32, #tpu.memory_space<vmem>>, %arg5: memref<64xf32, #tpu.memory_space<vmem>>, %arg6: memref<2000x64xbf16, #tpu.memory_space<vmem>>, %arg7: memref<2000x64xbf16, #tpu.memory_space<vmem>>) attributes {dimension_semantics = [#tpu.dimension_semantics<arbitrary>], iteration_bounds = array<i64: 5>, scalar_prefetch = 0 : i64, scratch_operands = 0 : i64, tpu.core_type = #tpu.core_type<tc>, window_params = [{transform_indices = @transform_0, window_bounds = array<i64: 2000, 128>}, {pipeline_mode = #tpu.pipeline_mode<synchronous>, transform_indices = @transform_1, window_bounds = array<i64: 64, 128>}, {pipeline_mode = #tpu.pipeline_mode<synchronous>, transform_indices = @transform_2, window_bounds = array<i64: 64>}, {pipeline_mode = #tpu.pipeline_mode<synchronous>, transform_indices = @transform_3, window_bounds = array<i64: 64, 128>}, {pipeline_mode = #tpu.pipeline_mode<synchronous>, transform_indices = @transform_4, window_bounds = array<i64: 64>}, {transform_indices = @transform_5, window_bounds = array<i64: 2000, 64>}, {transform_indices = @transform_6, window_bounds = array<i64: 2000, 64>}]} {
    %get3A = arith.constant 0 : index
    %get3A_0 = arith.constant 0 : index
    %get3A_1 = vector.load %arg1[%get3A, %get3A_0] : memref<2000x128xf32, #tpu.memory_space<vmem>>, vector<2000x128xf32>
    %get3A_2 = arith.constant 0 : index
    %get3A_3 = arith.constant 0 : index
    %get3A_4 = vector.load %arg2[%get3A_2, %get3A_3] : memref<64x128xf32, #tpu.memory_space<vmem>>, vector<64x128xf32>
    %dot_general3A = arith.constant dense<0.000000e+00> : vector<2000x64xf32>
    %dot_general3A_5 = tpu.matmul %get3A_1, %get3A_4, %dot_general3A {dimension_numbers = #tpu.dot_dimension_numbers<[1], [1], [0], [0], [0, 0, 1, 0], [], []>, transpose_lhs_hint = false} : vector<2000x128xf32>, vector<64x128xf32>, vector<2000x64xf32> -> vector<2000x64xf32>
    %get3A_6 = arith.constant 0 : index
    %get3A_7 = vector.load %arg3[%get3A_6] : memref<64xf32, #tpu.memory_space<vmem>>, vector<64xf32>
    %broadcast_in_dim3A = vector.shape_cast %get3A_7 : vector<64xf32> to vector<1x64xf32>
    %add3A = vector.broadcast %broadcast_in_dim3A : vector<1x64xf32> to vector<2000x64xf32>
    %add3A_8 = arith.addf %dot_general3A_5, %add3A : vector<2000x64xf32>
    %convert_element_type3A = arith.truncf %add3A_8 : vector<2000x64xf32> to vector<2000x64xbf16>
    %swap3A = arith.constant 0 : index
    %swap3A_9 = arith.constant 0 : index
    %swap3A_10 = vector.load %arg6[%swap3A, %swap3A_9] : memref<2000x64xbf16, #tpu.memory_space<vmem>>, vector<2000x64xbf16>
    tpu.vector_store %arg6[%swap3A, %swap3A_9], %convert_element_type3A {strides = array<i32>} : memref<2000x64xbf16, #tpu.memory_space<vmem>>, vector<2000x64xbf16>,
    %get3A_11 = arith.constant 0 : index
    %get3A_12 = arith.constant 0 : index
    %get3A_13 = vector.load %arg4[%get3A_11, %get3A_12] : memref<64x128xf32, #tpu.memory_space<vmem>>, vector<64x128xf32>
    %dot_general3A_14 = arith.constant dense<0.000000e+00> : vector<2000x64xf32>
    %dot_general3A_15 = tpu.matmul %get3A_1, %get3A_13, %dot_general3A_14 {dimension_numbers = #tpu.dot_dimension_numbers<[1], [1], [0], [0], [0, 0, 1, 0], [], []>, transpose_lhs_hint = false} : vector<2000x128xf32>, vector<64x128xf32>, vector<2000x64xf32> -> vector<2000x64xf32>
    %get3A_16 = arith.constant 0 : index
    %get3A_17 = vector.load %arg5[%get3A_16] : memref<64xf32, #tpu.memory_space<vmem>>, vector<64xf32>
    %broadcast_in_dim3A_18 = vector.shape_cast %get3A_17 : vector<64xf32> to vector<1x64xf32>
    %add3A_19 = vector.broadcast %broadcast_in_dim3A_18 : vector<1x64xf32> to vector<2000x64xf32>
    %add3A_20 = arith.addf %dot_general3A_15, %add3A_19 : vector<2000x64xf32>
    %convert_element_type3A_21 = arith.truncf %add3A_20 : vector<2000x64xf32> to vector<2000x64xbf16>
    %swap3A_22 = arith.constant 0 : index
    %swap3A_23 = arith.constant 0 : index
    %swap3A_24 = vector.load %arg7[%swap3A_22, %swap3A_23] : memref<2000x64xbf16, #tpu.memory_space<vmem>>, vector<2000x64xbf16>
    tpu.vector_store %arg7[%swap3A_22, %swap3A_23], %convert_element_type3A_21 {strides = array<i32>} : memref<2000x64xbf16, #tpu.memory_space<vmem>>, vector<2000x64xbf16>,
    return
  }
  func.func @transform_0(%arg0: i32) -> (i32, i32) {
    %c0_i32 = arith.constant 0 : i32
    %c0_i32_0 = arith.constant 0 : i32
    return %arg0, %c0_i32 : i32, i32
  }
  func.func @transform_1(%arg0: i32) -> (i32, i32) {
    %c0_i32 = arith.constant 0 : i32
    %c0_i32_0 = arith.constant 0 : i32
    %c0_i32_1 = arith.constant 0 : i32
    return %c0_i32, %c0_i32_0 : i32, i32
  }
  func.func @transform_2(%arg0: i32) -> i32 {
    %c0_i32 = arith.constant 0 : i32
    %c0_i32_0 = arith.constant 0 : i32
    return %c0_i32 : i32
  }
  func.func @transform_3(%arg0: i32) -> (i32, i32) {
    %c0_i32 = arith.constant 0 : i32
    %c0_i32_0 = arith.constant 0 : i32
    %c0_i32_1 = arith.constant 0 : i32
    return %c0_i32, %c0_i32_0 : i32, i32
  }
  func.func @transform_4(%arg0: i32) -> i32 {
    %c0_i32 = arith.constant 0 : i32
    %c0_i32_0 = arith.constant 0 : i32
    return %c0_i32 : i32
  }
  func.func @transform_5(%arg0: i32) -> (i32, i32) {
    %c0_i32 = arith.constant 0 : i32
    %c0_i32_0 = arith.constant 0 : i32
    return %arg0, %c0_i32 : i32, i32
  }
  func.func @transform_6(%arg0: i32) -> (i32, i32) {
    %c0_i32 = arith.constant 0 : i32
    %c0_i32_0 = arith.constant 0 : i32
    return %arg0, %c0_i32 : i32, i32
  }
}

module attributes {stable_mosaic.version = 14 : i64} {
  func.func @_combine2_body(%arg0: i32, %arg1: memref<2x2000x64xf32, #tpu.memory_space<vmem>>, %arg2: memref<2000x1xf32, #tpu.memory_space<vmem>>, %arg3: memref<64xf32, #tpu.memory_space<vmem>>, %arg4: memref<64x64xf32, #tpu.memory_space<vmem>>, %arg5: memref<64xf32, #tpu.memory_space<vmem>>, %arg6: memref<64x64xf32, #tpu.memory_space<vmem>>, %arg7: memref<64xf32, #tpu.memory_space<vmem>>, %arg8: memref<2000x64xbf16, #tpu.memory_space<vmem>>, %arg9: memref<2000x64xbf16, #tpu.memory_space<vmem>>) attributes {dimension_semantics = [#tpu.dimension_semantics<arbitrary>], iteration_bounds = array<i64: 5>, scalar_prefetch = 0 : i64, scratch_operands = 0 : i64, tpu.core_type = #tpu.core_type<tc>, window_params = [{transform_indices = @transform_0, window_bounds = array<i64: 2, 2000, 64>}, {transform_indices = @transform_1, window_bounds = array<i64: 2000, 1>}, {pipeline_mode = #tpu.pipeline_mode<synchronous>, transform_indices = @transform_2, window_bounds = array<i64: 64>}, {pipeline_mode = #tpu.pipeline_mode<synchronous>, transform_indices = @transform_3, window_bounds = array<i64: 64, 64>}, {pipeline_mode = #tpu.pipeline_mode<synchronous>, transform_indices = @transform_4, window_bounds = array<i64: 64>}, {pipeline_mode = #tpu.pipeline_mode<synchronous>, transform_indices = @transform_5, window_bounds = array<i64: 64, 64>}, {pipeline_mode = #tpu.pipeline_mode<synchronous>, transform_indices = @transform_6, window_bounds = array<i64: 64>}, {transform_indices = @transform_7, window_bounds = array<i64: 2000, 64>}, {transform_indices = @transform_8, window_bounds = array<i64: 2000, 64>}]} {
    %get3A = arith.constant 0 : index
    %get3A_0 = arith.constant 0 : index
    %get3A_1 = arith.constant 0 : index
    %get3A_2 = vector.load %arg1[%get3A, %get3A_0, %get3A_1] : memref<2x2000x64xf32, #tpu.memory_space<vmem>>, vector<1x2000x64xf32>
    %get3A_3 = vector.shape_cast %get3A_2 : vector<1x2000x64xf32> to vector<2000x64xf32>
    %get3A_4 = arith.constant 1 : index
    %get3A_5 = arith.constant 0 : index
    %get3A_6 = arith.constant 0 : index
    %get3A_7 = vector.load %arg1[%get3A_4, %get3A_5, %get3A_6] : memref<2x2000x64xf32, #tpu.memory_space<vmem>>, vector<1x2000x64xf32>
    %get3A_8 = vector.shape_cast %get3A_7 : vector<1x2000x64xf32> to vector<2000x64xf32>
    %add3A = arith.addf %get3A_3, %get3A_8 : vector<2000x64xf32>
    %get3A_9 = arith.constant 0 : index
    %get3A_10 = arith.constant 0 : index
    %get3A_11 = vector.load %arg2[%get3A_9, %get3A_10] : memref<2000x1xf32, #tpu.memory_space<vmem>>, vector<2000x1xf32>
    %div3A = vector.broadcast %get3A_11 : vector<2000x1xf32> to vector<2000x64xf32>
    %div3A_12 = arith.divf %add3A, %div3A : vector<2000x64xf32>
    %get3A_13 = arith.constant 0 : index
    %get3A_14 = vector.load %arg3[%get3A_13] : memref<64xf32, #tpu.memory_space<vmem>>, vector<64xf32>
    %broadcast_in_dim3A = vector.shape_cast %get3A_14 : vector<64xf32> to vector<1x64xf32>
    %add3A_15 = vector.broadcast %broadcast_in_dim3A : vector<1x64xf32> to vector<2000x64xf32>
    %add3A_16 = arith.addf %div3A_12, %add3A_15 : vector<2000x64xf32>
    %max3A = arith.constant 0.000000e+00 : f32
    %max3A_17 = vector.broadcast %max3A : f32 to vector<2000x64xf32>
    %max3A_18 = arith.maximumf %add3A_16, %max3A_17 : vector<2000x64xf32>
    %get3A_19 = arith.constant 0 : index
    %get3A_20 = arith.constant 0 : index
    %get3A_21 = vector.load %arg4[%get3A_19, %get3A_20] : memref<64x64xf32, #tpu.memory_space<vmem>>, vector<64x64xf32>
    %dot_general3A = arith.constant dense<0.000000e+00> : vector<2000x64xf32>
    %dot_general3A_22 = tpu.matmul %max3A_18, %get3A_21, %dot_general3A {dimension_numbers = #tpu.dot_dimension_numbers<[1], [1], [0], [0], [0, 0, 1, 0], [], []>, transpose_lhs_hint = false} : vector<2000x64xf32>, vector<64x64xf32>, vector<2000x64xf32> -> vector<2000x64xf32>
    %get3A_23 = arith.constant 0 : index
    %get3A_24 = vector.load %arg5[%get3A_23] : memref<64xf32, #tpu.memory_space<vmem>>, vector<64xf32>
    %broadcast_in_dim3A_25 = vector.shape_cast %get3A_24 : vector<64xf32> to vector<1x64xf32>
    %add3A_26 = vector.broadcast %broadcast_in_dim3A_25 : vector<1x64xf32> to vector<2000x64xf32>
    %add3A_27 = arith.addf %dot_general3A_22, %add3A_26 : vector<2000x64xf32>
    %convert_element_type3A = arith.truncf %add3A_27 : vector<2000x64xf32> to vector<2000x64xbf16>
    %swap3A = arith.constant 0 : index
    %swap3A_28 = arith.constant 0 : index
    %swap3A_29 = vector.load %arg8[%swap3A, %swap3A_28] : memref<2000x64xbf16, #tpu.memory_space<vmem>>, vector<2000x64xbf16>
    tpu.vector_store %arg8[%swap3A, %swap3A_28], %convert_element_type3A {strides = array<i32>} : memref<2000x64xbf16, #tpu.memory_space<vmem>>, vector<2000x64xbf16>,
    %get3A_30 = arith.constant 0 : index
    %get3A_31 = arith.constant 0 : index
    %get3A_32 = vector.load %arg6[%get3A_30, %get3A_31] : memref<64x64xf32, #tpu.memory_space<vmem>>, vector<64x64xf32>
    %dot_general3A_33 = arith.constant dense<0.000000e+00> : vector<2000x64xf32>
    %dot_general3A_34 = tpu.matmul %max3A_18, %get3A_32, %dot_general3A_33 {dimension_numbers = #tpu.dot_dimension_numbers<[1], [1], [0], [0], [0, 0, 1, 0], [], []>, transpose_lhs_hint = false} : vector<2000x64xf32>, vector<64x64xf32>, vector<2000x64xf32> -> vector<2000x64xf32>
    %get3A_35 = arith.constant 0 : index
    %get3A_36 = vector.load %arg7[%get3A_35] : memref<64xf32, #tpu.memory_space<vmem>>, vector<64xf32>
    %broadcast_in_dim3A_37 = vector.shape_cast %get3A_36 : vector<64xf32> to vector<1x64xf32>
    %add3A_38 = vector.broadcast %broadcast_in_dim3A_37 : vector<1x64xf32> to vector<2000x64xf32>
    %add3A_39 = arith.addf %dot_general3A_34, %add3A_38 : vector<2000x64xf32>
    %convert_element_type3A_40 = arith.truncf %add3A_39 : vector<2000x64xf32> to vector<2000x64xbf16>
    %swap3A_41 = arith.constant 0 : index
    %swap3A_42 = arith.constant 0 : index
    %swap3A_43 = vector.load %arg9[%swap3A_41, %swap3A_42] : memref<2000x64xbf16, #tpu.memory_space<vmem>>, vector<2000x64xbf16>
    tpu.vector_store %arg9[%swap3A_41, %swap3A_42], %convert_element_type3A_40 {strides = array<i32>} : memref<2000x64xbf16, #tpu.memory_space<vmem>>, vector<2000x64xbf16>,
    return
  }
  func.func @transform_0(%arg0: i32) -> (i32, i32, i32) {
    %c0_i32 = arith.constant 0 : i32
    %c0_i32_0 = arith.constant 0 : i32
    %c0_i32_1 = arith.constant 0 : i32
    return %c0_i32, %arg0, %c0_i32_0 : i32, i32, i32
  }
  func.func @transform_1(%arg0: i32) -> (i32, i32) {
    %c0_i32 = arith.constant 0 : i32
    %c0_i32_0 = arith.constant 0 : i32
    return %arg0, %c0_i32 : i32, i32
  }
  func.func @transform_2(%arg0: i32) -> i32 {
    %c0_i32 = arith.constant 0 : i32
    %c0_i32_0 = arith.constant 0 : i32
    return %c0_i32 : i32
  }
  func.func @transform_3(%arg0: i32) -> (i32, i32) {
    %c0_i32 = arith.constant 0 : i32
    %c0_i32_0 = arith.constant 0 : i32
    %c0_i32_1 = arith.constant 0 : i32
    return %c0_i32, %c0_i32_0 : i32, i32
  }
  func.func @transform_4(%arg0: i32) -> i32 {
    %c0_i32 = arith.constant 0 : i32
    %c0_i32_0 = arith.constant 0 : i32
    return %c0_i32 : i32
  }
  func.func @transform_5(%arg0: i32) -> (i32, i32) {
    %c0_i32 = arith.constant 0 : i32
    %c0_i32_0 = arith.constant 0 : i32
    %c0_i32_1 = arith.constant 0 : i32
    return %c0_i32, %c0_i32_0 : i32, i32
  }
  func.func @transform_6(%arg0: i32) -> i32 {
    %c0_i32 = arith.constant 0 : i32
    %c0_i32_0 = arith.constant 0 : i32
    return %c0_i32 : i32
  }
  func.func @transform_7(%arg0: i32) -> (i32, i32) {
    %c0_i32 = arith.constant 0 : i32
    %c0_i32_0 = arith.constant 0 : i32
    return %arg0, %c0_i32 : i32, i32
  }
  func.func @transform_8(%arg0: i32) -> (i32, i32) {
    %c0_i32 = arith.constant 0 : i32
    %c0_i32_0 = arith.constant 0 : i32
    return %arg0, %c0_i32 : i32, i32
  }
}

module attributes {stable_mosaic.version = 14 : i64} {
  func.func @_final_body(%arg0: i32, %arg1: memref<2x2000x64xf32, #tpu.memory_space<vmem>>, %arg2: memref<2000x1xf32, #tpu.memory_space<vmem>>, %arg3: memref<40xf32, #tpu.memory_space<vmem>>, %arg4: memref<2000x40xf32, #tpu.memory_space<vmem>>) attributes {dimension_semantics = [#tpu.dimension_semantics<arbitrary>], iteration_bounds = array<i64: 5>, scalar_prefetch = 0 : i64, scratch_operands = 0 : i64, tpu.core_type = #tpu.core_type<tc>, window_params = [{transform_indices = @transform_0, window_bounds = array<i64: 2, 2000, 64>}, {transform_indices = @transform_1, window_bounds = array<i64: 2000, 1>}, {pipeline_mode = #tpu.pipeline_mode<synchronous>, transform_indices = @transform_2, window_bounds = array<i64: 40>}, {transform_indices = @transform_3, window_bounds = array<i64: 2000, 40>}]} {
    %get3A = arith.constant 0 : index
    %get3A_0 = arith.constant 0 : index
    %get3A_1 = arith.constant 0 : index
    %get3A_2 = vector.load %arg1[%get3A, %get3A_0, %get3A_1] : memref<2x2000x64xf32, #tpu.memory_space<vmem>>, vector<1x2000x64xf32>
    %get3A_3 = vector.shape_cast %get3A_2 : vector<1x2000x64xf32> to vector<2000x64xf32>
    %get3A_4 = arith.constant 1 : index
    %get3A_5 = arith.constant 0 : index
    %get3A_6 = arith.constant 0 : index
    %get3A_7 = vector.load %arg1[%get3A_4, %get3A_5, %get3A_6] : memref<2x2000x64xf32, #tpu.memory_space<vmem>>, vector<1x2000x64xf32>
    %get3A_8 = vector.shape_cast %get3A_7 : vector<1x2000x64xf32> to vector<2000x64xf32>
    %add3A = arith.addf %get3A_3, %get3A_8 : vector<2000x64xf32>
    %slice3A = vector.extract_strided_slice %add3A {offsets = [0, 0], sizes = [2000, 40], strides = [1, 1]} : vector<2000x64xf32> to vector<2000x40xf32>
    %get3A_9 = arith.constant 0 : index
    %get3A_10 = arith.constant 0 : index
    %get3A_11 = vector.load %arg2[%get3A_9, %get3A_10] : memref<2000x1xf32, #tpu.memory_space<vmem>>, vector<2000x1xf32>
    %div3A = vector.broadcast %get3A_11 : vector<2000x1xf32> to vector<2000x40xf32>
    %div3A_12 = arith.divf %slice3A, %div3A : vector<2000x40xf32>
    %get3A_13 = arith.constant 0 : index
    %get3A_14 = vector.load %arg3[%get3A_13] : memref<40xf32, #tpu.memory_space<vmem>>, vector<40xf32>
    %broadcast_in_dim3A = vector.shape_cast %get3A_14 : vector<40xf32> to vector<1x40xf32>
    %add3A_15 = vector.broadcast %broadcast_in_dim3A : vector<1x40xf32> to vector<2000x40xf32>
    %add3A_16 = arith.addf %div3A_12, %add3A_15 : vector<2000x40xf32>
    %swap3A = arith.constant 0 : index
    %swap3A_17 = arith.constant 0 : index
    %swap3A_18 = vector.load %arg4[%swap3A, %swap3A_17] : memref<2000x40xf32, #tpu.memory_space<vmem>>, vector<2000x40xf32>
    tpu.vector_store %arg4[%swap3A, %swap3A_17], %add3A_16 {strides = array<i32>} : memref<2000x40xf32, #tpu.memory_space<vmem>>, vector<2000x40xf32>,
    return
  }
  func.func @transform_0(%arg0: i32) -> (i32, i32, i32) {
    %c0_i32 = arith.constant 0 : i32
    %c0_i32_0 = arith.constant 0 : i32
    %c0_i32_1 = arith.constant 0 : i32
    return %c0_i32, %arg0, %c0_i32_0 : i32, i32, i32
  }
  func.func @transform_1(%arg0: i32) -> (i32, i32) {
    %c0_i32 = arith.constant 0 : i32
    %c0_i32_0 = arith.constant 0 : i32
    return %arg0, %c0_i32 : i32, i32
  }
  func.func @transform_2(%arg0: i32) -> i32 {
    %c0_i32 = arith.constant 0 : i32
    %c0_i32_0 = arith.constant 0 : i32
    return %c0_i32 : i32
  }
  func.func @transform_3(%arg0: i32) -> (i32, i32) {
    %c0_i32 = arith.constant 0 : i32
    %c0_i32_0 = arith.constant 0 : i32
    return %arg0, %c0_i32 : i32, i32
  }
}

</mosaic_0001>

<sc_bundles>
// kernel: kernel.10.cloned.1.call-start
scs
__scs_entry_jumppad:
0x0: {  	(pc) =	sbr.rel $0x88, $3  }
0x1: {  	(tag) =	ssettag $0x0;
	lr =	simm.s32 $0x1  }
0x2: {  	[smem:$0x3F93] =	sst lr;
	_ =	strace $0xD0000000  }
0x3: {  	_ = 	snop  }
0x4: {  	_ = 	snop  }
0x5: {  	_ = 	snop  }
0x6: {  	_ = 	snop  }
0x7: {  	_ = 	snop  }
__scs_overlays_trampoline_lowered:
0x8: {  	[smem:$0x3FA2] =	sst s0  }
0x9: {  	[smem:$0x3FA3] =	sst s1  }
0xa: {  	[smem:$0x3FA4] =	sst s2  }
0xb: {  	[smem:$0x3FA5] =	sst s3  }
0xc: {  	[smem:$0x3FA6] =	sst s4  }
0xd: {  	[smem:$0x3FA7] =	sst s5  }
0xe: {  	[smem:$0x3FA8] =	sst s6  }
0xf: {  	[smem:$0x3FA9] =	sst s7  }
0x10: {  	[smem:$0x3FAA] =	sst s8  }
0x11: {  	[smem:$0x3FAB] =	sst s9;
	s0 =	simm.s32 @!p0 $0x0  }
0x12: {  	s1 =	sld [smem:$0x3F91];
	s0 =	simm.s32 @p0 $0x1  }
0x13: {  	[smem:$0x3FAC] =	sst s0;
	s0 =	simm.s32 @!p1 $0x0  }
0x14: {  	s2 =	sld [smem:$0x3F90];
	s0 =	simm.s32 @p1 $0x1  }
0x15: {  	[smem:$0x3FAD] =	sst s0;
	s0 =	simm.s32 @!p2 $0x0  }
0x16: {  	s3 =	sld [smem:$0x3FDB];
	s0 =	simm.s32 @p2 $0x1  }
0x17: {  	s4 =	simm.s32 $0x1BF5;
	[smem:$0x3FAF] =	sst s0  }
0x18: {  	s0 =	sld [smem:$0x3F92];
	_ =	swait.ge [sflag:s4], $0x0  }
0x19: {  	s7 =	sld [smem:$0x3F93]  }
0x1a: {  	s8 =	sadd.s32 $0xFFFFE003, lr  }
0x1b: {  	s9 =	sadd.s32 $0xFFFFFEF7, lr;
	s5 =	simm.s32 $0xFFFFFFFF;
	p2 =	slt.u32 s8, $0xFFFFF086  }
0x1c: {  	p1 =	slt.u32 s9, $0xF7A;
	s5 =	simm.s32 @!p2 $0x0  }
0x1d: {  	s5 =	simm.s32 @p1 $0x1;
	p0 =	seq.s32 s7, s2  }
0x1e: {  	s7 =	smul.u32 @!p0 $0xF7A, s2;
	p2 =	seq.s32 @!p0 s5, $0x0  }
0x1f: {  	s9 =	smul.u32 $0xF7A, s1;
	s8 =	simm.s32 @!p0 $0x1BF5;
	p2 =	por !p2, p0  }
0x20: {  	[sflag:s8] =	ssyncset.s32 @!p0 $0xFFFFF086;
	s6 =	sadd.s32 @!p0 s3, s7;
	s7 =	simm.s32 @!p0 $0x108  }
0x21: {  	s3 =	sadd.s32 s3, s9;
	s6 =	sadd.s32 @!p0 $0x88, s6;
	s7 =	simm.s32 @p2 $0x1082  }
0x22: {  	[simem:s7], [sflag:s8] =	dma.local @!p0 [hbm:s6], $0xF7A  }
0x23: {  	s9 =	sor.u32 $0xD0000000, s2;
	s6 =	simm.s32 $0x108;
	_ =	swait.ge @!p0 [sflag:s8], $0x0  }
0x24: {  	s3 =	sadd.s32 $0x88, s3;
	s6 =	simm.s32 @!p1 $0x1082;
	[sflag:s4] =	ssyncset.s32 $0xFFFFF086  }
0x25: {  	[simem:s6], [sflag:s4] =	dma.local [hbm:s3], $0xF7A  }
0x26: {  	[smem:$0x3F93] =	sst s1;
	(tag) =	ssettag s2;
	_ =	strace s9  }
0x27: {  	s1 =	sld [smem:$0x3FA3]  }
0x28: {  	s2 =	sld [smem:$0x3FA4]  }
0x29: {  	s4 =	sld [smem:$0x3FA6]  }
0x2a: {  	p0 =	seq.s32 s5, $0x0;
	s5 =	sld [smem:$0x3FA7]  }
0x2b: {  	s6 =	sld [smem:$0x3FA8]  }
0x2c: {  	s7 =	sld [smem:$0x3FA9]  }
0x2d: {  	s3 =	simm.s32 $0x108;
	s8 =	sld [smem:$0x3FAA]  }
0x2e: {  	s3 =	simm.s32 @!p0 $0x1082;
	s9 =	sld [smem:$0x3FAB]  }
0x2f: {  	lr =	sadd.s32 s0, s3;
	s0 =	sld [smem:$0x3FA2]  }
0x30: {  	s3 =	sld [smem:$0x3FA5]  }
0x31: {  	[smem:$0x3FAE] =	sst s10  }
0x32: {  	s10 =	sld [smem:$0x3FAC];
	_ =	sdelay $0x3  }
0x33: {  	p0 =	seq.s32 s10, $0x1;
	s10 =	sld [smem:$0x3FAE];
	_ =	sdelay $0x3  }
0x34: {  	[smem:$0x3FAE] =	sst s10  }
0x35: {  	s10 =	sld [smem:$0x3FAD];
	_ =	sdelay $0x3  }
0x36: {  	p1 =	seq.s32 s10, $0x1;
	s10 =	sld [smem:$0x3FAE];
	_ =	sdelay $0x3  }
0x37: {  	[smem:$0x3FAE] =	sst s10  }
0x38: {  	s10 =	sld [smem:$0x3FAF]  }
0x39: {  	_ = 	snop;
	(pc) =	sbr.ind lr, $3  }
0x3a: {  	_ = 	snop  }
0x3b: {  	_ = 	snop  }
0x3c: {  	p2 =	seq.s32 s10, $0x1;
	s10 =	sld [smem:$0x3FAE]  }
0x3d: {  	_ =	shalt  }
0x3e: {  	_ =	shalt  }
0x3f: {  	_ =	shalt  }
0x40: {  	_ =	shalt  }
0x41: {  	_ =	shalt  }
0x42: {  	_ =	shalt  }
0x43: {  	_ =	shalt  }
0x44: {  	_ =	shalt  }
0x45: {  	_ =	shalt  }
0x46: {  	_ =	shalt  }
0x47: {  	_ =	shalt  }
0x48: {  	_ =	shalt  }
0x49: {  	_ =	shalt  }
0x4a: {  	_ =	shalt  }
0x4b: {  	_ =	shalt  }
0x4c: {  	_ =	shalt  }
0x4d: {  	_ =	shalt  }
0x4e: {  	_ =	shalt  }
0x4f: {  	_ =	shalt  }
0x50: {  	_ =	shalt  }
0x51: {  	_ =	shalt  }
0x52: {  	_ =	shalt  }
0x53: {  	_ =	shalt  }
0x54: {  	_ =	shalt  }
0x55: {  	_ =	shalt  }
0x56: {  	_ =	shalt  }
0x57: {  	_ =	shalt  }
0x58: {  	_ =	shalt  }
0x59: {  	_ =	shalt  }
0x5a: {  	_ =	shalt  }
0x5b: {  	_ =	shalt  }
0x5c: {  	_ =	shalt  }
0x5d: {  	_ =	shalt  }
0x5e: {  	_ =	shalt  }
0x5f: {  	_ =	shalt  }
0x60: {  	_ =	shalt  }
0x61: {  	_ =	shalt  }
0x62: {  	_ =	shalt  }
0x63: {  	_ =	shalt  }
0x64: {  	_ =	shalt  }
0x65: {  	_ =	shalt  }
0x66: {  	_ =	shalt  }
0x67: {  	_ =	shalt  }
0x68: {  	_ =	shalt  }
0x69: {  	_ =	shalt  }
0x6a: {  	_ =	shalt  }
0x6b: {  	_ =	shalt  }
0x6c: {  	_ =	shalt  }
0x6d: {  	_ =	shalt  }
0x6e: {  	_ =	shalt  }
0x6f: {  	_ =	shalt  }
0x70: {  	_ =	shalt  }
0x71: {  	_ =	shalt  }
0x72: {  	_ =	shalt  }
0x73: {  	_ =	shalt  }
0x74: {  	_ =	shalt  }
0x75: {  	_ =	shalt  }
0x76: {  	_ =	shalt  }
0x77: {  	_ =	shalt  }
0x78: {  	_ =	shalt  }
0x79: {  	_ =	shalt  }
0x7a: {  	_ =	shalt  }
0x7b: {  	_ =	shalt  }
0x7c: {  	_ =	shalt  }
0x7d: {  	_ =	shalt  }
0x7e: {  	_ =	shalt  }
0x7f: {  	_ =	shalt  }
0x80: {  	_ =	shalt  }
0x81: {  	_ =	shalt  }
0x82: {  	_ =	shalt  }
0x83: {  	_ =	shalt  }
0x84: {  	_ =	shalt  }
0x85: {  	_ =	shalt  }
0x86: {  	_ =	shalt  }
0x87: {  	_ =	shalt  }
.Lfunc_end0:
.L_simem_size_0:
called_computation.1_lowered:
.L_overlay_start_0:
0x88: {  	s2 =	sld [smem:$0x3FD9]  }
0x89: {  	s3 =	sld [smem:$0x3FFE];
	_ =	sdelay $0x1  }
0x8a: {  	s1 =	srdreg.scid  }
0x8b: {  	s0 =	sand.u32 $0x1, s1  }
0x8c: {  	s14 =	sshll.u32 s0, $0xA;
	s2 =	sadd.s32 s3, s2  }
0x8d: {  	s2 =	sadd.s32 s2, s14  }
0x8e: {  	[smem:$0x3FBA] =	sst s2  }
0x8f: {  	_ = 	snop  }
0x90: {  	s2 =	sld [smem:$0x3FD0];
	_ =	sdelay $0x2  }
0x91: {  	s15 =	simm.s32 $0xA;
	s4 =	simm.s32 $0x10  }
0x92: {  	[smem:s4], [sflag:s15] =	dma.local [hbm:s2], $0x1  }
0x93: {  	_ =	swait.eq [sflag:s15], $0x1  }
0x94: {  	[sflag:s15] =	ssyncset.done $0x0  }
0x95: {  	s16 =	sld [smem:$0x10];
	[sflag:s15] =	ssyncadd.s32 $0xFFFFFFFF  }
0x96: {  	s17 =	sld [smem:$0x11];
	(tm) =	ssettm $0x1  }
0x97: {  	s18 =	sld [smem:$0x3FFB];
	_ =	sdelay $0x3  }
0x98: {  	_ =	strace s18  }
0x99: {  	s4 =	sld [smem:$0x3FFC];
	_ =	sdelay $0x3  }
0x9a: {  	_ =	strace s4  }
0x9b: {  	s4 =	sld [smem:$0x3FFD];
	_ =	sdelay $0x3  }
0x9c: {  	_ =	strace s4  }
0x9d: {  	_ =	strace $0x8FFFFFFF  }
0x9e: {  	s19 =	sld [smem:$0x3FDB];
	_ =	sdelay $0x1  }
0x9f: {  	s5 =	simm.s32 $_scs_section_size  }
0xa0: {  	s6 =	simm.s32 $_size__tile_overlayer_lowered;
	s7 =	simm.s32 $_tile_overlayer_lowered  }
0xa1: {  	s22 =	simm.s32 $0x1BFF;
	s21 =	sshll.u32 s7, $0x1;
	s4 =	sadd.s32 s5, s19  }
0xa2: {  	s8 =	simm.s32 $0x0;
	s20 =	sshll.u32 s6, $0x1;
	s6 =	sadd.s32 s21, s4  }
0xa3: {  	[timem:s8], [sflag:s22] =	dma.local [hbm:s6], s20  }
0xa4: {  	_ =	swait.ge [sflag:s22], s20  }
0xa5: {  	s5 =	ssub.s32 $0x0, s20;
	[sflag:s22] =	ssyncset.done $0x0  }
0xa6: {  	[sflag:s22] =	ssyncadd.s32 s5;
	_ =	sdelay $0x1  }
0xa7: {  	s23 =	simm.s32 $0x1B8B  }
0xa8: {  	_ =	swait.ge [sflag:s23], $0x1  }
0xa9: {  	[sflag:s23] =	ssyncset.done $0x0  }
0xaa: {  	s25 =	simm.s32 $0x1B8E;
	s24 =	sld [smem:$0x3FFE];
	[sflag:s23] =	ssyncadd.s32 $0xFFFFFFFF  }
0xab: {  	s26 =	simm.s32 $execute0_lowered;
	[smem:$0x3FD2] =	sst s25  }
0xac: {  	s6 =	sshll.u32 s26, $0x1;
	_ =	strace $0x80000049;
	[dreg:$0x1] =	wrdreg $0xFFFFFFFF  }
0xad: {  	s28 =	simm.s32 $_size_execute0_lowered;
	s4 =	sadd.s32 s4, s6;
	[dreg:$0x0] =	wrdreg $0x0  }
0xae: {  	s6 =	sshll.u32 s28, $0x1;
	[dreg:$0x2] =	wrdreg s4  }
0xaf: {  	[dreg:$0x3] =	wrdreg s6  }
0xb0: {  	[dreg:$0x4] =	wrdreg $0xC0  }
0xb1: {  	_ =	task [dreg:s8], $0x5FFFF  }
0xb2: {  	[dreg:$0x1] =	wrdreg $0xFFFFFFFF  }
0xb3: {  	[dreg:$0x0] =	wrdreg $0x60  }
0xb4: {  	[dreg:$0x2] =	wrdreg s17  }
0xb5: {  	[dreg:$0x3] =	wrdreg s16  }
0xb6: {  	[dreg:$0x4] =	wrdreg s24  }
0xb7: {  	[dreg:$0x5] =	wrdreg $0x129400  }
0xb8: {  	[dreg:$0x6] =	wrdreg $0x1C9400  }
0xb9: {  	[dreg:$0x7] =	wrdreg $0x9  }
0xba: {  	_ =	task.clear_ibuf [dreg:s8], $0x8FFFF;
	_ =	strace $0x90000049  }
0xbb: {  	s29 =	simm.s32 $0x9;
	_ =	strace $0x8000004B  }
0xbc: {  	_ =	swait.ge [sflag:s29], $0x1  }
0xbd: {  	[sflag:s29] =	ssyncadd.s32 $0xFFFFFFFF  }
0xbe: {  	_ =	strace $0x9000004B  }
0xbf: {  	_ =	sfence  }
0xc0: {  	s30 =	sld [smem:$0x0];
	_ =	sdelay $0x2  }
0xc1: {  	s31 =	sshll.u32 s1, $0xD;
	s1 =	sshrl.u32 s1, $0x2  }
0xc2: {  	s3 =	sand.u32 $0x4000, s31;
	s1 =	sadd.s32 s1, s30  }
0xc3: {  	s0 =	sor.u32 s3, s0;
	s1 =	sshll.u32 s1, $0x11  }
0xc4: {  	s0 =	sor.u32 s1, s0  }
0xc5: {  	s0 =	sadd.s32 $0x8F2B, s0  }
0xc6: {  	[sflag:s0] =	ssyncadd.remote.s32 $0x1  }
0xc7: {  	_ =	sfence.sel $0xFFFF  }
0xc8: {  	[dreg:$0x0] =	wrdreg $0xFFFFFFFF;
	(pc) =	sbr.abs _section_cstart, $3  }
0xc9: {  	[dreg:$0x1] =	wrdreg $0xFFFFFFFF  }
0xca: {  	_ =	task.clear_ibuf [dreg:s8], $0x2FFFF;
	_ =	strace $0x9FFFFFFF  }
0xcb: {  	(tm) =	ssettm $0x7FFFFFFF  }
tec
execute0_lowered:
.L_overlay_start_1:
0x0: {  	(tag) =	ssettag $0x1  }
0x1: {  	s1 =	rddreg [dreg:$0x0]  }
0x2: {  	s2 =	rddreg [dreg:$0x1]  }
0x3: {  	s0 =	rddreg [dreg:$0x2]  }
0x4: {  	s3 =	rddreg [dreg:$0x3]  }
0x5: {  	s4 =	rddreg [dreg:$0x4];
	s5 =	simm.s32 $0x0  }
0x6: {  	s8 =	stileid.u32;
	s10 =	srdreg.scid;
	s28 =	simm.s32 $0x120  }
0x7: {  	s31 =	simm.s32 $0x360;
	s29 =	simm.s32 $0x1;
	s30 =	simm.s32 $0x6C0  }
0x8: {  	[smem:$0x7FF] =	sst s5;
	s9 =	smul.u32 $0xA000, s8;
	s6 =	sadd.s32 $0x3200, s0  }
0x9: {  	s7 =	sadd.s32 $0xD000, s0;
	s10 =	sand.u32 $0x1, s10;
	s12 =	sadd.s32 $0x53E00, s0  }
0xa: {  	s14 =	sadd.s32 $0x2AE00, s0;
	s15 =	sshll.u32 s8, $0x1;
	s22 =	sshll.u32 s8, $0x6  }
0xb: {  	s26 =	smul.u32 $0x5100, s8;
	p0 =	sne.s32 s8, $0x0;
	s8 =	simm.s32 $0x480  }
0xc: {  	_ =	strace $0x8000004A;
	[dreg:$0x6] =	wrdreg s12;
	s13 =	smul.u32 $0x14000, s10  }
0xd: {  	[dreg:$0x7] =	wrdreg s14;
	s20 =	smul.u32 $0x500, s10;
	s16 =	ssub.s32 $0x2, s10  }
0xe: {  	s15 =	sor.u32 s10, s15;
	s11 =	sshrl.u32 s9, $0x3;
	s21 =	sshrl.u32 s16, $0x1  }
0xf: {  	s15 =	smul.u32 $0x2880, s15;
	s9 =	sadd.s32 s9, s3;
	s19 =	sadd.s32 s11, s0  }
0x10: {  	s13 =	sadd.s32 s13, s0;
	s0 =	sadd.s32 s20, s0;
	s14 =	ssub.s32 s16, s21  }
0x11: {  	[dreg:$0x8] =	wrdreg s9;
	s20 =	smul.u32 $0x2880, s10;
	s10 =	simm.s32 $0x2  }
0x12: {  	s12 =	sadd.s32 $0x16E00, s19;
	s19 =	sor.u32 $0x1C05, s22;
	s23 =	sshrl.u32 s15, $0x3  }
0x13: {  	s17 =	sadd.s32 $0x240, s15;
	s0 =	sadd.s32 $0x53400, s0;
	[dreg:$0x9] =	wrdreg s12  }
0x14: {  	s22 =	sadd.s32 $0x2B400, s13;
	s13 =	simm.s32 $0x5A0;
	[dreg:$0xf] =	wrdreg s0  }
0x15: {  	s24 =	sadd.s32 s1, s23;
	s25 =	sadd.s32 $0x24, s23;
	[dreg:$0xa] =	wrdreg s19  }
0x16: {  	s9 =	sadd.s32 s2, s23;
	s23 =	simm.s32 $0x5;
	[dreg:$0xb] =	wrdreg s24  }
0x17: {  	[dreg:$0xc] =	wrdreg s9;
	s18 =	sadd.s32 s1, s25;
	s21 =	sadd.s32 s2, s25  }
0x18: {  	s24 =	sadd.s32 s20, s26;
	s25 =	smax.u32 s14, $0x1;
	[dreg:$0xd] =	wrdreg s18  }
.Ltmp0:
0x19: {  	s26 =	sadd.s32 s11, s22;
	[dreg:$0xe] =	wrdreg s21;
	(pc) =	sbr.rel .LBB2_1-.Ltmp0, $4  }
0x1a: {  	s9 =	simm.s32 $0x9900;
	s11 =	simm.s32 $0x7E0;
	[dreg:$0x11] =	wrdreg s25  }
0x1b: {  	s18 =	sadd.s32 $0x360, s15;
	[dreg:$0x10] =	wrdreg s24;
	s0 =	sadd.s32 $0x120, s24  }
0x1c: {  	v0 =	vimm.s32 $0x0;
	vm0 =	vcmask $0x300;
	[dreg:$0x13] =	wrdreg s26;
	s25 =	simm.s32 $0x7500;
	s26 =	simm.s32 $0xE100  }
0x1d: {  	v0 =	vsel vm0, $0x3, v0;
	s15 =	simm.s32 $0x0;
	[dreg:$0x12] =	wrdreg s0;
	s0 =	simm.s32 $0x2D00  }
.LBB2_8:
0x1e: {  	s12 =	simm.s32 $0x3  }
0x1f: {  	_ =	swait.ge [sflag:s12], $0x120  }
0x20: {  	[sflag:s12] =	ssyncset.done $0x0  }
0x21: {  	[sflag:s12] =	ssyncadd.s32 $0xFFFFFEE0  }
0x22: {  	_ =	swait.ge [sflag:s12], $0x4800  }
0x23: {  	[sflag:s12] =	ssyncset.done $0x0  }
0x24: {  	s21 =	simm.s32 $0x4;
	[sflag:s12] =	ssyncadd.s32 $0xFFFFB800  }
0x25: {  	_ =	swait.ge [sflag:s21], $0x120  }
0x26: {  	[sflag:s21] =	ssyncset.done $0x0  }
0x27: {  	[sflag:s21] =	ssyncadd.s32 $0xFFFFFEE0  }
0x28: {  	_ =	swait.ge [sflag:s21], $0x4800  }
0x29: {  	[sflag:s21] =	ssyncset.done $0x0  }
0x2a: {  	[sflag:s21] =	ssyncadd.s32 $0xFFFFB800  }
0x2b: {  	[bflag:$0x0] =	sbarrier.arrive $0xFFFF  }
0x2c: {  	s19 =	rddreg [dreg:$0xa]  }
0x2d: {  	s22 =	rddreg [dreg:$0x13]  }
0x2e: {  	s14 =	rddreg [dreg:$0x15]  }
0x2f: {  	[hbm:s22], [sflag:s19] =	dma.local [spmem:s14], $0x1400  }
0x30: {  	_ =	swait.ge [sflag:s23], $0x1400  }
0x31: {  	[sflag:s23] =	ssyncset.done $0x0;
	s12 =	rddreg [dreg:$0xf]  }
0x32: {  	s14 =	rddreg [dreg:$0x16];
	[sflag:s23] =	ssyncadd.s32 $0xFFFFEC00  }
0x33: {  	[hbm:s12], [sflag:s19] =	dma.local @!p0 [spmem:s14], $0x500  }
0x34: {  	s12 =	simm.s32 @!p0 $0x5  }
0x35: {  	_ =	swait.ge @!p0 [sflag:s12], $0x500  }
0x36: {  	s15 =	rddreg [dreg:$0x14]  }
0x37: {  	s24 =	rddreg [dreg:$0x11];
	s15 =	sadd.s32 $0x1, s15  }
0x38: {  	p1 =	sne.s32 s15, s24  }
.Ltmp1:
0x39: {  	_ = 	snop;
	(pc) =	sbr.rel @!p1 .LBB2_9-.Ltmp1, $3  }
0x3a: {  	_ =	sdelay $0x1  }
0x3b: {  	[sflag:s12] =	ssyncset.done @!p0 $0x0  }
0x3c: {  	[sflag:s12] =	ssyncadd.s32 @!p0 $0xFFFFFB00  }
.LBB2_1:
0x3d: {  	[dreg:$0x14] =	wrdreg s15  }
0x3e: {  	s12 =	rddreg [dreg:$0x8]  }
0x3f: {  	s21 =	rddreg [dreg:$0x9];
	s14 =	sshrl.u32 s12, $0x3  }
0x40: {  	[dreg:$0x15] =	wrdreg s14  }
0x41: {  	[spmem:s14], [sflag:s19] =	dma.local [hbm:s21], $0x1400  }
0x42: {  	s14 =	sshrl.u32 @!p0 s4, $0x3;
	_ =	swait.ge [sflag:s23], $0x1400  }
0x43: {  	[dreg:$0x16] =	wrdreg s14;
	[sflag:s23] =	ssyncset.done $0x0  }
0x44: {  	s12 =	rddreg [dreg:$0x7];
	[sflag:s23] =	ssyncadd.s32 $0xFFFFEC00  }
0x45: {  	[spmem:s14], [sflag:s19] =	dma.local @!p0 [hbm:s12], $0x500  }
0x46: {  	s12 =	simm.s32 @!p0 $0x5  }
0x47: {  	_ =	swait.ge @!p0 [sflag:s12], $0x500  }
0x48: {  	[sflag:s12] =	ssyncset.done @!p0 $0x0  }
0x49: {  	s24 =	simm.s32 $0x12900;
	s22 =	rddreg [dreg:$0x6];
	[sflag:s12] =	ssyncadd.s32 @!p0 $0xFFFFFB00  }
0x4a: {  	[tilespmem:s24], [sflag:$0x5] =	stream.linear.gather [hbm4b:s22+s5], $0x40, $0x38;
	[tilespmem:$0x1CBC0] =	vst v63  }
0x4b: {  	_ =	swait.ge [sflag:s23], $0x40  }
0x4c: {  	[sflag:s23] =	ssyncset.done $0x0  }
0x4d: {  	[sflag:s23] =	ssyncadd.s32 $0xFFFFFFC0  }
0x4e: {  	v1 =	vld [tilespmem:$0x12900]  }
0x4f: {  	v2 =	vld [tilespmem:$0x12910]  }
0x50: {  	v3 =	vld [tilespmem:$0x12920]  }
0x51: {  	v4 =	vld [tilespmem:$0x12930];
	[bflag:$0x0] =	sbarrier.arrive $0xFFFF  }
0x52: {  	s15 =	rddreg [dreg:$0xb]  }
0x53: {  	[tilespmem:s5], [sflag:$0x5] =	stream.linear.gather [hbm4b:s15+s5], $0x120, $0x38;
	[tilespmem:$0x1CBC0] =	vst v63  }
0x54: {  	_ =	swait.ge [sflag:s23], $0x120  }
0x55: {  	[sflag:s23] =	ssyncset.done $0x0  }
0x56: {  	s19 =	simm.s32 $0x240;
	s16 =	rddreg [dreg:$0xc];
	[sflag:s23] =	ssyncadd.s32 $0xFFFFFEE0  }
0x57: {  	[tilespmem:s19], [sflag:$0x5] =	stream.linear.gather [hbm4b:s16+s5], $0x120, $0x38;
	[tilespmem:$0x1CBC0] =	vst v63  }
0x58: {  	_ =	swait.ge [sflag:s23], $0x120  }
0x59: {  	[sflag:s23] =	ssyncset.done $0x0  }
0x5a: {  	s20 =	simm.s32 $0x900;
	[sflag:s23] =	ssyncadd.s32 $0xFFFFFEE0  }
0x5b: {  	[tilespmem:s20], [sflag:$0x1] =	stream.indirect.gather [hbm4b:s6+s28], $0x20, s5, s28, $0xb8;
	[tilespmem:$0x1CBC0] =	vst v63  }
0x5c: {  	s21 =	simm.s32 $0x5100  }
0x5d: {  	[tilespmem:s21], [sflag:$0x1] =	stream.indirect.gather [hbm4b:s7+s28], $0x20, s19, s28, $0xb8;
	[tilespmem:$0x1CBC0] =	vst v63  }
0x5e: {  	s22 =	rddreg [dreg:$0xd]  }
0x5f: {  	[tilespmem:s28], [sflag:$0x5] =	stream.linear.gather [hbm4b:s22+s5], $0x120, $0x38;
	[tilespmem:$0x1CBC0] =	vst v63  }
0x60: {  	_ =	swait.ge [sflag:s23], $0x120  }
0x61: {  	[sflag:s23] =	ssyncset.done $0x0  }
0x62: {  	s24 =	rddreg [dreg:$0xe];
	[sflag:s23] =	ssyncadd.s32 $0xFFFFFEE0  }
0x63: {  	[tilespmem:s31], [sflag:$0x5] =	stream.linear.gather [hbm4b:s24+s5], $0x120, $0x38;
	[tilespmem:$0x1CBC0] =	vst v63  }
0x64: {  	_ =	swait.ge [sflag:s23], $0x120  }
0x65: {  	[sflag:s23] =	ssyncset.done $0x0  }
0x66: {  	s22 =	rddreg [dreg:$0x12];
	[sflag:s23] =	ssyncadd.s32 $0xFFFFFEE0  }
0x67: {  	[tilespmem:s0], [sflag:$0x2] =	stream.indirect.gather [hbm4b:s6+s28], $0x20, s28, s28, $0xb8;
	[tilespmem:$0x1CBC0] =	vst v63  }
0x68: {  	s24 =	simm.s32 $0x0;
	s20 =	rddreg [dreg:$0x10]  }
0x69: {  	[tilespmem:s25], [sflag:$0x2] =	stream.indirect.gather [hbm4b:s7+s28], $0x20, s31, s28, $0xb8;
	[tilespmem:$0x1CBC0] =	vst v63  }
.LBB2_2:
0x6a: {  	_ =	swait.ge [sflag:s29], $0x2400  }
0x6b: {  	[sflag:s29] =	ssyncset.done $0x0  }
0x6c: {  	[sflag:s29] =	ssyncadd.s32 $0xFFFFDC00  }
0x6d: {  	_ =	swait.ge [sflag:s29], $0x2400  }
0x6e: {  	p1 =	seq.s32 s24, $0x0;
	[sflag:s29] =	ssyncset.done $0x0  }
0x6f: {  	s12 =	simm.s32 @!p1 $0x3;
	[sflag:s29] =	ssyncadd.s32 $0xFFFFDC00  }
0x70: {  	_ =	swait.ge @!p1 [sflag:s12], $0x120  }
0x71: {  	[sflag:s12] =	ssyncset.done @!p1 $0x0  }
0x72: {  	[sflag:s12] =	ssyncadd.s32 @!p1 $0xFFFFFEE0  }
0x73: {  	_ =	swait.ge @!p1 [sflag:s12], $0x4800  }
0x74: {  	[sflag:s12] =	ssyncset.done @!p1 $0x0  }
0x75: {  	[sflag:s12] =	ssyncadd.s32 @!p1 $0xFFFFB800  }
0x76: {  	v5 =	vld [tilespmem:$0x240]  }
0x77: {  	v6 =	vld [tilespmem:$0x250]  }
0x78: {  	v7 =	vld [tilespmem:$0x260]  }
0x79: {  	v8 =	vld [tilespmem:$0x270]  }
0x7a: {  	v9 =	vld [tilespmem:$0x280]  }
0x7b: {  	[tilespmem:$0x480] =	vst v5;
	v5 =	vld [tilespmem:$0x290]  }
0x7c: {  	[tilespmem:$0x490] =	vst v6;
	v6 =	vld [tilespmem:$0x2A0]  }
0x7d: {  	[tilespmem:$0x4A0] =	vst v7;
	v7 =	vld [tilespmem:$0x2B0]  }
0x7e: {  	v60 =	vld [tilespmem:$0x2C0];
	[tilespmem:$0x4B0] =	vst v8  }
0x7f: {  	v61 =	vld [tilespmem:$0x2D0];
	[tilespmem:$0x4C0] =	vst v9  }
0x80: {  	[tilespmem:$0x4D0] =	vst v5;
	v5 =	vld [tilespmem:$0x2E0]  }
0x81: {  	[tilespmem:$0x4E0] =	vst v6;
	v6 =	vld [tilespmem:$0x2F0]  }
0x82: {  	[tilespmem:$0x4F0] =	vst v7;
	v7 =	vld [tilespmem:$0x300]  }
0x83: {  	v62 =	vld [tilespmem:$0x310];
	[tilespmem:$0x500] =	vst v60  }
0x84: {  	v63 =	vld [tilespmem:$0x320];
	[tilespmem:$0x510] =	vst v61  }
0x85: {  	[tilespmem:$0x520] =	vst v5;
	v5 =	vld [tilespmem:$0x330]  }
0x86: {  	[tilespmem:$0x530] =	vst v6;
	v6 =	vld [tilespmem:$0x340]  }
0x87: {  	[tilespmem:$0x540] =	vst v7;
	v7 =	vld [tilespmem:$0x350]  }
0x88: {  	[tilespmem:$0x550] =	vst v62  }
0x89: {  	[tilespmem:$0x560] =	vst v63  }
0x8a: {  	[tilespmem:$0x570] =	vst v5  }
0x8b: {  	s14 =	smul.u32 $0x240, s24;
	s15 =	simm.s32 $0x0;
	[tilespmem:$0x580] =	vst v6  }
0x8c: {  	s19 =	simm.s32 $0x5180;
	s21 =	simm.s32 $0x980;
	s12 =	simm.s32 $0x9A00;
	[tilespmem:$0x590] =	vst v7  }
.LBB2_3:
0x8d: {  	v5 =	vld [tilespmem:s21+$0xFFFFFF80]  }
0x8e: {  	v6 =	vld [tilespmem:s19+$0xFFFFFF80]  }
0x8f: {  	v7 =	vld [tilespmem:s21+$0xFFFFFF90]  }
0x90: {  	v8 =	vld [tilespmem:s19+$0xFFFFFF90]  }
0x91: {  	v24 =	vld [tilespmem:s19+$0xFFFFFFA0]  }
0x92: {  	v28 =	vld [tilespmem:s21+$0xFFFFFFC0]  }
0x93: {  	v21 =	vld [tilespmem:s19+$0xFFFFFFC0]  }
0x94: {  	v17 =	vunpack.i.u.bf16.f32 v5;
	v18 =	vunpack.i.l.bf16.f32 v5;
	v5 =	vunpack.i.u.bf16.f32 v6  }
0x95: {  	v6 =	vunpack.i.l.bf16.f32 v6;
	v20 =	vunpack.i.l.bf16.f32 v7;
	v11 =	vunpack.i.l.bf16.f32 v8  }
0x96: {  	v23 =	vld [tilespmem:s21+$0xFFFFFFA0];
	v19 =	vunpack.i.u.bf16.f32 v7;
	v7 =	vunpack.i.u.bf16.f32 v8;
	v14 =	vunpack.i.u.bf16.f32 v24  }
0x97: {  	v8 =	vunpack.i.l.bf16.f32 v28;
	v6 =	vadd.f32 v6, v18;
	v5 =	vadd.f32 v5, v17  }
0x98: {  	v35 =	vld [tilespmem:s19+$0xFFFFFFE0];
	v31 =	vunpack.i.u.bf16.f32 v21;
	v22 =	vadd.f32 v11, v20;
	v7 =	vadd.f32 v7, v19  }
0x99: {  	v21 =	vunpack.i.l.bf16.f32 v21;
	v9 =	vmul.f32 $2.000000030e-01, v6;
	v10 =	vmul.f32 $2.000000030e-01, v5  }
0x9a: {  	v11 =	vunpack.i.l.bf16.f32 v24;
	v25 =	vmul.f32 $2.000000030e-01, v22;
	v12 =	vmul.f32 $2.000000030e-01, v7  }
0x9b: {  	v39 =	vld [tilespmem:s19+$0xFFFFFFF0];
	v6 =	vmax.f32 v6, v9;
	v5 =	vmax.f32 v5, v10;
	v10 =	vunpack.i.l.bf16.f32 v23  }
0x9c: {  	v6 =	vmul.f32 v6, v1;
	v5 =	vmul.f32 v5, v2;
	v11 =	vadd.f32 v11, v10  }
0x9d: {  	v26 =	vld [tilespmem:s21+$0xFFFFFFB0];
	v43 =	vunpack.i.l.bf16.f32 v35;
	v21 =	vadd.f32 v21, v8;
	v7 =	vmax.f32 v7, v12  }
0x9e: {  	v5 =	vadd.f32 v6, v5;
	v6 =	vmax.f32 v22, v25;
	v15 =	vmul.f32 $2.000000030e-01, v11  }
0x9f: {  	v13 =	vld [tilespmem:s19+$0xFFFFFFB0];
	v25 =	vmul.f32 $2.000000030e-01, v21;
	v9 =	vmul.f32 v6, v3;
	v6 =	vunpack.i.u.bf16.f32 v23  }
0xa0: {  	v47 =	vunpack.i.l.bf16.f32 v39;
	v7 =	vmul.f32 v7, v4;
	v22 =	vld [tilespmem:s21+$0xFFFFFFD0];
	v27 =	vadd.f32 v14, v6  }
0xa1: {  	v23 =	vld [tilespmem:s19+$0xFFFFFFD0];
	v11 =	vmax.f32 v11, v15;
	v21 =	vmax.f32 v21, v25;
	v5 =	vadd.f32 v9, v5  }
0xa2: {  	v9 =	vunpack.i.l.bf16.f32 v26;
	v30 =	vmul.f32 v11, v1;
	v16 =	vmul.f32 $2.000000030e-01, v27  }
0xa3: {  	v11 =	vunpack.i.u.bf16.f32 v26;
	v36 =	vmul.f32 v21, v1;
	v7 =	vadd.f32 v5, v7  }
0xa4: {  	v5 =	vunpack.i.l.bf16.f32 v13;
	v13 =	vunpack.i.u.bf16.f32 v13;
	v12 =	vmax.f32 v27, v16  }
0xa5: {  	v29 =	vadd.f32 v5, v9;
	v5 =	vunpack.i.u.bf16.f32 v28;
	v13 =	vadd.f32 v13, v11  }
0xa6: {  	v32 =	vunpack.i.l.bf16.f32 v23;
	v16 =	vunpack.i.u.bf16.f32 v22;
	v41 =	vunpack.i.u.bf16.f32 v23;
	(xrf2) =	vadd.scan.msk.f32 $0xffff, v7  }
0xa7: {  	v12 =	vmul.f32 v12, v2;
	v14 =	vadd.f32 v31, v5;
	v24 =	vmul.f32 $2.000000030e-01, v29  }
0xa8: {  	v7 =	vunpack.i.l.bf16.f32 v22;
	v22 =	vadd.f32 v41, v16;
	v33 =	vmul.f32 $2.000000030e-01, v13  }
0xa9: {  	v26 =	vmul.f32 $2.000000030e-01, v14;
	v12 =	vadd.f32 v30, v12;
	v15 =	vmax.f32 v29, v24  }
0xaa: {  	v27 =	vld [tilespmem:s21+$0xFFFFFFE0];
	v24 =	vadd.f32 v32, v7;
	v13 =	vmax.f32 v13, v33;
	v15 =	vmul.f32 v15, v3  }
0xab: {  	v29 =	vmul.f32 $2.000000030e-01, v22;
	v14 =	vmax.f32 v14, v26;
	v13 =	vmul.f32 v13, v4  }
0xac: {  	v38 =	vld [tilespmem:s21+$0xFFFFFFF0];
	v34 =	vmul.f32 $2.000000030e-01, v24;
	v14 =	vmul.f32 v14, v2;
	v12 =	vadd.f32 v15, v12  }
0xad: {  	v48 =	vunpack.i.u.bf16.f32 v39;
	v26 =	vunpack.i.u.bf16.f32 v35;
	v22 =	vmax.f32 v22, v29  }
0xae: {  	v37 =	vmax.f32 v24, v34;
	v14 =	vadd.f32 v36, v14;
	v40 =	vadd.f32 v12, v13  }
0xaf: {  	v15 =	vmul.f32 v37, v3;
	v13 =	vunpack.i.l.bf16.f32 v27;
	v12 =	vunpack.i.u.bf16.f32 v27  }
0xb0: {  	v22 =	vmul.f32 v22, v4;
	v45 =	vadd.f32 v43, v13;
	v26 =	vadd.f32 v26, v12;
	v44, _, _ =	vpop (xrf2);
	(xrf2) =	vadd.scan.msk.f32 $0xffff, v40  }
0xb1: {  	v42 =	vadd.f32 v15, v14;
	v14 =	vunpack.i.l.bf16.f32 v38;
	v28 =	vmul.f32 $1.442695020e+00, v44  }
0xb2: {  	v15 =	vunpack.i.u.bf16.f32 v38;
	v46 =	vmul.f32 $2.000000030e-01, v45;
	v30 =	vmul.f32 $2.000000030e-01, v26  }
0xb3: {  	v25 =	vadd.f32 v47, v14;
	v22 =	vadd.f32 v42, v22;
	v28 =	vbroadcast v28, $0xF  }
0xb4: {  	v21 =	vadd.f32 v48, v15;
	v27 =	vmax.f32 v45, v46  }
0xb5: {  	v49 =	vmax.f32 v26, v30;
	v50 =	vmul.f32 $2.000000030e-01, v25;
	(xrf2) =	vadd.scan.msk.f32 $0xffff, v22;
	(erf) = vpow2.f32 v28  }
0xb6: {  	v27 =	vmul.f32 v27, v1;
	v24 =	vmul.f32 v49, v2  }
0xb7: {  	v56 =	vld [tilespmem:s19+$0x0];
	v51 =	vmul.f32 $2.000000030e-01, v21;
	v25 =	vmax.f32 v25, v50  }
0xb8: {  	v63 =	vld [tilespmem:s19+$0x10];
	v24 =	vadd.f32 v27, v24;
	v25 =	vmul.f32 v25, v3  }
0xb9: {  	v46 =	vld [tilespmem:s19+$0x20];
	v21 =	vmax.f32 v21, v51  }
0xba: {  	v62 =	vld [tilespmem:s21+$0x10];
	v21 =	vmul.f32 v21, v4;
	v52 =	vadd.f32 v25, v24;
	v53, _, _ =	vpop (xrf2)  }
0xbb: {  	v57 =	vmov s15;
	v22 =	vmul.f32 $1.442695020e+00, v53  }
0xbc: {  	v55 =	vld [tilespmem:s21+$0x0];
	v58 =	vshrl.u32 v57, $0x3;
	v21 =	vadd.f32 v52, v21  }
0xbd: {  	v61 =	vunpack.i.l.bf16.f32 v56;
	v42 =	vunpack.i.u.bf16.f32 v56;
	v54 =	vbroadcast v22, $0xF  }
0xbe: {  	s16 =	sadd.s32 s15, s20;
	v43 =	vld [tilespmem:s21+$0x20];
	v56 =	vunpack.i.u.bf16.f32 v46;
	v53 =	vunpack.i.l.bf16.f32 v63;
	(xrf2) =	vadd.scan.msk.f32 $0xffff, v21;
	v21 =	vshll.u32 v58, v0;
	v59 =	vpop (erf)  }
0xbf: {  	p2 =	slt.u32 s16, $0x50910;
	v40 =	vld [tilespmem:s19+$0x30];
	v39 =	vbroadcast v21, $0x0;
	v22 =	vunpack.i.u.bf16.f32 v62;
	v60, _, _ =	vpop (xrf2);
	(erf) = vpow2.f32 v54  }
0xc0: {  	v58 =	vld [tilespmem:s21+$0x30];
	v38 =	vpsel !p2, $0x0, v59;
	v21 =	vmul.f32 $1.442695020e+00, v60;
	v59 =	vunpack.i.u.bf16.f32 v63  }
0xc1: {  	v34 =	vmul.f32 v38, v18;
	v18 =	vunpack.i.l.bf16.f32 v55;
	v35 =	vmul.f32 v38, v17  }
0xc2: {  	v36 =	vmul.f32 v38, v20;
	v17 =	vunpack.i.u.bf16.f32 v55;
	v37 =	vmul.f32 v38, v19  }
0xc3: {  	v63 =	vld [tilespmem:s19+$0x40];
	v55 =	vunpack.i.l.bf16.f32 v46;
	v19 =	vunpack.i.u.bf16.f32 v43;
	v25 =	vadd.f32 v59, v22  }
0xc4: {  	v24 =	vadd.f32 v61, v18;
	v21 =	vbroadcast v21, $0xF;
	v20 =	vadd.f32 v42, v17  }
0xc5: {  	v32 =	vadd.f32 v56, v19;
	v27 =	vunpack.i.u.bf16.f32 v58;
	v56 =	vunpack.i.u.bf16.f32 v40  }
0xc6: {  	v23 =	vunpack.i.l.bf16.f32 v58;
	v30 =	vadd.f32 v56, v27;
	v45 =	vmul.f32 $2.000000030e-01, v24  }
0xc7: {  	v56 =	vld [tilespmem:s21+$0x70];
	(erf) = vpow2.f32 v21;
	v50 =	vmul.f32 $2.000000030e-01, v20;
	v21 =	vunpack.i.l.bf16.f32 v62  }
0xc8: {  	v61 =	vmul.f32 $2.000000030e-01, v32;
	v54 =	vadd.f32 v53, v21;
	v26 =	vunpack.i.u.bf16.f32 v63  }
0xc9: {  	v49 =	vmax.f32 v24, v45;
	v24 =	vmax.f32 v20, v50;
	v20 =	vunpack.i.l.bf16.f32 v43  }
0xca: {  	v50 =	vunpack.i.l.bf16.f32 v40;
	v52 =	vmul.f32 v49, v1;
	v57 =	vadd.f32 v55, v20  }
0xcb: {  	v44, _, _ =	vpop (xrf2);
	v24 =	vmul.f32 v24, v2;
	v31 =	vmul.f32 $2.000000030e-01, v54;
	v49 =	vmax.f32 v32, v61  }
0xcc: {  	v53 =	vld [tilespmem:s19+$0x50];
	v47 =	vmul.f32 $1.442695020e+00, v44;
	v32 =	vunpack.i.l.bf16.f32 v56;
	v60 =	vmul.f32 $2.000000030e-01, v57  }
0xcd: {  	v29 =	vmax.f32 v54, v31;
	v24 =	vadd.f32 v52, v24;
	v31 =	vmul.f32 v49, v2  }
0xce: {  	v41 =	vld [tilespmem:s21+$0x40];
	v48 =	vpop (erf);
	v54 =	vunpack.i.l.bf16.f32 v63;
	v51 =	vbroadcast v47, $0xF;
	v29 =	vmul.f32 v29, v3  }
0xcf: {  	v33 =	vpsel !p2, $0x0, v48;
	v48 =	vmul.f32 $2.000000030e-01, v25;
	v47 =	vmul.f32 $2.000000030e-01, v30  }
0xd0: {  	v62 =	vmax.f32 v57, v60;
	v10 =	vmul.f32 v33, v10;
	v6 =	vmul.f32 v33, v6  }
0xd1: {  	v52 =	vld [tilespmem:s21+$0x50];
	v46 =	vunpack.i.l.bf16.f32 v53;
	v42 =	vmul.f32 v62, v1;
	(erf) = vpow2.f32 v51  }
0xd2: {  	s16 =	sadd.s32 $0x1, s15;
	v25 =	vmax.f32 v25, v48;
	v51 =	vadd.f32 v50, v23;
	v29 =	vadd.f32 v29, v24  }
0xd3: {  	v24 =	vunpack.i.u.bf16.f32 v41;
	v48 =	vmov s16;
	v50 =	vmax.f32 v30, v47  }
0xd4: {  	v60 =	vld [tilespmem:s21+$0x60];
	v43 =	vmul.f32 v25, v4;
	v25 =	vunpack.i.l.bf16.f32 v41;
	v57 =	vadd.f32 v26, v24  }
0xd5: {  	v61 =	vld [tilespmem:s19+$0x60];
	v47 =	vmul.f32 v50, v4;
	v31 =	vadd.f32 v42, v31;
	v44 =	vmul.f32 $2.000000030e-01, v51  }
0xd6: {  	v55 =	vadd.f32 v54, v25;
	v26 =	vunpack.i.l.bf16.f32 v52;
	v45 =	vmul.f32 $2.000000030e-01, v57  }
0xd7: {  	v59 =	vadd.f32 v46, v26;
	v43 =	vadd.f32 v29, v43;
	v29 =	vunpack.i.u.bf16.f32 v52  }
0xd8: {  	v52 =	vunpack.i.u.bf16.f32 v53;
	v28 =	vmax.f32 v51, v44;
	v58 =	vmul.f32 $2.000000030e-01, v55  }
0xd9: {  	v54 =	vadd.f32 v52, v29;
	v30 =	vunpack.i.u.bf16.f32 v60;
	v28 =	vmul.f32 v28, v3  }
0xda: {  	v40 =	vmax.f32 v57, v45;
	v63 =	vmul.f32 $2.000000030e-01, v59;
	v45 =	vunpack.i.u.bf16.f32 v61  }
0xdb: {  	v41 =	vmax.f32 v55, v58;
	v62 =	vmul.f32 v40, v2;
	v55 =	vunpack.i.l.bf16.f32 v61  }
0xdc: {  	v57 =	vld [tilespmem:s19+$0x70];
	v45 =	vadd.f32 v45, v30;
	v41 =	vmul.f32 v41, v1;
	v31 =	vadd.f32 v28, v31  }
0xdd: {  	v51 =	vmax.f32 v59, v63;
	v28 =	vunpack.i.l.bf16.f32 v60;
	v59 =	vmul.f32 $2.000000030e-01, v54  }
0xde: {  	v60 =	vshrl.u32 v48, $0x3;
	v53 =	vmul.f32 v51, v3;
	v42 =	vadd.f32 v55, v28  }
0xdf: {  	(xrf2) =	vadd.scan.msk.f32 $0xffff, v43;
	v41 =	vadd.f32 v41, v62;
	v58 =	vadd.f32 v31, v47;
	v47 =	vshll.u32 v60, v0  }
0xe0: {  	v31 =	vmax.f32 v54, v59;
	v62 =	vmul.f32 $2.000000030e-01, v45;
	v61 =	vmul.f32 $2.000000030e-01, v42  }
0xe1: {  	s16 =	sadd.s32 $0x2, s15;
	v47 =	vadd.s32 $0x1, v47;
	v63 =	vmul.f32 v31, v4;
	v50 =	vunpack.i.l.bf16.f32 v57  }
0xe2: {  	[tilespmem:v39+s30+$0x0] =	vst.idx.msk $0x1, v38;
	v31 =	vunpack.i.u.bf16.f32 v56;
	v51 =	vunpack.i.u.bf16.f32 v57;
	v56 =	vmov s16  }
0xe3: {  	[tilespmem:s12+$0xFFFFFF00] =	vst v34;
	v41 =	vadd.f32 v53, v41;
	v40 =	vmax.f32 v45, v62;
	v45 =	vadd.f32 v50, v32  }
0xe4: {  	s16 =	sadd.s32 $0x3, s15;
	(xrf2) =	vadd.scan.msk.f32 $0xffff, v58;
	v52 =	vadd.f32 v51, v31;
	v53 =	vbroadcast v47, $0x0;
	v34 =	vshrl.u32 v56, $0x3  }
0xe5: {  	v62 =	vmov s16;
	v42 =	vmax.f32 v42, v61;
	v55 =	vmul.f32 $2.000000030e-01, v45  }
0xe6: {  	v40 =	vmul.f32 v40, v2;
	v34 =	vshll.u32 v34, v0;
	v42 =	vmul.f32 v42, v1  }
0xe7: {  	[tilespmem:s12+$0xFFFFFF10] =	vst v35;
	v54 =	vadd.f32 v41, v63;
	v57 =	vmul.f32 $2.000000030e-01, v52;
	v58 =	vmax.f32 v45, v55  }
0xe8: {  	[tilespmem:s12+$0xFFFFFF20] =	vst v36;
	v34 =	vadd.s32 $0x2, v34;
	v40 =	vadd.f32 v42, v40;
	v35 =	vmul.f32 v58, v3  }
0xe9: {  	v34 =	vbroadcast v34, $0x0;
	v59 =	vmax.f32 v52, v57;
	v60, _, _ =	vpop (xrf2);
	(xrf2) =	vadd.scan.msk.f32 $0xffff, v54;
	v42 =	vshrl.u32 v62, $0x3  }
0xea: {  	[tilespmem:s12+$0xFFFFFF30] =	vst v37;
	v61 =	vmul.f32 $1.442695020e+00, v60;
	v36 =	vmul.f32 v59, v4;
	v35 =	vadd.f32 v35, v40  }
0xeb: {  	v9 =	vmul.f32 v33, v9;
	v43 =	vshll.u32 v42, v0;
	[tilespmem:v53+s30+$0x0] =	vst.idx.msk $0x1, v33  }
0xec: {  	v41 =	vpop (erf);
	v45 =	vadd.s32 $0x3, v43;
	v63 =	vbroadcast v61, $0xF;
	[tilespmem:s12+$0xFFFFFF40] =	vst v10;
	v40 =	vadd.f32 v35, v36  }
0xed: {  	[tilespmem:s12+$0xFFFFFF50] =	vst v6;
	v6 =	vpsel !p2, $0x0, v41;
	v46 =	vbroadcast v45, $0x0  }
0xee: {  	[tilespmem:s12+$0xFFFFFF60] =	vst v9;
	v8 =	vmul.f32 v6, v8;
	(erf) = vpow2.f32 v63;
	v44, _, _ =	vpop (xrf2);
	(xrf2) =	vadd.scan.msk.f32 $0xffff, v40  }
0xef: {  	s16 =	sadd.s32 $0x4, s15;
	v5 =	vmul.f32 v6, v5;
	[tilespmem:v34+s30+$0x0] =	vst.idx.msk $0x1, v6;
	v9 =	vmul.f32 $1.442695020e+00, v44  }
0xf0: {  	v39 =	vmul.f32 v33, v11;
	v47 =	vmov s16;
	v7 =	vmul.f32 v6, v7;
	[tilespmem:s12+$0xFFFFFF80] =	vst v8  }
0xf1: {  	v11 =	vshrl.u32 v47, $0x3;
	v48 =	vpop (erf);
	[tilespmem:s12+$0xFFFFFF90] =	vst v5;
	v5 =	vmul.f32 v6, v16;
	v9 =	vbroadcast v9, $0xF  }
0xf2: {  	v49 =	vshll.u32 v11, v0;
	v6 =	vpsel !p2, $0x0, v48;
	[tilespmem:s12+$0xFFFFFFA0] =	vst v7  }
0xf3: {  	s16 =	sadd.s32 $0x5, s15;
	v8 =	vadd.s32 $0x4, v49;
	v7 =	vmul.f32 v6, v13;
	[tilespmem:s12+$0xFFFFFFB0] =	vst v5;
	v50, _, _ =	vpop (xrf2);
	(erf) = vpow2.f32 v9  }
0xf4: {  	v53 =	vmov s16;
	v5 =	vbroadcast v8, $0x0;
	[tilespmem:v46+s30+$0x0] =	vst.idx.msk $0x1, v6;
	v51 =	vmul.f32 $1.442695020e+00, v50  }
0xf5: {  	v10 =	vshrl.u32 v53, $0x3;
	v52 =	vmul.f32 v6, v12;
	[tilespmem:s12+$0xFFFFFFC0] =	vst v7;
	v7 =	vmul.f32 v6, v14  }
0xf6: {  	[tilespmem:s12+$0xFFFFFF70] =	vst v39;
	v10 =	vshll.u32 v10, v0;
	v6 =	vmul.f32 v6, v15;
	v8 =	vbroadcast v51, $0xF  }
0xf7: {  	v10 =	vadd.s32 $0x5, v10;
	[tilespmem:s12+$0xFFFFFFD0] =	vst v52;
	v54 =	vpop (erf)  }
0xf8: {  	[tilespmem:s12+$0xFFFFFFF0] =	vst v6;
	v6 =	vbroadcast v10, $0x0;
	v55 =	vpsel !p2, $0x0, v54;
	(erf) = vpow2.f32 v8;
	v56, _, _ =	vpop (xrf2)  }
0xf9: {  	s16 =	sadd.s32 $0x6, s15;
	[tilespmem:s12+$0xFFFFFFE0] =	vst v7;
	v7 =	vmul.f32 v55, v18;
	v8 =	vmul.f32 $1.442695020e+00, v56  }
0xfa: {  	v57 =	vmov s16;
	[tilespmem:v5+s30+$0x0] =	vst.idx.msk $0x1, v55;
	v5 =	vmul.f32 v55, v17  }
0xfb: {  	v10 =	vshrl.u32 v57, $0x3;
	[tilespmem:s12+$0x0] =	vst v7;
	v7 =	vmul.f32 v55, v21;
	v8 =	vbroadcast v8, $0xF  }
0xfc: {  	v10 =	vshll.u32 v10, v0;
	[tilespmem:s12+$0x10] =	vst v5;
	v5 =	vmul.f32 v55, v22;
	v58 =	vpop (erf)  }
0xfd: {  	v59 =	vadd.s32 $0x6, v10;
	[tilespmem:s12+$0x20] =	vst v7;
	v7 =	vpsel !p2, $0x0, v58;
	(erf) = vpow2.f32 v8  }
0xfe: {  	s16 =	sadd.s32 $0x7, s15;
	[tilespmem:s12+$0x30] =	vst v5;
	v5 =	vmul.f32 v7, v20;
	v8 =	vbroadcast v59, $0x0  }
0xff: {  	v60 =	vmov s16;
	[tilespmem:v6+s30+$0x0] =	vst.idx.msk $0x1, v7;
	v6 =	vmul.f32 v7, v19  }
0x100: {  	v9 =	vshrl.u32 v60, $0x3;
	[tilespmem:s12+$0x40] =	vst v5;
	v5 =	vmul.f32 v7, v23  }
0x101: {  	v61 =	vpop (erf);
	[tilespmem:s12+$0x50] =	vst v6;
	v6 =	vmul.f32 v7, v27;
	v7 =	vshll.u32 v9, v0  }
0x102: {  	v7 =	vadd.s32 $0x7, v7;
	[tilespmem:s12+$0x60] =	vst v5;
	v5 =	vpsel !p2, $0x0, v61  }
0x103: {  	[tilespmem:s12+$0x70] =	vst v6;
	v7 =	vbroadcast v7, $0x0;
	v6 =	vmul.f32 v5, v25  }
0x104: {  	v62 =	vmul.f32 v5, v24;
	[tilespmem:v8+s30+$0x0] =	vst.idx.msk $0x1, v5  }
0x105: {  	[tilespmem:s12+$0x80] =	vst v6;
	v6 =	vmul.f32 v5, v26  }
0x106: {  	[tilespmem:s12+$0x90] =	vst v62;
	v5 =	vmul.f32 v5, v29;
	v63 =	vpop (erf)  }
0x107: {  	[tilespmem:s12+$0xA0] =	vst v6;
	v6 =	vpsel !p2, $0x0, v63  }
0x108: {  	[tilespmem:s12+$0xB0] =	vst v5;
	p2 =	slt.u32 s15, $0x118;
	v5 =	vmul.f32 v6, v28  }
.Ltmp2:
0x109: {  	[tilespmem:v7+s30+$0x0] =	vst.idx.msk $0x1, v6;
	v7 =	vmul.f32 v6, v30;
	(pc) =	sbr.rel @p2 .LBB2_3-.Ltmp2, $4  }
0x10a: {  	[tilespmem:s12+$0xC0] =	vst v5;
	v5 =	vmul.f32 v6, v32  }
0x10b: {  	[tilespmem:s12+$0xD0] =	vst v7;
	v6 =	vmul.f32 v6, v31  }
0x10c: {  	s21 =	sadd.s32 $0x100, s21;
	[tilespmem:s12+$0xE0] =	vst v5  }
0x10d: {  	s19 =	sadd.s32 $0x100, s19;
	s15 =	sadd.s32 $0x8, s15;
	[tilespmem:s12+$0xF0] =	vst v6;
	s12 =	sadd.s32 $0x200, s12  }
0x10e: {  	[spmem:s4] =	stream.indirect.scatter.add.f32 [tilespmem:s30], [sflag:$0x3], $0x1, s8, s28, $0xb8;
	[tilespmem:$0x1CBC0] =	vst v63  }
0x10f: {  	p2 =	seq.s32 s24, $0x11  }
0x110: {  	s12 =	sadd.s32 @!p2 s14, s17  }
0x111: {  	[spmem:s3] =	stream.indirect.scatter.add.f32 [tilespmem:s9], [sflag:$0x3], $0x40, s8, s28, $0xb8;
	[tilespmem:$0x1CBC0] =	vst v63  }
0x112: {  	s12 =	sshrl.u32 @!p2 s12, $0x3  }
0x113: {  	s16 =	simm.s32 @!p2 $0x0;
	s15 =	sadd.s32 @!p2 s1, s12  }
0x114: {  	[tilespmem:s16], [sflag:$0x5] =	stream.linear.gather @!p2 [hbm4b:s15+s16], $0x120, $0x38;
	[tilespmem:$0x1CBC0] =	vst v63  }
0x115: {  	s15 =	simm.s32 @!p2 $0x5  }
0x116: {  	_ =	swait.ge @!p2 [sflag:s15], $0x120  }
0x117: {  	[sflag:s15] =	ssyncset.done @!p2 $0x0  }
0x118: {  	s19 =	simm.s32 @!p2 $0x240;
	s12 =	sadd.s32 @!p2 s2, s12;
	[sflag:s15] =	ssyncadd.s32 @!p2 $0xFFFFFEE0  }
0x119: {  	[tilespmem:s19], [sflag:$0x5] =	stream.linear.gather @!p2 [hbm4b:s12+s16], $0x120, $0x38;
	[tilespmem:$0x1CBC0] =	vst v63  }
0x11a: {  	_ =	swait.ge @!p2 [sflag:s15], $0x120  }
0x11b: {  	[sflag:s15] =	ssyncset.done @!p2 $0x0  }
0x11c: {  	s12 =	simm.s32 @!p2 $0x120;
	[sflag:s15] =	ssyncadd.s32 @!p2 $0xFFFFFEE0;
	s15 =	simm.s32 @!p2 $0x900  }
0x11d: {  	[tilespmem:s15], [sflag:$0x1] =	stream.indirect.gather @!p2 [hbm4b:s6+s12], $0x20, s16, s12, $0xb8;
	[tilespmem:$0x1CBC0] =	vst v63  }
0x11e: {  	s15 =	simm.s32 @!p2 $0x5100  }
0x11f: {  	[tilespmem:s15], [sflag:$0x1] =	stream.indirect.gather @!p2 [hbm4b:s7+s12], $0x20, s19, s12, $0xb8;
	[tilespmem:$0x1CBC0] =	vst v63  }
0x120: {  	_ =	swait.ge [sflag:s10], $0x2400  }
0x121: {  	[sflag:s10] =	ssyncset.done $0x0  }
0x122: {  	[sflag:s10] =	ssyncadd.s32 $0xFFFFDC00  }
0x123: {  	_ =	swait.ge [sflag:s10], $0x2400  }
0x124: {  	[sflag:s10] =	ssyncset.done $0x0  }
0x125: {  	s12 =	simm.s32 @!p1 $0x4;
	[sflag:s10] =	ssyncadd.s32 $0xFFFFDC00  }
0x126: {  	_ =	swait.ge @!p1 [sflag:s12], $0x120  }
0x127: {  	[sflag:s12] =	ssyncset.done @!p1 $0x0  }
0x128: {  	[sflag:s12] =	ssyncadd.s32 @!p1 $0xFFFFFEE0  }
0x129: {  	_ =	swait.ge @!p1 [sflag:s12], $0x4800  }
0x12a: {  	[sflag:s12] =	ssyncset.done @!p1 $0x0  }
0x12b: {  	[sflag:s12] =	ssyncadd.s32 @!p1 $0xFFFFB800  }
0x12c: {  	v5 =	vld [tilespmem:$0x360]  }
0x12d: {  	v6 =	vld [tilespmem:$0x370]  }
0x12e: {  	v7 =	vld [tilespmem:$0x380]  }
0x12f: {  	v8 =	vld [tilespmem:$0x390]  }
0x130: {  	v9 =	vld [tilespmem:$0x3A0]  }
0x131: {  	[tilespmem:$0x5A0] =	vst v5;
	v5 =	vld [tilespmem:$0x3B0]  }
0x132: {  	[tilespmem:$0x5B0] =	vst v6;
	v6 =	vld [tilespmem:$0x3C0]  }
0x133: {  	[tilespmem:$0x5C0] =	vst v7;
	v7 =	vld [tilespmem:$0x3D0]  }
0x134: {  	v60 =	vld [tilespmem:$0x3E0];
	[tilespmem:$0x5D0] =	vst v8  }
0x135: {  	v61 =	vld [tilespmem:$0x3F0];
	[tilespmem:$0x5E0] =	vst v9  }
0x136: {  	[tilespmem:$0x5F0] =	vst v5;
	v5 =	vld [tilespmem:$0x400]  }
0x137: {  	[tilespmem:$0x600] =	vst v6;
	v6 =	vld [tilespmem:$0x410]  }
0x138: {  	[tilespmem:$0x610] =	vst v7;
	v7 =	vld [tilespmem:$0x420]  }
0x139: {  	v62 =	vld [tilespmem:$0x430];
	[tilespmem:$0x620] =	vst v60  }
0x13a: {  	v63 =	vld [tilespmem:$0x440];
	[tilespmem:$0x630] =	vst v61  }
0x13b: {  	[tilespmem:$0x640] =	vst v5;
	v5 =	vld [tilespmem:$0x450]  }
0x13c: {  	[tilespmem:$0x650] =	vst v6;
	v6 =	vld [tilespmem:$0x460]  }
0x13d: {  	[tilespmem:$0x660] =	vst v7;
	v7 =	vld [tilespmem:$0x470]  }
0x13e: {  	[tilespmem:$0x670] =	vst v62  }
0x13f: {  	[tilespmem:$0x680] =	vst v63  }
0x140: {  	[tilespmem:$0x690] =	vst v5  }
0x141: {  	s21 =	simm.s32 $0x2D80;
	[tilespmem:$0x6A0] =	vst v6  }
0x142: {  	s15 =	simm.s32 $0x0;
	s19 =	simm.s32 $0x7580;
	s12 =	simm.s32 $0xE200;
	[tilespmem:$0x6B0] =	vst v7  }
.LBB2_5:
0x143: {  	v5 =	vld [tilespmem:s21+$0xFFFFFF80]  }
0x144: {  	v6 =	vld [tilespmem:s19+$0xFFFFFF80]  }
0x145: {  	v7 =	vld [tilespmem:s21+$0xFFFFFF90]  }
0x146: {  	v8 =	vld [tilespmem:s19+$0xFFFFFF90]  }
0x147: {  	v24 =	vld [tilespmem:s19+$0xFFFFFFA0]  }
0x148: {  	v28 =	vld [tilespmem:s21+$0xFFFFFFC0]  }
0x149: {  	v21 =	vld [tilespmem:s19+$0xFFFFFFC0]  }
0x14a: {  	v17 =	vunpack.i.u.bf16.f32 v5;
	v18 =	vunpack.i.l.bf16.f32 v5;
	v5 =	vunpack.i.u.bf16.f32 v6  }
0x14b: {  	v6 =	vunpack.i.l.bf16.f32 v6;
	v20 =	vunpack.i.l.bf16.f32 v7;
	v11 =	vunpack.i.l.bf16.f32 v8  }
0x14c: {  	v23 =	vld [tilespmem:s21+$0xFFFFFFA0];
	v19 =	vunpack.i.u.bf16.f32 v7;
	v7 =	vunpack.i.u.bf16.f32 v8;
	v14 =	vunpack.i.u.bf16.f32 v24  }
0x14d: {  	v8 =	vunpack.i.l.bf16.f32 v28;
	v6 =	vadd.f32 v6, v18;
	v5 =	vadd.f32 v5, v17  }
0x14e: {  	v35 =	vld [tilespmem:s19+$0xFFFFFFE0];
	v31 =	vunpack.i.u.bf16.f32 v21;
	v22 =	vadd.f32 v11, v20;
	v7 =	vadd.f32 v7, v19  }
0x14f: {  	v21 =	vunpack.i.l.bf16.f32 v21;
	v9 =	vmul.f32 $2.000000030e-01, v6;
	v10 =	vmul.f32 $2.000000030e-01, v5  }
0x150: {  	v11 =	vunpack.i.l.bf16.f32 v24;
	v25 =	vmul.f32 $2.000000030e-01, v22;
	v12 =	vmul.f32 $2.000000030e-01, v7  }
0x151: {  	v39 =	vld [tilespmem:s19+$0xFFFFFFF0];
	v6 =	vmax.f32 v6, v9;
	v5 =	vmax.f32 v5, v10;
	v10 =	vunpack.i.l.bf16.f32 v23  }
0x152: {  	v6 =	vmul.f32 v6, v1;
	v5 =	vmul.f32 v5, v2;
	v11 =	vadd.f32 v11, v10  }
0x153: {  	v26 =	vld [tilespmem:s21+$0xFFFFFFB0];
	v43 =	vunpack.i.l.bf16.f32 v35;
	v21 =	vadd.f32 v21, v8;
	v7 =	vmax.f32 v7, v12  }
0x154: {  	v5 =	vadd.f32 v6, v5;
	v6 =	vmax.f32 v22, v25;
	v15 =	vmul.f32 $2.000000030e-01, v11  }
0x155: {  	v13 =	vld [tilespmem:s19+$0xFFFFFFB0];
	v25 =	vmul.f32 $2.000000030e-01, v21;
	v9 =	vmul.f32 v6, v3;
	v6 =	vunpack.i.u.bf16.f32 v23  }
0x156: {  	v47 =	vunpack.i.l.bf16.f32 v39;
	v7 =	vmul.f32 v7, v4;
	v22 =	vld [tilespmem:s21+$0xFFFFFFD0];
	v27 =	vadd.f32 v14, v6  }
0x157: {  	v23 =	vld [tilespmem:s19+$0xFFFFFFD0];
	v11 =	vmax.f32 v11, v15;
	v21 =	vmax.f32 v21, v25;
	v5 =	vadd.f32 v9, v5  }
0x158: {  	v9 =	vunpack.i.l.bf16.f32 v26;
	v30 =	vmul.f32 v11, v1;
	v16 =	vmul.f32 $2.000000030e-01, v27  }
0x159: {  	v11 =	vunpack.i.u.bf16.f32 v26;
	v36 =	vmul.f32 v21, v1;
	v7 =	vadd.f32 v5, v7  }
0x15a: {  	v5 =	vunpack.i.l.bf16.f32 v13;
	v13 =	vunpack.i.u.bf16.f32 v13;
	v12 =	vmax.f32 v27, v16  }
0x15b: {  	v29 =	vadd.f32 v5, v9;
	v5 =	vunpack.i.u.bf16.f32 v28;
	v13 =	vadd.f32 v13, v11  }
0x15c: {  	v32 =	vunpack.i.l.bf16.f32 v23;
	v16 =	vunpack.i.u.bf16.f32 v22;
	v41 =	vunpack.i.u.bf16.f32 v23;
	(xrf2) =	vadd.scan.msk.f32 $0xffff, v7  }
0x15d: {  	v12 =	vmul.f32 v12, v2;
	v14 =	vadd.f32 v31, v5;
	v24 =	vmul.f32 $2.000000030e-01, v29  }
0x15e: {  	v7 =	vunpack.i.l.bf16.f32 v22;
	v22 =	vadd.f32 v41, v16;
	v33 =	vmul.f32 $2.000000030e-01, v13  }
0x15f: {  	v26 =	vmul.f32 $2.000000030e-01, v14;
	v12 =	vadd.f32 v30, v12;
	v15 =	vmax.f32 v29, v24  }
0x160: {  	v27 =	vld [tilespmem:s21+$0xFFFFFFE0];
	v24 =	vadd.f32 v32, v7;
	v13 =	vmax.f32 v13, v33;
	v15 =	vmul.f32 v15, v3  }
0x161: {  	v29 =	vmul.f32 $2.000000030e-01, v22;
	v14 =	vmax.f32 v14, v26;
	v13 =	vmul.f32 v13, v4  }
0x162: {  	v38 =	vld [tilespmem:s21+$0xFFFFFFF0];
	v34 =	vmul.f32 $2.000000030e-01, v24;
	v14 =	vmul.f32 v14, v2;
	v12 =	vadd.f32 v15, v12  }
0x163: {  	v48 =	vunpack.i.u.bf16.f32 v39;
	v26 =	vunpack.i.u.bf16.f32 v35;
	v22 =	vmax.f32 v22, v29  }
0x164: {  	v37 =	vmax.f32 v24, v34;
	v14 =	vadd.f32 v36, v14;
	v40 =	vadd.f32 v12, v13  }
0x165: {  	v15 =	vmul.f32 v37, v3;
	v13 =	vunpack.i.l.bf16.f32 v27;
	v12 =	vunpack.i.u.bf16.f32 v27  }
0x166: {  	v22 =	vmul.f32 v22, v4;
	v45 =	vadd.f32 v43, v13;
	v26 =	vadd.f32 v26, v12;
	v44, _, _ =	vpop (xrf2);
	(xrf2) =	vadd.scan.msk.f32 $0xffff, v40  }
0x167: {  	v42 =	vadd.f32 v15, v14;
	v14 =	vunpack.i.l.bf16.f32 v38;
	v28 =	vmul.f32 $1.442695020e+00, v44  }
0x168: {  	v15 =	vunpack.i.u.bf16.f32 v38;
	v46 =	vmul.f32 $2.000000030e-01, v45;
	v30 =	vmul.f32 $2.000000030e-01, v26  }
0x169: {  	v25 =	vadd.f32 v47, v14;
	v22 =	vadd.f32 v42, v22;
	v28 =	vbroadcast v28, $0xF  }
0x16a: {  	v21 =	vadd.f32 v48, v15;
	v27 =	vmax.f32 v45, v46  }
0x16b: {  	v49 =	vmax.f32 v26, v30;
	v50 =	vmul.f32 $2.000000030e-01, v25;
	(xrf2) =	vadd.scan.msk.f32 $0xffff, v22;
	(erf) = vpow2.f32 v28  }
0x16c: {  	v27 =	vmul.f32 v27, v1;
	v24 =	vmul.f32 v49, v2  }
0x16d: {  	v56 =	vld [tilespmem:s19+$0x0];
	v51 =	vmul.f32 $2.000000030e-01, v21;
	v25 =	vmax.f32 v25, v50  }
0x16e: {  	v63 =	vld [tilespmem:s19+$0x10];
	v24 =	vadd.f32 v27, v24;
	v25 =	vmul.f32 v25, v3  }
0x16f: {  	v46 =	vld [tilespmem:s19+$0x20];
	v21 =	vmax.f32 v21, v51  }
0x170: {  	v62 =	vld [tilespmem:s21+$0x10];
	v21 =	vmul.f32 v21, v4;
	v52 =	vadd.f32 v25, v24;
	v53, _, _ =	vpop (xrf2)  }
0x171: {  	v57 =	vmov s15;
	v22 =	vmul.f32 $1.442695020e+00, v53  }
0x172: {  	v55 =	vld [tilespmem:s21+$0x0];
	v58 =	vshrl.u32 v57, $0x3;
	v21 =	vadd.f32 v52, v21  }
0x173: {  	v61 =	vunpack.i.l.bf16.f32 v56;
	v42 =	vunpack.i.u.bf16.f32 v56;
	v54 =	vbroadcast v22, $0xF  }
0x174: {  	s16 =	sadd.s32 s15, s22;
	v43 =	vld [tilespmem:s21+$0x20];
	v56 =	vunpack.i.u.bf16.f32 v46;
	v53 =	vunpack.i.l.bf16.f32 v63;
	(xrf2) =	vadd.scan.msk.f32 $0xffff, v21;
	v21 =	vshll.u32 v58, v0;
	v59 =	vpop (erf)  }
0x175: {  	p1 =	slt.u32 s16, $0x50910;
	v40 =	vld [tilespmem:s19+$0x30];
	v39 =	vbroadcast v21, $0x0;
	v22 =	vunpack.i.u.bf16.f32 v62;
	v60, _, _ =	vpop (xrf2);
	(erf) = vpow2.f32 v54  }
0x176: {  	v58 =	vld [tilespmem:s21+$0x30];
	v38 =	vpsel !p1, $0x0, v59;
	v21 =	vmul.f32 $1.442695020e+00, v60;
	v59 =	vunpack.i.u.bf16.f32 v63  }
0x177: {  	v34 =	vmul.f32 v38, v18;
	v18 =	vunpack.i.l.bf16.f32 v55;
	v35 =	vmul.f32 v38, v17  }
0x178: {  	v36 =	vmul.f32 v38, v20;
	v17 =	vunpack.i.u.bf16.f32 v55;
	v37 =	vmul.f32 v38, v19  }
0x179: {  	v63 =	vld [tilespmem:s19+$0x40];
	v55 =	vunpack.i.l.bf16.f32 v46;
	v19 =	vunpack.i.u.bf16.f32 v43;
	v25 =	vadd.f32 v59, v22  }
0x17a: {  	v24 =	vadd.f32 v61, v18;
	v21 =	vbroadcast v21, $0xF;
	v20 =	vadd.f32 v42, v17  }
0x17b: {  	v32 =	vadd.f32 v56, v19;
	v27 =	vunpack.i.u.bf16.f32 v58;
	v56 =	vunpack.i.u.bf16.f32 v40  }
0x17c: {  	v23 =	vunpack.i.l.bf16.f32 v58;
	v30 =	vadd.f32 v56, v27;
	v45 =	vmul.f32 $2.000000030e-01, v24  }
0x17d: {  	v56 =	vld [tilespmem:s21+$0x70];
	(erf) = vpow2.f32 v21;
	v50 =	vmul.f32 $2.000000030e-01, v20;
	v21 =	vunpack.i.l.bf16.f32 v62  }
0x17e: {  	v61 =	vmul.f32 $2.000000030e-01, v32;
	v54 =	vadd.f32 v53, v21;
	v26 =	vunpack.i.u.bf16.f32 v63  }
0x17f: {  	v49 =	vmax.f32 v24, v45;
	v24 =	vmax.f32 v20, v50;
	v20 =	vunpack.i.l.bf16.f32 v43  }
0x180: {  	v50 =	vunpack.i.l.bf16.f32 v40;
	v52 =	vmul.f32 v49, v1;
	v57 =	vadd.f32 v55, v20  }
0x181: {  	v44, _, _ =	vpop (xrf2);
	v24 =	vmul.f32 v24, v2;
	v31 =	vmul.f32 $2.000000030e-01, v54;
	v49 =	vmax.f32 v32, v61  }
0x182: {  	v53 =	vld [tilespmem:s19+$0x50];
	v47 =	vmul.f32 $1.442695020e+00, v44;
	v32 =	vunpack.i.l.bf16.f32 v56;
	v60 =	vmul.f32 $2.000000030e-01, v57  }
0x183: {  	v29 =	vmax.f32 v54, v31;
	v24 =	vadd.f32 v52, v24;
	v31 =	vmul.f32 v49, v2  }
0x184: {  	v41 =	vld [tilespmem:s21+$0x40];
	v48 =	vpop (erf);
	v54 =	vunpack.i.l.bf16.f32 v63;
	v51 =	vbroadcast v47, $0xF;
	v29 =	vmul.f32 v29, v3  }
0x185: {  	v33 =	vpsel !p1, $0x0, v48;
	v48 =	vmul.f32 $2.000000030e-01, v25;
	v47 =	vmul.f32 $2.000000030e-01, v30  }
0x186: {  	v62 =	vmax.f32 v57, v60;
	v10 =	vmul.f32 v33, v10;
	v6 =	vmul.f32 v33, v6  }
0x187: {  	v52 =	vld [tilespmem:s21+$0x50];
	v46 =	vunpack.i.l.bf16.f32 v53;
	v42 =	vmul.f32 v62, v1;
	(erf) = vpow2.f32 v51  }
0x188: {  	s16 =	sadd.s32 $0x1, s15;
	v25 =	vmax.f32 v25, v48;
	v51 =	vadd.f32 v50, v23;
	v29 =	vadd.f32 v29, v24  }
0x189: {  	v24 =	vunpack.i.u.bf16.f32 v41;
	v48 =	vmov s16;
	v50 =	vmax.f32 v30, v47  }
0x18a: {  	v60 =	vld [tilespmem:s21+$0x60];
	v43 =	vmul.f32 v25, v4;
	v25 =	vunpack.i.l.bf16.f32 v41;
	v57 =	vadd.f32 v26, v24  }
0x18b: {  	v61 =	vld [tilespmem:s19+$0x60];
	v47 =	vmul.f32 v50, v4;
	v31 =	vadd.f32 v42, v31;
	v44 =	vmul.f32 $2.000000030e-01, v51  }
0x18c: {  	v55 =	vadd.f32 v54, v25;
	v26 =	vunpack.i.l.bf16.f32 v52;
	v45 =	vmul.f32 $2.000000030e-01, v57  }
0x18d: {  	v59 =	vadd.f32 v46, v26;
	v43 =	vadd.f32 v29, v43;
	v29 =	vunpack.i.u.bf16.f32 v52  }
0x18e: {  	v52 =	vunpack.i.u.bf16.f32 v53;
	v28 =	vmax.f32 v51, v44;
	v58 =	vmul.f32 $2.000000030e-01, v55  }
0x18f: {  	v54 =	vadd.f32 v52, v29;
	v30 =	vunpack.i.u.bf16.f32 v60;
	v28 =	vmul.f32 v28, v3  }
0x190: {  	v40 =	vmax.f32 v57, v45;
	v63 =	vmul.f32 $2.000000030e-01, v59;
	v45 =	vunpack.i.u.bf16.f32 v61  }
0x191: {  	v41 =	vmax.f32 v55, v58;
	v62 =	vmul.f32 v40, v2;
	v55 =	vunpack.i.l.bf16.f32 v61  }
0x192: {  	v57 =	vld [tilespmem:s19+$0x70];
	v45 =	vadd.f32 v45, v30;
	v41 =	vmul.f32 v41, v1;
	v31 =	vadd.f32 v28, v31  }
0x193: {  	v51 =	vmax.f32 v59, v63;
	v28 =	vunpack.i.l.bf16.f32 v60;
	v59 =	vmul.f32 $2.000000030e-01, v54  }
0x194: {  	v60 =	vshrl.u32 v48, $0x3;
	v53 =	vmul.f32 v51, v3;
	v42 =	vadd.f32 v55, v28  }
0x195: {  	(xrf2) =	vadd.scan.msk.f32 $0xffff, v43;
	v41 =	vadd.f32 v41, v62;
	v58 =	vadd.f32 v31, v47;
	v47 =	vshll.u32 v60, v0  }
0x196: {  	v31 =	vmax.f32 v54, v59;
	v62 =	vmul.f32 $2.000000030e-01, v45;
	v61 =	vmul.f32 $2.000000030e-01, v42  }
0x197: {  	s16 =	sadd.s32 $0x2, s15;
	v47 =	vadd.s32 $0x1, v47;
	v63 =	vmul.f32 v31, v4;
	v50 =	vunpack.i.l.bf16.f32 v57  }
0x198: {  	[tilespmem:v39+s11+$0x0] =	vst.idx.msk $0x1, v38;
	v31 =	vunpack.i.u.bf16.f32 v56;
	v51 =	vunpack.i.u.bf16.f32 v57;
	v56 =	vmov s16  }
0x199: {  	[tilespmem:s12+$0xFFFFFF00] =	vst v34;
	v41 =	vadd.f32 v53, v41;
	v40 =	vmax.f32 v45, v62;
	v45 =	vadd.f32 v50, v32  }
0x19a: {  	s16 =	sadd.s32 $0x3, s15;
	(xrf2) =	vadd.scan.msk.f32 $0xffff, v58;
	v52 =	vadd.f32 v51, v31;
	v53 =	vbroadcast v47, $0x0;
	v34 =	vshrl.u32 v56, $0x3  }
0x19b: {  	v62 =	vmov s16;
	v42 =	vmax.f32 v42, v61;
	v55 =	vmul.f32 $2.000000030e-01, v45  }
0x19c: {  	v40 =	vmul.f32 v40, v2;
	v34 =	vshll.u32 v34, v0;
	v42 =	vmul.f32 v42, v1  }
0x19d: {  	[tilespmem:s12+$0xFFFFFF10] =	vst v35;
	v54 =	vadd.f32 v41, v63;
	v57 =	vmul.f32 $2.000000030e-01, v52;
	v58 =	vmax.f32 v45, v55  }
0x19e: {  	[tilespmem:s12+$0xFFFFFF20] =	vst v36;
	v34 =	vadd.s32 $0x2, v34;
	v40 =	vadd.f32 v42, v40;
	v35 =	vmul.f32 v58, v3  }
0x19f: {  	v34 =	vbroadcast v34, $0x0;
	v59 =	vmax.f32 v52, v57;
	v60, _, _ =	vpop (xrf2);
	(xrf2) =	vadd.scan.msk.f32 $0xffff, v54;
	v42 =	vshrl.u32 v62, $0x3  }
0x1a0: {  	[tilespmem:s12+$0xFFFFFF30] =	vst v37;
	v61 =	vmul.f32 $1.442695020e+00, v60;
	v36 =	vmul.f32 v59, v4;
	v35 =	vadd.f32 v35, v40  }
0x1a1: {  	v9 =	vmul.f32 v33, v9;
	v43 =	vshll.u32 v42, v0;
	[tilespmem:v53+s11+$0x0] =	vst.idx.msk $0x1, v33  }
0x1a2: {  	v41 =	vpop (erf);
	v45 =	vadd.s32 $0x3, v43;
	v63 =	vbroadcast v61, $0xF;
	[tilespmem:s12+$0xFFFFFF40] =	vst v10;
	v40 =	vadd.f32 v35, v36  }
0x1a3: {  	[tilespmem:s12+$0xFFFFFF50] =	vst v6;
	v6 =	vpsel !p1, $0x0, v41;
	v46 =	vbroadcast v45, $0x0  }
0x1a4: {  	[tilespmem:s12+$0xFFFFFF60] =	vst v9;
	v8 =	vmul.f32 v6, v8;
	(erf) = vpow2.f32 v63;
	v44, _, _ =	vpop (xrf2);
	(xrf2) =	vadd.scan.msk.f32 $0xffff, v40  }
0x1a5: {  	s16 =	sadd.s32 $0x4, s15;
	v5 =	vmul.f32 v6, v5;
	[tilespmem:v34+s11+$0x0] =	vst.idx.msk $0x1, v6;
	v9 =	vmul.f32 $1.442695020e+00, v44  }
0x1a6: {  	v39 =	vmul.f32 v33, v11;
	v47 =	vmov s16;
	v7 =	vmul.f32 v6, v7;
	[tilespmem:s12+$0xFFFFFF80] =	vst v8  }
0x1a7: {  	v11 =	vshrl.u32 v47, $0x3;
	v48 =	vpop (erf);
	[tilespmem:s12+$0xFFFFFF90] =	vst v5;
	v5 =	vmul.f32 v6, v16;
	v9 =	vbroadcast v9, $0xF  }
0x1a8: {  	v49 =	vshll.u32 v11, v0;
	v6 =	vpsel !p1, $0x0, v48;
	[tilespmem:s12+$0xFFFFFFA0] =	vst v7  }
0x1a9: {  	s16 =	sadd.s32 $0x5, s15;
	v8 =	vadd.s32 $0x4, v49;
	v7 =	vmul.f32 v6, v13;
	[tilespmem:s12+$0xFFFFFFB0] =	vst v5;
	v50, _, _ =	vpop (xrf2);
	(erf) = vpow2.f32 v9  }
0x1aa: {  	v53 =	vmov s16;
	v5 =	vbroadcast v8, $0x0;
	[tilespmem:v46+s11+$0x0] =	vst.idx.msk $0x1, v6;
	v51 =	vmul.f32 $1.442695020e+00, v50  }
0x1ab: {  	v10 =	vshrl.u32 v53, $0x3;
	v52 =	vmul.f32 v6, v12;
	[tilespmem:s12+$0xFFFFFFC0] =	vst v7;
	v7 =	vmul.f32 v6, v14  }
0x1ac: {  	[tilespmem:s12+$0xFFFFFF70] =	vst v39;
	v10 =	vshll.u32 v10, v0;
	v6 =	vmul.f32 v6, v15;
	v8 =	vbroadcast v51, $0xF  }
0x1ad: {  	v10 =	vadd.s32 $0x5, v10;
	[tilespmem:s12+$0xFFFFFFD0] =	vst v52;
	v54 =	vpop (erf)  }
0x1ae: {  	[tilespmem:s12+$0xFFFFFFF0] =	vst v6;
	v6 =	vbroadcast v10, $0x0;
	v55 =	vpsel !p1, $0x0, v54;
	(erf) = vpow2.f32 v8;
	v56, _, _ =	vpop (xrf2)  }
0x1af: {  	s16 =	sadd.s32 $0x6, s15;
	[tilespmem:s12+$0xFFFFFFE0] =	vst v7;
	v7 =	vmul.f32 v55, v18;
	v8 =	vmul.f32 $1.442695020e+00, v56  }
0x1b0: {  	v57 =	vmov s16;
	[tilespmem:v5+s11+$0x0] =	vst.idx.msk $0x1, v55;
	v5 =	vmul.f32 v55, v17  }
0x1b1: {  	v10 =	vshrl.u32 v57, $0x3;
	[tilespmem:s12+$0x0] =	vst v7;
	v7 =	vmul.f32 v55, v21;
	v8 =	vbroadcast v8, $0xF  }
0x1b2: {  	v10 =	vshll.u32 v10, v0;
	[tilespmem:s12+$0x10] =	vst v5;
	v5 =	vmul.f32 v55, v22;
	v58 =	vpop (erf)  }
0x1b3: {  	v59 =	vadd.s32 $0x6, v10;
	[tilespmem:s12+$0x20] =	vst v7;
	v7 =	vpsel !p1, $0x0, v58;
	(erf) = vpow2.f32 v8  }
0x1b4: {  	s16 =	sadd.s32 $0x7, s15;
	[tilespmem:s12+$0x30] =	vst v5;
	v5 =	vmul.f32 v7, v20;
	v8 =	vbroadcast v59, $0x0  }
0x1b5: {  	v60 =	vmov s16;
	[tilespmem:v6+s11+$0x0] =	vst.idx.msk $0x1, v7;
	v6 =	vmul.f32 v7, v19  }
0x1b6: {  	v9 =	vshrl.u32 v60, $0x3;
	[tilespmem:s12+$0x40] =	vst v5;
	v5 =	vmul.f32 v7, v23  }
0x1b7: {  	v61 =	vpop (erf);
	[tilespmem:s12+$0x50] =	vst v6;
	v6 =	vmul.f32 v7, v27;
	v7 =	vshll.u32 v9, v0  }
0x1b8: {  	v7 =	vadd.s32 $0x7, v7;
	[tilespmem:s12+$0x60] =	vst v5;
	v5 =	vpsel !p1, $0x0, v61  }
0x1b9: {  	[tilespmem:s12+$0x70] =	vst v6;
	v7 =	vbroadcast v7, $0x0;
	v6 =	vmul.f32 v5, v25  }
0x1ba: {  	v62 =	vmul.f32 v5, v24;
	[tilespmem:v8+s11+$0x0] =	vst.idx.msk $0x1, v5  }
0x1bb: {  	[tilespmem:s12+$0x80] =	vst v6;
	v6 =	vmul.f32 v5, v26  }
0x1bc: {  	[tilespmem:s12+$0x90] =	vst v62;
	v5 =	vmul.f32 v5, v29;
	v63 =	vpop (erf)  }
0x1bd: {  	[tilespmem:s12+$0xA0] =	vst v6;
	v6 =	vpsel !p1, $0x0, v63  }
0x1be: {  	[tilespmem:s12+$0xB0] =	vst v5;
	p1 =	slt.u32 s15, $0x118;
	v5 =	vmul.f32 v6, v28  }
.Ltmp3:
0x1bf: {  	[tilespmem:v7+s11+$0x0] =	vst.idx.msk $0x1, v6;
	v7 =	vmul.f32 v6, v30;
	(pc) =	sbr.rel @p1 .LBB2_5-.Ltmp3, $4  }
0x1c0: {  	[tilespmem:s12+$0xC0] =	vst v5;
	v5 =	vmul.f32 v6, v32  }
0x1c1: {  	[tilespmem:s12+$0xD0] =	vst v7;
	v6 =	vmul.f32 v6, v31  }
0x1c2: {  	s21 =	sadd.s32 $0x100, s21;
	[tilespmem:s12+$0xE0] =	vst v5  }
0x1c3: {  	s19 =	sadd.s32 $0x100, s19;
	s15 =	sadd.s32 $0x8, s15;
	[tilespmem:s12+$0xF0] =	vst v6;
	s12 =	sadd.s32 $0x200, s12  }
.Ltmp4:
0x1c4: {  	(pc) =	sbr.rel @p2 .LBB2_8-.Ltmp4, $4  }
0x1c5: {  	_ = 	snop  }
0x1c6: {  	[spmem:s4] =	stream.indirect.scatter.add.f32 [tilespmem:s11], [sflag:$0x4], $0x1, s13, s28, $0xb8;
	[tilespmem:$0x1CBC0] =	vst v63  }
0x1c7: {  	_ = 	snop  }
0x1c8: {  	[spmem:s3] =	stream.indirect.scatter.add.f32 [tilespmem:s26], [sflag:$0x4], $0x40, s13, s28, $0xb8;
	[tilespmem:$0x1CBC0] =	vst v63  }
0x1c9: {  	s12 =	sadd.s32 s14, s18  }
0x1ca: {  	s12 =	sshrl.u32 s12, $0x3  }
0x1cb: {  	s21 =	sadd.s32 s1, s12  }
0x1cc: {  	[tilespmem:s28], [sflag:$0x5] =	stream.linear.gather [hbm4b:s21+s5], $0x120, $0x38;
	[tilespmem:$0x1CBC0] =	vst v63  }
0x1cd: {  	_ =	swait.ge [sflag:s23], $0x120  }
0x1ce: {  	[sflag:s23] =	ssyncset.done $0x0  }
0x1cf: {  	s12 =	sadd.s32 s2, s12;
	[sflag:s23] =	ssyncadd.s32 $0xFFFFFEE0  }
0x1d0: {  	[tilespmem:s31], [sflag:$0x5] =	stream.linear.gather [hbm4b:s12+s5], $0x120, $0x38;
	[tilespmem:$0x1CBC0] =	vst v63  }
0x1d1: {  	_ =	swait.ge [sflag:s23], $0x120  }
.Ltmp5:
0x1d2: {  	[sflag:s23] =	ssyncset.done $0x0;
	(pc) =	sbr.rel .LBB2_2-.Ltmp5, $4  }
0x1d3: {  	[sflag:s23] =	ssyncadd.s32 $0xFFFFFEE0  }
0x1d4: {  	[tilespmem:s0], [sflag:$0x2] =	stream.indirect.gather [hbm4b:s6+s28], $0x20, s28, s28, $0xb8;
	[tilespmem:$0x1CBC0] =	vst v63  }
0x1d5: {  	s24 =	sadd.s32 $0x1, s24;
	s20 =	sadd.s32 $0x240, s20;
	s22 =	sadd.s32 $0x240, s22  }
0x1d6: {  	[tilespmem:s25], [sflag:$0x2] =	stream.indirect.gather [hbm4b:s7+s28], $0x20, s31, s28, $0xb8;
	[tilespmem:$0x1CBC0] =	vst v63  }
.LBB2_9:
0x1d7: {  	_ =	sfence.sel $0x180000  }
0x1d8: {  	[bflag:$0x0] =	sbarrier.arrive $0xFFFF  }
0x1d9: {  	_ =	strace $0x9000004A  }
0x1da: {  	[bflag:$0x2] =	sbarrier.arrive $0xFFFF  }
0x1db: {  	s0 =	rddreg [dreg:$0x5]  }
0x1dc: {  	s0 =	sadd.s32 @!p0 $0x100000, s0  }
0x1dd: {  	[sflag:s0] =	ssyncadd.tile.s32 @!p0 $0x1;
	_ =	shalt  }
.Lfunc_end2:
_tile_overlayer_lowered:
.L_overlay_start_2:
0x1de: {  	(tag) =	ssettag $0x2  }
0x1df: {  	s0 =	rddreg [dreg:$0x0];
	s2 =	stileid.u32  }
0x1e0: {  	s1 =	rddreg [dreg:$0x1];
	p0 =	sne.s32 s2, $0x0  }
0x1e1: {  	s3 =	rddreg [dreg:$0x2];
	[bflag:$0x3] =	sbarrier.arrive $0xFFFF;
	s2 =	simm.s32 @!p0 $0x1C05  }
0x1e2: {  	[timem:s3], [sflag:s2] =	dma.local @!p0 [hbm:s0], s1  }
0x1e3: {  	s0 =	simm.s32 @!p0 $0x5  }
0x1e4: {  	_ =	swait.ge @!p0 [sflag:s0], s1  }
0x1e5: {  	s1 =	ssub.s32 @!p0 $0x0, s1;
	[sflag:s0] =	ssyncset.done @!p0 $0x0  }
0x1e6: {  	[sflag:s0] =	ssyncadd.s32 @!p0 s1  }
0x1e7: {  	[bflag:$0x3] =	sbarrier.arrive $0xFFFF  }
0x1e8: {  	_ =	shalt  }

// kernel: kernel.7.cloned.1.call-start
scs
__scs_entry_jumppad:
0x0: {  	(pc) =	sbr.rel $0x88, $3  }
0x1: {  	(tag) =	ssettag $0x0;
	lr =	simm.s32 $0x1  }
0x2: {  	[smem:$0x3F93] =	sst lr;
	_ =	strace $0xD0000000  }
0x3: {  	_ = 	snop  }
0x4: {  	_ = 	snop  }
0x5: {  	_ = 	snop  }
0x6: {  	_ = 	snop  }
0x7: {  	_ = 	snop  }
__scs_overlays_trampoline_lowered:
0x8: {  	[smem:$0x3FA2] =	sst s0  }
0x9: {  	[smem:$0x3FA3] =	sst s1  }
0xa: {  	[smem:$0x3FA4] =	sst s2  }
0xb: {  	[smem:$0x3FA5] =	sst s3  }
0xc: {  	[smem:$0x3FA6] =	sst s4  }
0xd: {  	[smem:$0x3FA7] =	sst s5  }
0xe: {  	[smem:$0x3FA8] =	sst s6  }
0xf: {  	[smem:$0x3FA9] =	sst s7  }
0x10: {  	[smem:$0x3FAA] =	sst s8  }
0x11: {  	[smem:$0x3FAB] =	sst s9;
	s0 =	simm.s32 @!p0 $0x0  }
0x12: {  	s1 =	sld [smem:$0x3F91];
	s0 =	simm.s32 @p0 $0x1  }
0x13: {  	[smem:$0x3FAC] =	sst s0;
	s0 =	simm.s32 @!p1 $0x0  }
0x14: {  	s2 =	sld [smem:$0x3F90];
	s0 =	simm.s32 @p1 $0x1  }
0x15: {  	[smem:$0x3FAD] =	sst s0;
	s0 =	simm.s32 @!p2 $0x0  }
0x16: {  	s3 =	sld [smem:$0x3FDB];
	s0 =	simm.s32 @p2 $0x1  }
0x17: {  	s4 =	simm.s32 $0x1BF5;
	[smem:$0x3FAF] =	sst s0  }
0x18: {  	s0 =	sld [smem:$0x3F92];
	_ =	swait.ge [sflag:s4], $0x0  }
0x19: {  	s7 =	sld [smem:$0x3F93]  }
0x1a: {  	s8 =	sadd.s32 $0xFFFFE003, lr  }
0x1b: {  	s9 =	sadd.s32 $0xFFFFFEF7, lr;
	s5 =	simm.s32 $0xFFFFFFFF;
	p2 =	slt.u32 s8, $0xFFFFF086  }
0x1c: {  	p1 =	slt.u32 s9, $0xF7A;
	s5 =	simm.s32 @!p2 $0x0  }
0x1d: {  	s5 =	simm.s32 @p1 $0x1;
	p0 =	seq.s32 s7, s2  }
0x1e: {  	s7 =	smul.u32 @!p0 $0xF7A, s2;
	p2 =	seq.s32 @!p0 s5, $0x0  }
0x1f: {  	s9 =	smul.u32 $0xF7A, s1;
	s8 =	simm.s32 @!p0 $0x1BF5;
	p2 =	por !p2, p0  }
0x20: {  	[sflag:s8] =	ssyncset.s32 @!p0 $0xFFFFF086;
	s6 =	sadd.s32 @!p0 s3, s7;
	s7 =	simm.s32 @!p0 $0x108  }
0x21: {  	s3 =	sadd.s32 s3, s9;
	s6 =	sadd.s32 @!p0 $0x88, s6;
	s7 =	simm.s32 @p2 $0x1082  }
0x22: {  	[simem:s7], [sflag:s8] =	dma.local @!p0 [hbm:s6], $0xF7A  }
0x23: {  	s9 =	sor.u32 $0xD0000000, s2;
	s6 =	simm.s32 $0x108;
	_ =	swait.ge @!p0 [sflag:s8], $0x0  }
0x24: {  	s3 =	sadd.s32 $0x88, s3;
	s6 =	simm.s32 @!p1 $0x1082;
	[sflag:s4] =	ssyncset.s32 $0xFFFFF086  }
0x25: {  	[simem:s6], [sflag:s4] =	dma.local [hbm:s3], $0xF7A  }
0x26: {  	[smem:$0x3F93] =	sst s1;
	(tag) =	ssettag s2;
	_ =	strace s9  }
0x27: {  	s1 =	sld [smem:$0x3FA3]  }
0x28: {  	s2 =	sld [smem:$0x3FA4]  }
0x29: {  	s4 =	sld [smem:$0x3FA6]  }
0x2a: {  	p0 =	seq.s32 s5, $0x0;
	s5 =	sld [smem:$0x3FA7]  }
0x2b: {  	s6 =	sld [smem:$0x3FA8]  }
0x2c: {  	s7 =	sld [smem:$0x3FA9]  }
0x2d: {  	s3 =	simm.s32 $0x108;
	s8 =	sld [smem:$0x3FAA]  }
0x2e: {  	s3 =	simm.s32 @!p0 $0x1082;
	s9 =	sld [smem:$0x3FAB]  }
0x2f: {  	lr =	sadd.s32 s0, s3;
	s0 =	sld [smem:$0x3FA2]  }
0x30: {  	s3 =	sld [smem:$0x3FA5]  }
0x31: {  	[smem:$0x3FAE] =	sst s10  }
0x32: {  	s10 =	sld [smem:$0x3FAC];
	_ =	sdelay $0x3  }
0x33: {  	p0 =	seq.s32 s10, $0x1;
	s10 =	sld [smem:$0x3FAE];
	_ =	sdelay $0x3  }
0x34: {  	[smem:$0x3FAE] =	sst s10  }
0x35: {  	s10 =	sld [smem:$0x3FAD];
	_ =	sdelay $0x3  }
0x36: {  	p1 =	seq.s32 s10, $0x1;
	s10 =	sld [smem:$0x3FAE];
	_ =	sdelay $0x3  }
0x37: {  	[smem:$0x3FAE] =	sst s10  }
0x38: {  	s10 =	sld [smem:$0x3FAF]  }
0x39: {  	_ = 	snop;
	(pc) =	sbr.ind lr, $3  }
0x3a: {  	_ = 	snop  }
0x3b: {  	_ = 	snop  }
0x3c: {  	p2 =	seq.s32 s10, $0x1;
	s10 =	sld [smem:$0x3FAE]  }
0x3d: {  	_ =	shalt  }
0x3e: {  	_ =	shalt  }
0x3f: {  	_ =	shalt  }
0x40: {  	_ =	shalt  }
0x41: {  	_ =	shalt  }
0x42: {  	_ =	shalt  }
0x43: {  	_ =	shalt  }
0x44: {  	_ =	shalt  }
0x45: {  	_ =	shalt  }
0x46: {  	_ =	shalt  }
0x47: {  	_ =	shalt  }
0x48: {  	_ =	shalt  }
0x49: {  	_ =	shalt  }
0x4a: {  	_ =	shalt  }
0x4b: {  	_ =	shalt  }
0x4c: {  	_ =	shalt  }
0x4d: {  	_ =	shalt  }
0x4e: {  	_ =	shalt  }
0x4f: {  	_ =	shalt  }
0x50: {  	_ =	shalt  }
0x51: {  	_ =	shalt  }
0x52: {  	_ =	shalt  }
0x53: {  	_ =	shalt  }
0x54: {  	_ =	shalt  }
0x55: {  	_ =	shalt  }
0x56: {  	_ =	shalt  }
0x57: {  	_ =	shalt  }
0x58: {  	_ =	shalt  }
0x59: {  	_ =	shalt  }
0x5a: {  	_ =	shalt  }
0x5b: {  	_ =	shalt  }
0x5c: {  	_ =	shalt  }
0x5d: {  	_ =	shalt  }
0x5e: {  	_ =	shalt  }
0x5f: {  	_ =	shalt  }
0x60: {  	_ =	shalt  }
0x61: {  	_ =	shalt  }
0x62: {  	_ =	shalt  }
0x63: {  	_ =	shalt  }
0x64: {  	_ =	shalt  }
0x65: {  	_ =	shalt  }
0x66: {  	_ =	shalt  }
0x67: {  	_ =	shalt  }
0x68: {  	_ =	shalt  }
0x69: {  	_ =	shalt  }
0x6a: {  	_ =	shalt  }
0x6b: {  	_ =	shalt  }
0x6c: {  	_ =	shalt  }
0x6d: {  	_ =	shalt  }
0x6e: {  	_ =	shalt  }
0x6f: {  	_ =	shalt  }
0x70: {  	_ =	shalt  }
0x71: {  	_ =	shalt  }
0x72: {  	_ =	shalt  }
0x73: {  	_ =	shalt  }
0x74: {  	_ =	shalt  }
0x75: {  	_ =	shalt  }
0x76: {  	_ =	shalt  }
0x77: {  	_ =	shalt  }
0x78: {  	_ =	shalt  }
0x79: {  	_ =	shalt  }
0x7a: {  	_ =	shalt  }
0x7b: {  	_ =	shalt  }
0x7c: {  	_ =	shalt  }
0x7d: {  	_ =	shalt  }
0x7e: {  	_ =	shalt  }
0x7f: {  	_ =	shalt  }
0x80: {  	_ =	shalt  }
0x81: {  	_ =	shalt  }
0x82: {  	_ =	shalt  }
0x83: {  	_ =	shalt  }
0x84: {  	_ =	shalt  }
0x85: {  	_ =	shalt  }
0x86: {  	_ =	shalt  }
0x87: {  	_ =	shalt  }
.Lfunc_end0:
.L_simem_size_0:
called_computation_lowered:
.L_overlay_start_0:
0x88: {  	s2 =	sld [smem:$0x3FD9]  }
0x89: {  	s3 =	sld [smem:$0x3FFE];
	_ =	sdelay $0x1  }
0x8a: {  	s1 =	srdreg.scid  }
0x8b: {  	s0 =	sand.u32 $0x1, s1  }
0x8c: {  	s14 =	sshll.u32 s0, $0xA;
	s2 =	sadd.s32 s3, s2  }
0x8d: {  	s2 =	sadd.s32 s2, s14  }
0x8e: {  	[smem:$0x3FBA] =	sst s2  }
0x8f: {  	_ = 	snop  }
0x90: {  	s2 =	sld [smem:$0x3FD0];
	_ =	sdelay $0x2  }
0x91: {  	s4 =	simm.s32 $0xA;
	s5 =	simm.s32 $0x10;
	s15 =	sld [smem:$0x3FC3]  }
0x92: {  	[smem:s5], [sflag:s4] =	dma.local [hbm:s2], $0x1  }
0x93: {  	_ =	swait.eq [sflag:s4], $0x1  }
0x94: {  	[sflag:s4] =	ssyncset.done $0x0  }
0x95: {  	s16 =	sld [smem:$0x10];
	[sflag:s4] =	ssyncadd.s32 $0xFFFFFFFF  }
0x96: {  	s17 =	sld [smem:$0x11];
	(tm) =	ssettm $0x1  }
0x97: {  	s18 =	sld [smem:$0x3FFB];
	_ =	sdelay $0x3  }
0x98: {  	_ =	strace s18  }
0x99: {  	s5 =	sld [smem:$0x3FFC];
	_ =	sdelay $0x3  }
0x9a: {  	_ =	strace s5  }
0x9b: {  	s5 =	sld [smem:$0x3FFD];
	_ =	sdelay $0x3  }
0x9c: {  	_ =	strace s5  }
0x9d: {  	_ =	strace $0x8FFFFFFF  }
0x9e: {  	s19 =	sld [smem:$0x3FDB];
	_ =	sdelay $0x1  }
0x9f: {  	s6 =	simm.s32 $_scs_section_size  }
0xa0: {  	s7 =	simm.s32 $_size__tile_overlayer_lowered;
	s8 =	simm.s32 $_tile_overlayer_lowered  }
0xa1: {  	s22 =	simm.s32 $0x1BFF;
	s21 =	sshll.u32 s8, $0x1;
	s5 =	sadd.s32 s6, s19  }
0xa2: {  	s9 =	simm.s32 $0x0;
	s20 =	sshll.u32 s7, $0x1;
	s7 =	sadd.s32 s21, s5  }
0xa3: {  	[timem:s9], [sflag:s22] =	dma.local [hbm:s7], s20  }
0xa4: {  	_ =	swait.ge [sflag:s22], s20  }
0xa5: {  	s6 =	ssub.s32 $0x0, s20;
	[sflag:s22] =	ssyncset.done $0x0  }
0xa6: {  	[sflag:s22] =	ssyncadd.s32 s6;
	_ =	sdelay $0x1  }
0xa7: {  	s23 =	simm.s32 $0x1B8B  }
0xa8: {  	_ =	swait.ge [sflag:s23], $0x1  }
0xa9: {  	[sflag:s23] =	ssyncset.done $0x0  }
0xaa: {  	s25 =	simm.s32 $0x1B8E;
	s24 =	sld [smem:$0x3FFE];
	[sflag:s23] =	ssyncadd.s32 $0xFFFFFFFF  }
0xab: {  	s26 =	simm.s32 $execute0_lowered;
	[smem:$0x3FD2] =	sst s25  }
0xac: {  	s7 =	sshll.u32 s26, $0x1;
	_ =	strace $0x80000046;
	[dreg:$0x1] =	wrdreg $0xFFFFFFFF  }
0xad: {  	s28 =	simm.s32 $_size_execute0_lowered;
	s5 =	sadd.s32 s5, s7;
	[dreg:$0x0] =	wrdreg $0x0  }
0xae: {  	s7 =	sshll.u32 s28, $0x1;
	[dreg:$0x2] =	wrdreg s5  }
0xaf: {  	[dreg:$0x3] =	wrdreg s7  }
0xb0: {  	[dreg:$0x4] =	wrdreg $0xC0  }
0xb1: {  	_ =	task [dreg:s9], $0x5FFFF  }
0xb2: {  	[dreg:$0x1] =	wrdreg $0xFFFFFFFF  }
0xb3: {  	[dreg:$0x0] =	wrdreg $0x60  }
0xb4: {  	[dreg:$0x2] =	wrdreg s17  }
0xb5: {  	[dreg:$0x3] =	wrdreg s16  }
0xb6: {  	[dreg:$0x4] =	wrdreg s24  }
0xb7: {  	[dreg:$0x5] =	wrdreg s15  }
0xb8: {  	[dreg:$0x6] =	wrdreg $0x129400  }
0xb9: {  	[dreg:$0x7] =	wrdreg $0x1C9400  }
0xba: {  	[dreg:$0x8] =	wrdreg $0x9  }
0xbb: {  	_ =	task.clear_ibuf [dreg:s9], $0x9FFFF;
	_ =	strace $0x90000046  }
0xbc: {  	s29 =	simm.s32 $0x9;
	_ =	strace $0x80000048  }
0xbd: {  	_ =	swait.ge [sflag:s29], $0x1  }
0xbe: {  	[sflag:s29] =	ssyncadd.s32 $0xFFFFFFFF  }
0xbf: {  	_ =	strace $0x90000048  }
0xc0: {  	_ =	sfence  }
0xc1: {  	s30 =	sld [smem:$0x0];
	_ =	sdelay $0x2  }
0xc2: {  	s31 =	sshll.u32 s1, $0xD;
	s1 =	sshrl.u32 s1, $0x2  }
0xc3: {  	s3 =	sand.u32 $0x4000, s31;
	s1 =	sadd.s32 s1, s30  }
0xc4: {  	s0 =	sor.u32 s3, s0;
	s1 =	sshll.u32 s1, $0x11  }
0xc5: {  	s0 =	sor.u32 s1, s0  }
0xc6: {  	s0 =	sadd.s32 $0x8F2B, s0  }
0xc7: {  	[sflag:s0] =	ssyncadd.remote.s32 $0x1  }
0xc8: {  	_ =	sfence.sel $0xFFFF  }
0xc9: {  	[dreg:$0x0] =	wrdreg $0xFFFFFFFF;
	(pc) =	sbr.abs _section_cstart, $3  }
0xca: {  	[dreg:$0x1] =	wrdreg $0xFFFFFFFF  }
0xcb: {  	_ =	task.clear_ibuf [dreg:s9], $0x2FFFF;
	_ =	strace $0x9FFFFFFF  }
0xcc: {  	(tm) =	ssettm $0x7FFFFFFF  }
0xcd: {  	_ =	shalt  }
tec
execute0_lowered:
.L_overlay_start_1:
0x0: {  	(tag) =	ssettag $0x1  }
0x1: {  	s0 =	rddreg [dreg:$0x0]  }
0x2: {  	s2 =	rddreg [dreg:$0x1]  }
0x3: {  	s1 =	rddreg [dreg:$0x2]  }
0x4: {  	s4 =	rddreg [dreg:$0x4]  }
0x5: {  	s5 =	rddreg [dreg:$0x5];
	s6 =	simm.s32 $0x0;
	s3 =	stileid.u32  }
0x6: {  	s8 =	srdreg.scid;
	s28 =	simm.s32 $0x120;
	s31 =	simm.s32 $0x360  }
0x7: {  	s29 =	simm.s32 $0x6C0;
	s30 =	simm.s32 $0x480;
	[smem:$0x7FF] =	sst s6  }
0x8: {  	s9 =	smul.u32 $0xA000, s3;
	s7 =	sadd.s32 $0xD000, s1;
	s11 =	sand.u32 $0x1, s8  }
0x9: {  	s8 =	sadd.s32 $0x3200, s1;
	s14 =	sadd.s32 $0x2AE00, s1;
	s15 =	sshll.u32 s3, $0x1  }
0xa: {  	s22 =	sshll.u32 s3, $0x6;
	s26 =	smul.u32 $0x5100, s3;
	p0 =	sne.s32 s3, $0x0  }
0xb: {  	s3 =	simm.s32 $0x7500;
	_ =	strace $0x80000047;
	s13 =	smul.u32 $0x14000, s11  }
0xc: {  	[dreg:$0x7] =	wrdreg s14;
	s20 =	smul.u32 $0x500, s11;
	s16 =	ssub.s32 $0x2, s11  }
0xd: {  	s15 =	sor.u32 s11, s15;
	s19 =	sor.u32 $0x1C05, s22;
	s10 =	sshrl.u32 s9, $0x3  }
0xe: {  	s21 =	sshrl.u32 s16, $0x1;
	s15 =	smul.u32 $0x2880, s15;
	s9 =	sadd.s32 s9, s4  }
0xf: {  	[dreg:$0xa] =	wrdreg s19;
	s12 =	sadd.s32 s10, s1;
	s13 =	sadd.s32 s13, s1  }
0x10: {  	s1 =	sadd.s32 s20, s1;
	s14 =	ssub.s32 s16, s21;
	[dreg:$0x8] =	wrdreg s9  }
0x11: {  	s20 =	smul.u32 $0x2880, s11;
	s11 =	simm.s32 $0x7E0;
	s12 =	sadd.s32 $0x16E00, s12  }
0x12: {  	s23 =	sshrl.u32 s15, $0x3;
	s17 =	sadd.s32 $0x240, s15;
	s22 =	sadd.s32 $0x2B400, s13  }
0x13: {  	s1 =	sadd.s32 $0x53400, s1;
	s13 =	simm.s32 $0x5A0;
	[dreg:$0x9] =	wrdreg s12  }
0x14: {  	s24 =	sadd.s32 s0, s23;
	s25 =	sadd.s32 $0x24, s23;
	[dreg:$0xf] =	wrdreg s1  }
0x15: {  	s9 =	sadd.s32 s2, s23;
	s23 =	simm.s32 $0x5;
	[dreg:$0xb] =	wrdreg s24  }
0x16: {  	[dreg:$0xc] =	wrdreg s9;
	s18 =	sadd.s32 s0, s25;
	s21 =	sadd.s32 s2, s25  }
0x17: {  	s24 =	sadd.s32 s20, s26;
	s25 =	smax.u32 s14, $0x1;
	[dreg:$0xd] =	wrdreg s18  }
.Ltmp0:
0x18: {  	s26 =	sadd.s32 s10, s22;
	[dreg:$0xe] =	wrdreg s21;
	(pc) =	sbr.rel .LBB2_1-.Ltmp0, $4  }
0x19: {  	s9 =	simm.s32 $0x9900;
	s10 =	simm.s32 $0x2;
	[dreg:$0x11] =	wrdreg s25  }
0x1a: {  	s18 =	sadd.s32 $0x360, s15;
	[dreg:$0x10] =	wrdreg s24;
	s1 =	sadd.s32 $0x120, s24  }
0x1b: {  	v0 =	vimm.s32 $0x0;
	vm0 =	vcmask $0x300;
	[dreg:$0x13] =	wrdreg s26;
	s25 =	simm.s32 $0x1;
	s26 =	simm.s32 $0xE100  }
0x1c: {  	v0 =	vsel vm0, $0x3, v0;
	s15 =	simm.s32 $0x0;
	[dreg:$0x12] =	wrdreg s1;
	s1 =	simm.s32 $0x2D00  }
.LBB2_8:
0x1d: {  	s12 =	simm.s32 $0x3  }
0x1e: {  	_ =	swait.ge [sflag:s12], $0x120  }
0x1f: {  	[sflag:s12] =	ssyncset.done $0x0  }
0x20: {  	[sflag:s12] =	ssyncadd.s32 $0xFFFFFEE0  }
0x21: {  	_ =	swait.ge [sflag:s12], $0x4800  }
0x22: {  	[sflag:s12] =	ssyncset.done $0x0  }
0x23: {  	s21 =	simm.s32 $0x4;
	[sflag:s12] =	ssyncadd.s32 $0xFFFFB800  }
0x24: {  	_ =	swait.ge [sflag:s21], $0x120  }
0x25: {  	[sflag:s21] =	ssyncset.done $0x0  }
0x26: {  	[sflag:s21] =	ssyncadd.s32 $0xFFFFFEE0  }
0x27: {  	_ =	swait.ge [sflag:s21], $0x4800  }
0x28: {  	[sflag:s21] =	ssyncset.done $0x0  }
0x29: {  	[sflag:s21] =	ssyncadd.s32 $0xFFFFB800  }
0x2a: {  	[bflag:$0x0] =	sbarrier.arrive $0xFFFF  }
0x2b: {  	s19 =	rddreg [dreg:$0xa]  }
0x2c: {  	s22 =	rddreg [dreg:$0x13]  }
0x2d: {  	s14 =	rddreg [dreg:$0x15]  }
0x2e: {  	[hbm:s22], [sflag:s19] =	dma.local [spmem:s14], $0x1400  }
0x2f: {  	_ =	swait.ge [sflag:s23], $0x1400  }
0x30: {  	[sflag:s23] =	ssyncset.done $0x0;
	s12 =	rddreg [dreg:$0xf]  }
0x31: {  	s14 =	rddreg [dreg:$0x16];
	[sflag:s23] =	ssyncadd.s32 $0xFFFFEC00  }
0x32: {  	[hbm:s12], [sflag:s19] =	dma.local @!p0 [spmem:s14], $0x500  }
0x33: {  	s12 =	simm.s32 @!p0 $0x5  }
0x34: {  	_ =	swait.ge @!p0 [sflag:s12], $0x500  }
0x35: {  	s15 =	rddreg [dreg:$0x14]  }
0x36: {  	s24 =	rddreg [dreg:$0x11];
	s15 =	sadd.s32 $0x1, s15  }
0x37: {  	p1 =	sne.s32 s15, s24  }
.Ltmp1:
0x38: {  	_ = 	snop;
	(pc) =	sbr.rel @!p1 .LBB2_9-.Ltmp1, $3  }
0x39: {  	_ =	sdelay $0x1  }
0x3a: {  	[sflag:s12] =	ssyncset.done @!p0 $0x0  }
0x3b: {  	[sflag:s12] =	ssyncadd.s32 @!p0 $0xFFFFFB00  }
.LBB2_1:
0x3c: {  	[dreg:$0x14] =	wrdreg s15  }
0x3d: {  	s12 =	rddreg [dreg:$0x8]  }
0x3e: {  	s22 =	rddreg [dreg:$0x9];
	s14 =	sshrl.u32 s12, $0x3  }
0x3f: {  	[dreg:$0x15] =	wrdreg s14  }
0x40: {  	[spmem:s14], [sflag:s19] =	dma.local [hbm:s22], $0x1400  }
0x41: {  	s14 =	sshrl.u32 @!p0 s5, $0x3;
	_ =	swait.ge [sflag:s23], $0x1400  }
0x42: {  	[dreg:$0x16] =	wrdreg s14;
	[sflag:s23] =	ssyncset.done $0x0  }
0x43: {  	s12 =	rddreg [dreg:$0x7];
	[sflag:s23] =	ssyncadd.s32 $0xFFFFEC00  }
0x44: {  	[spmem:s14], [sflag:s19] =	dma.local @!p0 [hbm:s12], $0x500  }
0x45: {  	s12 =	simm.s32 @!p0 $0x5  }
0x46: {  	_ =	swait.ge @!p0 [sflag:s12], $0x500  }
0x47: {  	[sflag:s12] =	ssyncset.done @!p0 $0x0  }
0x48: {  	[sflag:s12] =	ssyncadd.s32 @!p0 $0xFFFFFB00  }
0x49: {  	s24 =	simm.s32 $0x12900;
	s12 =	rddreg [dreg:$0x3]  }
0x4a: {  	[tilespmem:s24], [sflag:$0x5] =	stream.linear.gather [hbm4b:s12+s6], $0x40, $0x38;
	[tilespmem:$0x1CBC0] =	vst v63  }
0x4b: {  	_ =	swait.ge [sflag:s23], $0x40  }
0x4c: {  	[sflag:s23] =	ssyncset.done $0x0  }
0x4d: {  	[sflag:s23] =	ssyncadd.s32 $0xFFFFFFC0  }
0x4e: {  	v1 =	vld [tilespmem:$0x12900]  }
0x4f: {  	v2 =	vld [tilespmem:$0x12910]  }
0x50: {  	v3 =	vld [tilespmem:$0x12920]  }
0x51: {  	v4 =	vld [tilespmem:$0x12930];
	[bflag:$0x0] =	sbarrier.arrive $0xFFFF  }
0x52: {  	s15 =	rddreg [dreg:$0xb]  }
0x53: {  	[tilespmem:s6], [sflag:$0x5] =	stream.linear.gather [hbm4b:s15+s6], $0x120, $0x38;
	[tilespmem:$0x1CBC0] =	vst v63  }
0x54: {  	_ =	swait.ge [sflag:s23], $0x120  }
0x55: {  	[sflag:s23] =	ssyncset.done $0x0  }
0x56: {  	s19 =	simm.s32 $0x240;
	s16 =	rddreg [dreg:$0xc];
	[sflag:s23] =	ssyncadd.s32 $0xFFFFFEE0  }
0x57: {  	[tilespmem:s19], [sflag:$0x5] =	stream.linear.gather [hbm4b:s16+s6], $0x120, $0x38;
	[tilespmem:$0x1CBC0] =	vst v63  }
0x58: {  	_ =	swait.ge [sflag:s23], $0x120  }
0x59: {  	[sflag:s23] =	ssyncset.done $0x0  }
0x5a: {  	s20 =	simm.s32 $0x900;
	[sflag:s23] =	ssyncadd.s32 $0xFFFFFEE0  }
0x5b: {  	[tilespmem:s20], [sflag:$0x1] =	stream.indirect.gather [hbm4b:s7+s28], $0x20, s6, s28, $0xb8;
	[tilespmem:$0x1CBC0] =	vst v63  }
0x5c: {  	s21 =	simm.s32 $0x5100  }
0x5d: {  	[tilespmem:s21], [sflag:$0x1] =	stream.indirect.gather [hbm4b:s8+s28], $0x20, s19, s28, $0xb8;
	[tilespmem:$0x1CBC0] =	vst v63  }
0x5e: {  	s22 =	rddreg [dreg:$0xd]  }
0x5f: {  	[tilespmem:s28], [sflag:$0x5] =	stream.linear.gather [hbm4b:s22+s6], $0x120, $0x38;
	[tilespmem:$0x1CBC0] =	vst v63  }
0x60: {  	_ =	swait.ge [sflag:s23], $0x120  }
0x61: {  	[sflag:s23] =	ssyncset.done $0x0  }
0x62: {  	s24 =	rddreg [dreg:$0xe];
	[sflag:s23] =	ssyncadd.s32 $0xFFFFFEE0  }
0x63: {  	[tilespmem:s31], [sflag:$0x5] =	stream.linear.gather [hbm4b:s24+s6], $0x120, $0x38;
	[tilespmem:$0x1CBC0] =	vst v63  }
0x64: {  	_ =	swait.ge [sflag:s23], $0x120  }
0x65: {  	[sflag:s23] =	ssyncset.done $0x0  }
0x66: {  	s22 =	rddreg [dreg:$0x12];
	[sflag:s23] =	ssyncadd.s32 $0xFFFFFEE0  }
0x67: {  	[tilespmem:s1], [sflag:$0x2] =	stream.indirect.gather [hbm4b:s7+s28], $0x20, s28, s28, $0xb8;
	[tilespmem:$0x1CBC0] =	vst v63  }
0x68: {  	s24 =	simm.s32 $0x0;
	s20 =	rddreg [dreg:$0x10]  }
0x69: {  	[tilespmem:s3], [sflag:$0x2] =	stream.indirect.gather [hbm4b:s8+s28], $0x20, s31, s28, $0xb8;
	[tilespmem:$0x1CBC0] =	vst v63  }
.LBB2_2:
0x6a: {  	_ =	swait.ge [sflag:s25], $0x2400  }
0x6b: {  	[sflag:s25] =	ssyncset.done $0x0  }
0x6c: {  	[sflag:s25] =	ssyncadd.s32 $0xFFFFDC00  }
0x6d: {  	_ =	swait.ge [sflag:s25], $0x2400  }
0x6e: {  	p1 =	seq.s32 s24, $0x0;
	[sflag:s25] =	ssyncset.done $0x0  }
0x6f: {  	s12 =	simm.s32 @!p1 $0x3;
	[sflag:s25] =	ssyncadd.s32 $0xFFFFDC00  }
0x70: {  	_ =	swait.ge @!p1 [sflag:s12], $0x120  }
0x71: {  	[sflag:s12] =	ssyncset.done @!p1 $0x0  }
0x72: {  	[sflag:s12] =	ssyncadd.s32 @!p1 $0xFFFFFEE0  }
0x73: {  	_ =	swait.ge @!p1 [sflag:s12], $0x4800  }
0x74: {  	[sflag:s12] =	ssyncset.done @!p1 $0x0  }
0x75: {  	[sflag:s12] =	ssyncadd.s32 @!p1 $0xFFFFB800  }
0x76: {  	v5 =	vld [tilespmem:$0x240]  }
0x77: {  	v6 =	vld [tilespmem:$0x250]  }
0x78: {  	v7 =	vld [tilespmem:$0x260]  }
0x79: {  	v8 =	vld [tilespmem:$0x270]  }
0x7a: {  	v9 =	vld [tilespmem:$0x280]  }
0x7b: {  	[tilespmem:$0x480] =	vst v5;
	v5 =	vld [tilespmem:$0x290]  }
0x7c: {  	[tilespmem:$0x490] =	vst v6;
	v6 =	vld [tilespmem:$0x2A0]  }
0x7d: {  	[tilespmem:$0x4A0] =	vst v7;
	v7 =	vld [tilespmem:$0x2B0]  }
0x7e: {  	v60 =	vld [tilespmem:$0x2C0];
	[tilespmem:$0x4B0] =	vst v8  }
0x7f: {  	v61 =	vld [tilespmem:$0x2D0];
	[tilespmem:$0x4C0] =	vst v9  }
0x80: {  	[tilespmem:$0x4D0] =	vst v5;
	v5 =	vld [tilespmem:$0x2E0]  }
0x81: {  	[tilespmem:$0x4E0] =	vst v6;
	v6 =	vld [tilespmem:$0x2F0]  }
0x82: {  	[tilespmem:$0x4F0] =	vst v7;
	v7 =	vld [tilespmem:$0x300]  }
0x83: {  	v62 =	vld [tilespmem:$0x310];
	[tilespmem:$0x500] =	vst v60  }
0x84: {  	v63 =	vld [tilespmem:$0x320];
	[tilespmem:$0x510] =	vst v61  }
0x85: {  	[tilespmem:$0x520] =	vst v5;
	v5 =	vld [tilespmem:$0x330]  }
0x86: {  	[tilespmem:$0x530] =	vst v6;
	v6 =	vld [tilespmem:$0x340]  }
0x87: {  	[tilespmem:$0x540] =	vst v7;
	v7 =	vld [tilespmem:$0x350]  }
0x88: {  	[tilespmem:$0x550] =	vst v62  }
0x89: {  	[tilespmem:$0x560] =	vst v63  }
0x8a: {  	[tilespmem:$0x570] =	vst v5  }
0x8b: {  	s14 =	smul.u32 $0x240, s24;
	s15 =	simm.s32 $0x0;
	[tilespmem:$0x580] =	vst v6  }
0x8c: {  	s19 =	simm.s32 $0x5180;
	s21 =	simm.s32 $0x980;
	s12 =	simm.s32 $0x9A00;
	[tilespmem:$0x590] =	vst v7  }
.LBB2_3:
0x8d: {  	v5 =	vld [tilespmem:s21+$0xFFFFFF80]  }
0x8e: {  	v6 =	vld [tilespmem:s19+$0xFFFFFF80]  }
0x8f: {  	v7 =	vld [tilespmem:s21+$0xFFFFFF90]  }
0x90: {  	v8 =	vld [tilespmem:s19+$0xFFFFFF90]  }
0x91: {  	v24 =	vld [tilespmem:s19+$0xFFFFFFA0]  }
0x92: {  	v28 =	vld [tilespmem:s21+$0xFFFFFFC0]  }
0x93: {  	v21 =	vld [tilespmem:s19+$0xFFFFFFC0]  }
0x94: {  	v17 =	vunpack.i.u.bf16.f32 v5;
	v18 =	vunpack.i.l.bf16.f32 v5;
	v5 =	vunpack.i.u.bf16.f32 v6  }
0x95: {  	v6 =	vunpack.i.l.bf16.f32 v6;
	v20 =	vunpack.i.l.bf16.f32 v7;
	v11 =	vunpack.i.l.bf16.f32 v8  }
0x96: {  	v23 =	vld [tilespmem:s21+$0xFFFFFFA0];
	v19 =	vunpack.i.u.bf16.f32 v7;
	v7 =	vunpack.i.u.bf16.f32 v8;
	v14 =	vunpack.i.u.bf16.f32 v24  }
0x97: {  	v8 =	vunpack.i.l.bf16.f32 v28;
	v6 =	vadd.f32 v6, v18;
	v5 =	vadd.f32 v5, v17  }
0x98: {  	v35 =	vld [tilespmem:s19+$0xFFFFFFE0];
	v31 =	vunpack.i.u.bf16.f32 v21;
	v22 =	vadd.f32 v11, v20;
	v7 =	vadd.f32 v7, v19  }
0x99: {  	v21 =	vunpack.i.l.bf16.f32 v21;
	v9 =	vmul.f32 $2.000000030e-01, v6;
	v10 =	vmul.f32 $2.000000030e-01, v5  }
0x9a: {  	v11 =	vunpack.i.l.bf16.f32 v24;
	v25 =	vmul.f32 $2.000000030e-01, v22;
	v12 =	vmul.f32 $2.000000030e-01, v7  }
0x9b: {  	v39 =	vld [tilespmem:s19+$0xFFFFFFF0];
	v6 =	vmax.f32 v6, v9;
	v5 =	vmax.f32 v5, v10;
	v10 =	vunpack.i.l.bf16.f32 v23  }
0x9c: {  	v6 =	vmul.f32 v6, v1;
	v5 =	vmul.f32 v5, v2;
	v11 =	vadd.f32 v11, v10  }
0x9d: {  	v26 =	vld [tilespmem:s21+$0xFFFFFFB0];
	v43 =	vunpack.i.l.bf16.f32 v35;
	v21 =	vadd.f32 v21, v8;
	v7 =	vmax.f32 v7, v12  }
0x9e: {  	v5 =	vadd.f32 v6, v5;
	v6 =	vmax.f32 v22, v25;
	v15 =	vmul.f32 $2.000000030e-01, v11  }
0x9f: {  	v13 =	vld [tilespmem:s19+$0xFFFFFFB0];
	v25 =	vmul.f32 $2.000000030e-01, v21;
	v9 =	vmul.f32 v6, v3;
	v6 =	vunpack.i.u.bf16.f32 v23  }
0xa0: {  	v47 =	vunpack.i.l.bf16.f32 v39;
	v7 =	vmul.f32 v7, v4;
	v22 =	vld [tilespmem:s21+$0xFFFFFFD0];
	v27 =	vadd.f32 v14, v6  }
0xa1: {  	v23 =	vld [tilespmem:s19+$0xFFFFFFD0];
	v11 =	vmax.f32 v11, v15;
	v21 =	vmax.f32 v21, v25;
	v5 =	vadd.f32 v9, v5  }
0xa2: {  	v9 =	vunpack.i.l.bf16.f32 v26;
	v30 =	vmul.f32 v11, v1;
	v16 =	vmul.f32 $2.000000030e-01, v27  }
0xa3: {  	v11 =	vunpack.i.u.bf16.f32 v26;
	v36 =	vmul.f32 v21, v1;
	v7 =	vadd.f32 v5, v7  }
0xa4: {  	v5 =	vunpack.i.l.bf16.f32 v13;
	v13 =	vunpack.i.u.bf16.f32 v13;
	v12 =	vmax.f32 v27, v16  }
0xa5: {  	v29 =	vadd.f32 v5, v9;
	v5 =	vunpack.i.u.bf16.f32 v28;
	v13 =	vadd.f32 v13, v11  }
0xa6: {  	v32 =	vunpack.i.l.bf16.f32 v23;
	v16 =	vunpack.i.u.bf16.f32 v22;
	v41 =	vunpack.i.u.bf16.f32 v23;
	(xrf2) =	vadd.scan.msk.f32 $0xffff, v7  }
0xa7: {  	v12 =	vmul.f32 v12, v2;
	v14 =	vadd.f32 v31, v5;
	v24 =	vmul.f32 $2.000000030e-01, v29  }
0xa8: {  	v7 =	vunpack.i.l.bf16.f32 v22;
	v22 =	vadd.f32 v41, v16;
	v33 =	vmul.f32 $2.000000030e-01, v13  }
0xa9: {  	v26 =	vmul.f32 $2.000000030e-01, v14;
	v12 =	vadd.f32 v30, v12;
	v15 =	vmax.f32 v29, v24  }
0xaa: {  	v27 =	vld [tilespmem:s21+$0xFFFFFFE0];
	v24 =	vadd.f32 v32, v7;
	v13 =	vmax.f32 v13, v33;
	v15 =	vmul.f32 v15, v3  }
0xab: {  	v29 =	vmul.f32 $2.000000030e-01, v22;
	v14 =	vmax.f32 v14, v26;
	v13 =	vmul.f32 v13, v4  }
0xac: {  	v38 =	vld [tilespmem:s21+$0xFFFFFFF0];
	v34 =	vmul.f32 $2.000000030e-01, v24;
	v14 =	vmul.f32 v14, v2;
	v12 =	vadd.f32 v15, v12  }
0xad: {  	v48 =	vunpack.i.u.bf16.f32 v39;
	v26 =	vunpack.i.u.bf16.f32 v35;
	v22 =	vmax.f32 v22, v29  }
0xae: {  	v37 =	vmax.f32 v24, v34;
	v14 =	vadd.f32 v36, v14;
	v40 =	vadd.f32 v12, v13  }
0xaf: {  	v15 =	vmul.f32 v37, v3;
	v13 =	vunpack.i.l.bf16.f32 v27;
	v12 =	vunpack.i.u.bf16.f32 v27  }
0xb0: {  	v22 =	vmul.f32 v22, v4;
	v45 =	vadd.f32 v43, v13;
	v26 =	vadd.f32 v26, v12;
	v44, _, _ =	vpop (xrf2);
	(xrf2) =	vadd.scan.msk.f32 $0xffff, v40  }
0xb1: {  	v42 =	vadd.f32 v15, v14;
	v14 =	vunpack.i.l.bf16.f32 v38;
	v28 =	vmul.f32 $1.442695020e+00, v44  }
0xb2: {  	v15 =	vunpack.i.u.bf16.f32 v38;
	v46 =	vmul.f32 $2.000000030e-01, v45;
	v30 =	vmul.f32 $2.000000030e-01, v26  }
0xb3: {  	v25 =	vadd.f32 v47, v14;
	v22 =	vadd.f32 v42, v22;
	v28 =	vbroadcast v28, $0xF  }
0xb4: {  	v21 =	vadd.f32 v48, v15;
	v27 =	vmax.f32 v45, v46  }
0xb5: {  	v49 =	vmax.f32 v26, v30;
	v50 =	vmul.f32 $2.000000030e-01, v25;
	(xrf2) =	vadd.scan.msk.f32 $0xffff, v22;
	(erf) = vpow2.f32 v28  }
0xb6: {  	v27 =	vmul.f32 v27, v1;
	v24 =	vmul.f32 v49, v2  }
0xb7: {  	v56 =	vld [tilespmem:s19+$0x0];
	v51 =	vmul.f32 $2.000000030e-01, v21;
	v25 =	vmax.f32 v25, v50  }
0xb8: {  	v63 =	vld [tilespmem:s19+$0x10];
	v24 =	vadd.f32 v27, v24;
	v25 =	vmul.f32 v25, v3  }
0xb9: {  	v46 =	vld [tilespmem:s19+$0x20];
	v21 =	vmax.f32 v21, v51  }
0xba: {  	v62 =	vld [tilespmem:s21+$0x10];
	v21 =	vmul.f32 v21, v4;
	v52 =	vadd.f32 v25, v24;
	v53, _, _ =	vpop (xrf2)  }
0xbb: {  	v57 =	vmov s15;
	v22 =	vmul.f32 $1.442695020e+00, v53  }
0xbc: {  	v55 =	vld [tilespmem:s21+$0x0];
	v58 =	vshrl.u32 v57, $0x3;
	v21 =	vadd.f32 v52, v21  }
0xbd: {  	v61 =	vunpack.i.l.bf16.f32 v56;
	v42 =	vunpack.i.u.bf16.f32 v56;
	v54 =	vbroadcast v22, $0xF  }
0xbe: {  	s16 =	sadd.s32 s15, s20;
	v43 =	vld [tilespmem:s21+$0x20];
	v56 =	vunpack.i.u.bf16.f32 v46;
	v53 =	vunpack.i.l.bf16.f32 v63;
	(xrf2) =	vadd.scan.msk.f32 $0xffff, v21;
	v21 =	vshll.u32 v58, v0;
	v59 =	vpop (erf)  }
0xbf: {  	p2 =	slt.u32 s16, $0x50910;
	v40 =	vld [tilespmem:s19+$0x30];
	v39 =	vbroadcast v21, $0x0;
	v22 =	vunpack.i.u.bf16.f32 v62;
	v60, _, _ =	vpop (xrf2);
	(erf) = vpow2.f32 v54  }
0xc0: {  	v58 =	vld [tilespmem:s21+$0x30];
	v38 =	vpsel !p2, $0x0, v59;
	v21 =	vmul.f32 $1.442695020e+00, v60;
	v59 =	vunpack.i.u.bf16.f32 v63  }
0xc1: {  	v34 =	vmul.f32 v38, v18;
	v18 =	vunpack.i.l.bf16.f32 v55;
	v35 =	vmul.f32 v38, v17  }
0xc2: {  	v36 =	vmul.f32 v38, v20;
	v17 =	vunpack.i.u.bf16.f32 v55;
	v37 =	vmul.f32 v38, v19  }
0xc3: {  	v63 =	vld [tilespmem:s19+$0x40];
	v55 =	vunpack.i.l.bf16.f32 v46;
	v19 =	vunpack.i.u.bf16.f32 v43;
	v25 =	vadd.f32 v59, v22  }
0xc4: {  	v24 =	vadd.f32 v61, v18;
	v21 =	vbroadcast v21, $0xF;
	v20 =	vadd.f32 v42, v17  }
0xc5: {  	v32 =	vadd.f32 v56, v19;
	v27 =	vunpack.i.u.bf16.f32 v58;
	v56 =	vunpack.i.u.bf16.f32 v40  }
0xc6: {  	v23 =	vunpack.i.l.bf16.f32 v58;
	v30 =	vadd.f32 v56, v27;
	v45 =	vmul.f32 $2.000000030e-01, v24  }
0xc7: {  	v56 =	vld [tilespmem:s21+$0x70];
	(erf) = vpow2.f32 v21;
	v50 =	vmul.f32 $2.000000030e-01, v20;
	v21 =	vunpack.i.l.bf16.f32 v62  }
0xc8: {  	v61 =	vmul.f32 $2.000000030e-01, v32;
	v54 =	vadd.f32 v53, v21;
	v26 =	vunpack.i.u.bf16.f32 v63  }
0xc9: {  	v49 =	vmax.f32 v24, v45;
	v24 =	vmax.f32 v20, v50;
	v20 =	vunpack.i.l.bf16.f32 v43  }
0xca: {  	v50 =	vunpack.i.l.bf16.f32 v40;
	v52 =	vmul.f32 v49, v1;
	v57 =	vadd.f32 v55, v20  }
0xcb: {  	v44, _, _ =	vpop (xrf2);
	v24 =	vmul.f32 v24, v2;
	v31 =	vmul.f32 $2.000000030e-01, v54;
	v49 =	vmax.f32 v32, v61  }
0xcc: {  	v53 =	vld [tilespmem:s19+$0x50];
	v47 =	vmul.f32 $1.442695020e+00, v44;
	v32 =	vunpack.i.l.bf16.f32 v56;
	v60 =	vmul.f32 $2.000000030e-01, v57  }
0xcd: {  	v29 =	vmax.f32 v54, v31;
	v24 =	vadd.f32 v52, v24;
	v31 =	vmul.f32 v49, v2  }
0xce: {  	v41 =	vld [tilespmem:s21+$0x40];
	v48 =	vpop (erf);
	v54 =	vunpack.i.l.bf16.f32 v63;
	v51 =	vbroadcast v47, $0xF;
	v29 =	vmul.f32 v29, v3  }
0xcf: {  	v33 =	vpsel !p2, $0x0, v48;
	v48 =	vmul.f32 $2.000000030e-01, v25;
	v47 =	vmul.f32 $2.000000030e-01, v30  }
0xd0: {  	v62 =	vmax.f32 v57, v60;
	v10 =	vmul.f32 v33, v10;
	v6 =	vmul.f32 v33, v6  }
0xd1: {  	v52 =	vld [tilespmem:s21+$0x50];
	v46 =	vunpack.i.l.bf16.f32 v53;
	v42 =	vmul.f32 v62, v1;
	(erf) = vpow2.f32 v51  }
0xd2: {  	s16 =	sadd.s32 $0x1, s15;
	v25 =	vmax.f32 v25, v48;
	v51 =	vadd.f32 v50, v23;
	v29 =	vadd.f32 v29, v24  }
0xd3: {  	v24 =	vunpack.i.u.bf16.f32 v41;
	v48 =	vmov s16;
	v50 =	vmax.f32 v30, v47  }
0xd4: {  	v60 =	vld [tilespmem:s21+$0x60];
	v43 =	vmul.f32 v25, v4;
	v25 =	vunpack.i.l.bf16.f32 v41;
	v57 =	vadd.f32 v26, v24  }
0xd5: {  	v61 =	vld [tilespmem:s19+$0x60];
	v47 =	vmul.f32 v50, v4;
	v31 =	vadd.f32 v42, v31;
	v44 =	vmul.f32 $2.000000030e-01, v51  }
0xd6: {  	v55 =	vadd.f32 v54, v25;
	v26 =	vunpack.i.l.bf16.f32 v52;
	v45 =	vmul.f32 $2.000000030e-01, v57  }
0xd7: {  	v59 =	vadd.f32 v46, v26;
	v43 =	vadd.f32 v29, v43;
	v29 =	vunpack.i.u.bf16.f32 v52  }
0xd8: {  	v52 =	vunpack.i.u.bf16.f32 v53;
	v28 =	vmax.f32 v51, v44;
	v58 =	vmul.f32 $2.000000030e-01, v55  }
0xd9: {  	v54 =	vadd.f32 v52, v29;
	v30 =	vunpack.i.u.bf16.f32 v60;
	v28 =	vmul.f32 v28, v3  }
0xda: {  	v40 =	vmax.f32 v57, v45;
	v63 =	vmul.f32 $2.000000030e-01, v59;
	v45 =	vunpack.i.u.bf16.f32 v61  }
0xdb: {  	v41 =	vmax.f32 v55, v58;
	v62 =	vmul.f32 v40, v2;
	v55 =	vunpack.i.l.bf16.f32 v61  }
0xdc: {  	v57 =	vld [tilespmem:s19+$0x70];
	v45 =	vadd.f32 v45, v30;
	v41 =	vmul.f32 v41, v1;
	v31 =	vadd.f32 v28, v31  }
0xdd: {  	v51 =	vmax.f32 v59, v63;
	v28 =	vunpack.i.l.bf16.f32 v60;
	v59 =	vmul.f32 $2.000000030e-01, v54  }
0xde: {  	v60 =	vshrl.u32 v48, $0x3;
	v53 =	vmul.f32 v51, v3;
	v42 =	vadd.f32 v55, v28  }
0xdf: {  	(xrf2) =	vadd.scan.msk.f32 $0xffff, v43;
	v41 =	vadd.f32 v41, v62;
	v58 =	vadd.f32 v31, v47;
	v47 =	vshll.u32 v60, v0  }
0xe0: {  	v31 =	vmax.f32 v54, v59;
	v62 =	vmul.f32 $2.000000030e-01, v45;
	v61 =	vmul.f32 $2.000000030e-01, v42  }
0xe1: {  	s16 =	sadd.s32 $0x2, s15;
	v47 =	vadd.s32 $0x1, v47;
	v63 =	vmul.f32 v31, v4;
	v50 =	vunpack.i.l.bf16.f32 v57  }
0xe2: {  	[tilespmem:v39+s29+$0x0] =	vst.idx.msk $0x1, v38;
	v31 =	vunpack.i.u.bf16.f32 v56;
	v51 =	vunpack.i.u.bf16.f32 v57;
	v56 =	vmov s16  }
0xe3: {  	[tilespmem:s12+$0xFFFFFF00] =	vst v34;
	v41 =	vadd.f32 v53, v41;
	v40 =	vmax.f32 v45, v62;
	v45 =	vadd.f32 v50, v32  }
0xe4: {  	s16 =	sadd.s32 $0x3, s15;
	(xrf2) =	vadd.scan.msk.f32 $0xffff, v58;
	v52 =	vadd.f32 v51, v31;
	v53 =	vbroadcast v47, $0x0;
	v34 =	vshrl.u32 v56, $0x3  }
0xe5: {  	v62 =	vmov s16;
	v42 =	vmax.f32 v42, v61;
	v55 =	vmul.f32 $2.000000030e-01, v45  }
0xe6: {  	v40 =	vmul.f32 v40, v2;
	v34 =	vshll.u32 v34, v0;
	v42 =	vmul.f32 v42, v1  }
0xe7: {  	[tilespmem:s12+$0xFFFFFF10] =	vst v35;
	v54 =	vadd.f32 v41, v63;
	v57 =	vmul.f32 $2.000000030e-01, v52;
	v58 =	vmax.f32 v45, v55  }
0xe8: {  	[tilespmem:s12+$0xFFFFFF20] =	vst v36;
	v34 =	vadd.s32 $0x2, v34;
	v40 =	vadd.f32 v42, v40;
	v35 =	vmul.f32 v58, v3  }
0xe9: {  	v34 =	vbroadcast v34, $0x0;
	v59 =	vmax.f32 v52, v57;
	v60, _, _ =	vpop (xrf2);
	(xrf2) =	vadd.scan.msk.f32 $0xffff, v54;
	v42 =	vshrl.u32 v62, $0x3  }
0xea: {  	[tilespmem:s12+$0xFFFFFF30] =	vst v37;
	v61 =	vmul.f32 $1.442695020e+00, v60;
	v36 =	vmul.f32 v59, v4;
	v35 =	vadd.f32 v35, v40  }
0xeb: {  	v9 =	vmul.f32 v33, v9;
	v43 =	vshll.u32 v42, v0;
	[tilespmem:v53+s29+$0x0] =	vst.idx.msk $0x1, v33  }
0xec: {  	v41 =	vpop (erf);
	v45 =	vadd.s32 $0x3, v43;
	v63 =	vbroadcast v61, $0xF;
	[tilespmem:s12+$0xFFFFFF40] =	vst v10;
	v40 =	vadd.f32 v35, v36  }
0xed: {  	[tilespmem:s12+$0xFFFFFF50] =	vst v6;
	v6 =	vpsel !p2, $0x0, v41;
	v46 =	vbroadcast v45, $0x0  }
0xee: {  	[tilespmem:s12+$0xFFFFFF60] =	vst v9;
	v8 =	vmul.f32 v6, v8;
	(erf) = vpow2.f32 v63;
	v44, _, _ =	vpop (xrf2);
	(xrf2) =	vadd.scan.msk.f32 $0xffff, v40  }
0xef: {  	s16 =	sadd.s32 $0x4, s15;
	v5 =	vmul.f32 v6, v5;
	[tilespmem:v34+s29+$0x0] =	vst.idx.msk $0x1, v6;
	v9 =	vmul.f32 $1.442695020e+00, v44  }
0xf0: {  	v39 =	vmul.f32 v33, v11;
	v47 =	vmov s16;
	v7 =	vmul.f32 v6, v7;
	[tilespmem:s12+$0xFFFFFF80] =	vst v8  }
0xf1: {  	v11 =	vshrl.u32 v47, $0x3;
	v48 =	vpop (erf);
	[tilespmem:s12+$0xFFFFFF90] =	vst v5;
	v5 =	vmul.f32 v6, v16;
	v9 =	vbroadcast v9, $0xF  }
0xf2: {  	v49 =	vshll.u32 v11, v0;
	v6 =	vpsel !p2, $0x0, v48;
	[tilespmem:s12+$0xFFFFFFA0] =	vst v7  }
0xf3: {  	s16 =	sadd.s32 $0x5, s15;
	v8 =	vadd.s32 $0x4, v49;
	v7 =	vmul.f32 v6, v13;
	[tilespmem:s12+$0xFFFFFFB0] =	vst v5;
	v50, _, _ =	vpop (xrf2);
	(erf) = vpow2.f32 v9  }
0xf4: {  	v53 =	vmov s16;
	v5 =	vbroadcast v8, $0x0;
	[tilespmem:v46+s29+$0x0] =	vst.idx.msk $0x1, v6;
	v51 =	vmul.f32 $1.442695020e+00, v50  }
0xf5: {  	v10 =	vshrl.u32 v53, $0x3;
	v52 =	vmul.f32 v6, v12;
	[tilespmem:s12+$0xFFFFFFC0] =	vst v7;
	v7 =	vmul.f32 v6, v14  }
0xf6: {  	[tilespmem:s12+$0xFFFFFF70] =	vst v39;
	v10 =	vshll.u32 v10, v0;
	v6 =	vmul.f32 v6, v15;
	v8 =	vbroadcast v51, $0xF  }
0xf7: {  	v10 =	vadd.s32 $0x5, v10;
	[tilespmem:s12+$0xFFFFFFD0] =	vst v52;
	v54 =	vpop (erf)  }
0xf8: {  	[tilespmem:s12+$0xFFFFFFF0] =	vst v6;
	v6 =	vbroadcast v10, $0x0;
	v55 =	vpsel !p2, $0x0, v54;
	(erf) = vpow2.f32 v8;
	v56, _, _ =	vpop (xrf2)  }
0xf9: {  	s16 =	sadd.s32 $0x6, s15;
	[tilespmem:s12+$0xFFFFFFE0] =	vst v7;
	v7 =	vmul.f32 v55, v18;
	v8 =	vmul.f32 $1.442695020e+00, v56  }
0xfa: {  	v57 =	vmov s16;
	[tilespmem:v5+s29+$0x0] =	vst.idx.msk $0x1, v55;
	v5 =	vmul.f32 v55, v17  }
0xfb: {  	v10 =	vshrl.u32 v57, $0x3;
	[tilespmem:s12+$0x0] =	vst v7;
	v7 =	vmul.f32 v55, v21;
	v8 =	vbroadcast v8, $0xF  }
0xfc: {  	v10 =	vshll.u32 v10, v0;
	[tilespmem:s12+$0x10] =	vst v5;
	v5 =	vmul.f32 v55, v22;
	v58 =	vpop (erf)  }
0xfd: {  	v59 =	vadd.s32 $0x6, v10;
	[tilespmem:s12+$0x20] =	vst v7;
	v7 =	vpsel !p2, $0x0, v58;
	(erf) = vpow2.f32 v8  }
0xfe: {  	s16 =	sadd.s32 $0x7, s15;
	[tilespmem:s12+$0x30] =	vst v5;
	v5 =	vmul.f32 v7, v20;
	v8 =	vbroadcast v59, $0x0  }
0xff: {  	v60 =	vmov s16;
	[tilespmem:v6+s29+$0x0] =	vst.idx.msk $0x1, v7;
	v6 =	vmul.f32 v7, v19  }
0x100: {  	v9 =	vshrl.u32 v60, $0x3;
	[tilespmem:s12+$0x40] =	vst v5;
	v5 =	vmul.f32 v7, v23  }
0x101: {  	v61 =	vpop (erf);
	[tilespmem:s12+$0x50] =	vst v6;
	v6 =	vmul.f32 v7, v27;
	v7 =	vshll.u32 v9, v0  }
0x102: {  	v7 =	vadd.s32 $0x7, v7;
	[tilespmem:s12+$0x60] =	vst v5;
	v5 =	vpsel !p2, $0x0, v61  }
0x103: {  	[tilespmem:s12+$0x70] =	vst v6;
	v7 =	vbroadcast v7, $0x0;
	v6 =	vmul.f32 v5, v25  }
0x104: {  	v62 =	vmul.f32 v5, v24;
	[tilespmem:v8+s29+$0x0] =	vst.idx.msk $0x1, v5  }
0x105: {  	[tilespmem:s12+$0x80] =	vst v6;
	v6 =	vmul.f32 v5, v26  }
0x106: {  	[tilespmem:s12+$0x90] =	vst v62;
	v5 =	vmul.f32 v5, v29;
	v63 =	vpop (erf)  }
0x107: {  	[tilespmem:s12+$0xA0] =	vst v6;
	v6 =	vpsel !p2, $0x0, v63  }
0x108: {  	[tilespmem:s12+$0xB0] =	vst v5;
	p2 =	slt.u32 s15, $0x118;
	v5 =	vmul.f32 v6, v28  }
.Ltmp2:
0x109: {  	[tilespmem:v7+s29+$0x0] =	vst.idx.msk $0x1, v6;
	v7 =	vmul.f32 v6, v30;
	(pc) =	sbr.rel @p2 .LBB2_3-.Ltmp2, $4  }
0x10a: {  	[tilespmem:s12+$0xC0] =	vst v5;
	v5 =	vmul.f32 v6, v32  }
0x10b: {  	[tilespmem:s12+$0xD0] =	vst v7;
	v6 =	vmul.f32 v6, v31  }
0x10c: {  	s21 =	sadd.s32 $0x100, s21;
	[tilespmem:s12+$0xE0] =	vst v5  }
0x10d: {  	s19 =	sadd.s32 $0x100, s19;
	s15 =	sadd.s32 $0x8, s15;
	[tilespmem:s12+$0xF0] =	vst v6;
	s12 =	sadd.s32 $0x200, s12  }
0x10e: {  	[spmem:s5] =	stream.indirect.scatter.add.f32 [tilespmem:s29], [sflag:$0x3], $0x1, s30, s28, $0xb8;
	[tilespmem:$0x1CBC0] =	vst v63  }
0x10f: {  	p2 =	seq.s32 s24, $0x11  }
0x110: {  	s12 =	sadd.s32 @!p2 s14, s17  }
0x111: {  	[spmem:s4] =	stream.indirect.scatter.add.f32 [tilespmem:s9], [sflag:$0x3], $0x40, s30, s28, $0xb8;
	[tilespmem:$0x1CBC0] =	vst v63  }
0x112: {  	s12 =	sshrl.u32 @!p2 s12, $0x3  }
0x113: {  	s16 =	simm.s32 @!p2 $0x0;
	s15 =	sadd.s32 @!p2 s0, s12  }
0x114: {  	[tilespmem:s16], [sflag:$0x5] =	stream.linear.gather @!p2 [hbm4b:s15+s16], $0x120, $0x38;
	[tilespmem:$0x1CBC0] =	vst v63  }
0x115: {  	s15 =	simm.s32 @!p2 $0x5  }
0x116: {  	_ =	swait.ge @!p2 [sflag:s15], $0x120  }
0x117: {  	[sflag:s15] =	ssyncset.done @!p2 $0x0  }
0x118: {  	s19 =	simm.s32 @!p2 $0x240;
	s12 =	sadd.s32 @!p2 s2, s12;
	[sflag:s15] =	ssyncadd.s32 @!p2 $0xFFFFFEE0  }
0x119: {  	[tilespmem:s19], [sflag:$0x5] =	stream.linear.gather @!p2 [hbm4b:s12+s16], $0x120, $0x38;
	[tilespmem:$0x1CBC0] =	vst v63  }
0x11a: {  	_ =	swait.ge @!p2 [sflag:s15], $0x120  }
0x11b: {  	[sflag:s15] =	ssyncset.done @!p2 $0x0  }
0x11c: {  	s12 =	simm.s32 @!p2 $0x120;
	[sflag:s15] =	ssyncadd.s32 @!p2 $0xFFFFFEE0;
	s15 =	simm.s32 @!p2 $0x900  }
0x11d: {  	[tilespmem:s15], [sflag:$0x1] =	stream.indirect.gather @!p2 [hbm4b:s7+s12], $0x20, s16, s12, $0xb8;
	[tilespmem:$0x1CBC0] =	vst v63  }
0x11e: {  	s15 =	simm.s32 @!p2 $0x5100  }
0x11f: {  	[tilespmem:s15], [sflag:$0x1] =	stream.indirect.gather @!p2 [hbm4b:s8+s12], $0x20, s19, s12, $0xb8;
	[tilespmem:$0x1CBC0] =	vst v63  }
0x120: {  	_ =	swait.ge [sflag:s10], $0x2400  }
0x121: {  	[sflag:s10] =	ssyncset.done $0x0  }
0x122: {  	[sflag:s10] =	ssyncadd.s32 $0xFFFFDC00  }
0x123: {  	_ =	swait.ge [sflag:s10], $0x2400  }
0x124: {  	[sflag:s10] =	ssyncset.done $0x0  }
0x125: {  	s12 =	simm.s32 @!p1 $0x4;
	[sflag:s10] =	ssyncadd.s32 $0xFFFFDC00  }
0x126: {  	_ =	swait.ge @!p1 [sflag:s12], $0x120  }
0x127: {  	[sflag:s12] =	ssyncset.done @!p1 $0x0  }
0x128: {  	[sflag:s12] =	ssyncadd.s32 @!p1 $0xFFFFFEE0  }
0x129: {  	_ =	swait.ge @!p1 [sflag:s12], $0x4800  }
0x12a: {  	[sflag:s12] =	ssyncset.done @!p1 $0x0  }
0x12b: {  	[sflag:s12] =	ssyncadd.s32 @!p1 $0xFFFFB800  }
0x12c: {  	v5 =	vld [tilespmem:$0x360]  }
0x12d: {  	v6 =	vld [tilespmem:$0x370]  }
0x12e: {  	v7 =	vld [tilespmem:$0x380]  }
0x12f: {  	v8 =	vld [tilespmem:$0x390]  }
0x130: {  	v9 =	vld [tilespmem:$0x3A0]  }
0x131: {  	[tilespmem:$0x5A0] =	vst v5;
	v5 =	vld [tilespmem:$0x3B0]  }
0x132: {  	[tilespmem:$0x5B0] =	vst v6;
	v6 =	vld [tilespmem:$0x3C0]  }
0x133: {  	[tilespmem:$0x5C0] =	vst v7;
	v7 =	vld [tilespmem:$0x3D0]  }
0x134: {  	v60 =	vld [tilespmem:$0x3E0];
	[tilespmem:$0x5D0] =	vst v8  }
0x135: {  	v61 =	vld [tilespmem:$0x3F0];
	[tilespmem:$0x5E0] =	vst v9  }
0x136: {  	[tilespmem:$0x5F0] =	vst v5;
	v5 =	vld [tilespmem:$0x400]  }
0x137: {  	[tilespmem:$0x600] =	vst v6;
	v6 =	vld [tilespmem:$0x410]  }
0x138: {  	[tilespmem:$0x610] =	vst v7;
	v7 =	vld [tilespmem:$0x420]  }
0x139: {  	v62 =	vld [tilespmem:$0x430];
	[tilespmem:$0x620] =	vst v60  }
0x13a: {  	v63 =	vld [tilespmem:$0x440];
	[tilespmem:$0x630] =	vst v61  }
0x13b: {  	[tilespmem:$0x640] =	vst v5;
	v5 =	vld [tilespmem:$0x450]  }
0x13c: {  	[tilespmem:$0x650] =	vst v6;
	v6 =	vld [tilespmem:$0x460]  }
0x13d: {  	[tilespmem:$0x660] =	vst v7;
	v7 =	vld [tilespmem:$0x470]  }
0x13e: {  	[tilespmem:$0x670] =	vst v62  }
0x13f: {  	[tilespmem:$0x680] =	vst v63  }
0x140: {  	[tilespmem:$0x690] =	vst v5  }
0x141: {  	s21 =	simm.s32 $0x2D80;
	[tilespmem:$0x6A0] =	vst v6  }
0x142: {  	s15 =	simm.s32 $0x0;
	s19 =	simm.s32 $0x7580;
	s12 =	simm.s32 $0xE200;
	[tilespmem:$0x6B0] =	vst v7  }
.LBB2_5:
0x143: {  	v5 =	vld [tilespmem:s21+$0xFFFFFF80]  }
0x144: {  	v6 =	vld [tilespmem:s19+$0xFFFFFF80]  }
0x145: {  	v7 =	vld [tilespmem:s21+$0xFFFFFF90]  }
0x146: {  	v8 =	vld [tilespmem:s19+$0xFFFFFF90]  }
0x147: {  	v24 =	vld [tilespmem:s19+$0xFFFFFFA0]  }
0x148: {  	v28 =	vld [tilespmem:s21+$0xFFFFFFC0]  }
0x149: {  	v21 =	vld [tilespmem:s19+$0xFFFFFFC0]  }
0x14a: {  	v17 =	vunpack.i.u.bf16.f32 v5;
	v18 =	vunpack.i.l.bf16.f32 v5;
	v5 =	vunpack.i.u.bf16.f32 v6  }
0x14b: {  	v6 =	vunpack.i.l.bf16.f32 v6;
	v20 =	vunpack.i.l.bf16.f32 v7;
	v11 =	vunpack.i.l.bf16.f32 v8  }
0x14c: {  	v23 =	vld [tilespmem:s21+$0xFFFFFFA0];
	v19 =	vunpack.i.u.bf16.f32 v7;
	v7 =	vunpack.i.u.bf16.f32 v8;
	v14 =	vunpack.i.u.bf16.f32 v24  }
0x14d: {  	v8 =	vunpack.i.l.bf16.f32 v28;
	v6 =	vadd.f32 v6, v18;
	v5 =	vadd.f32 v5, v17  }
0x14e: {  	v35 =	vld [tilespmem:s19+$0xFFFFFFE0];
	v31 =	vunpack.i.u.bf16.f32 v21;
	v22 =	vadd.f32 v11, v20;
	v7 =	vadd.f32 v7, v19  }
0x14f: {  	v21 =	vunpack.i.l.bf16.f32 v21;
	v9 =	vmul.f32 $2.000000030e-01, v6;
	v10 =	vmul.f32 $2.000000030e-01, v5  }
0x150: {  	v11 =	vunpack.i.l.bf16.f32 v24;
	v25 =	vmul.f32 $2.000000030e-01, v22;
	v12 =	vmul.f32 $2.000000030e-01, v7  }
0x151: {  	v39 =	vld [tilespmem:s19+$0xFFFFFFF0];
	v6 =	vmax.f32 v6, v9;
	v5 =	vmax.f32 v5, v10;
	v10 =	vunpack.i.l.bf16.f32 v23  }
0x152: {  	v6 =	vmul.f32 v6, v1;
	v5 =	vmul.f32 v5, v2;
	v11 =	vadd.f32 v11, v10  }
0x153: {  	v26 =	vld [tilespmem:s21+$0xFFFFFFB0];
	v43 =	vunpack.i.l.bf16.f32 v35;
	v21 =	vadd.f32 v21, v8;
	v7 =	vmax.f32 v7, v12  }
0x154: {  	v5 =	vadd.f32 v6, v5;
	v6 =	vmax.f32 v22, v25;
	v15 =	vmul.f32 $2.000000030e-01, v11  }
0x155: {  	v13 =	vld [tilespmem:s19+$0xFFFFFFB0];
	v25 =	vmul.f32 $2.000000030e-01, v21;
	v9 =	vmul.f32 v6, v3;
	v6 =	vunpack.i.u.bf16.f32 v23  }
0x156: {  	v47 =	vunpack.i.l.bf16.f32 v39;
	v7 =	vmul.f32 v7, v4;
	v22 =	vld [tilespmem:s21+$0xFFFFFFD0];
	v27 =	vadd.f32 v14, v6  }
0x157: {  	v23 =	vld [tilespmem:s19+$0xFFFFFFD0];
	v11 =	vmax.f32 v11, v15;
	v21 =	vmax.f32 v21, v25;
	v5 =	vadd.f32 v9, v5  }
0x158: {  	v9 =	vunpack.i.l.bf16.f32 v26;
	v30 =	vmul.f32 v11, v1;
	v16 =	vmul.f32 $2.000000030e-01, v27  }
0x159: {  	v11 =	vunpack.i.u.bf16.f32 v26;
	v36 =	vmul.f32 v21, v1;
	v7 =	vadd.f32 v5, v7  }
0x15a: {  	v5 =	vunpack.i.l.bf16.f32 v13;
	v13 =	vunpack.i.u.bf16.f32 v13;
	v12 =	vmax.f32 v27, v16  }
0x15b: {  	v29 =	vadd.f32 v5, v9;
	v5 =	vunpack.i.u.bf16.f32 v28;
	v13 =	vadd.f32 v13, v11  }
0x15c: {  	v32 =	vunpack.i.l.bf16.f32 v23;
	v16 =	vunpack.i.u.bf16.f32 v22;
	v41 =	vunpack.i.u.bf16.f32 v23;
	(xrf2) =	vadd.scan.msk.f32 $0xffff, v7  }
0x15d: {  	v12 =	vmul.f32 v12, v2;
	v14 =	vadd.f32 v31, v5;
	v24 =	vmul.f32 $2.000000030e-01, v29  }
0x15e: {  	v7 =	vunpack.i.l.bf16.f32 v22;
	v22 =	vadd.f32 v41, v16;
	v33 =	vmul.f32 $2.000000030e-01, v13  }
0x15f: {  	v26 =	vmul.f32 $2.000000030e-01, v14;
	v12 =	vadd.f32 v30, v12;
	v15 =	vmax.f32 v29, v24  }
0x160: {  	v27 =	vld [tilespmem:s21+$0xFFFFFFE0];
	v24 =	vadd.f32 v32, v7;
	v13 =	vmax.f32 v13, v33;
	v15 =	vmul.f32 v15, v3  }
0x161: {  	v29 =	vmul.f32 $2.000000030e-01, v22;
	v14 =	vmax.f32 v14, v26;
	v13 =	vmul.f32 v13, v4  }
0x162: {  	v38 =	vld [tilespmem:s21+$0xFFFFFFF0];
	v34 =	vmul.f32 $2.000000030e-01, v24;
	v14 =	vmul.f32 v14, v2;
	v12 =	vadd.f32 v15, v12  }
0x163: {  	v48 =	vunpack.i.u.bf16.f32 v39;
	v26 =	vunpack.i.u.bf16.f32 v35;
	v22 =	vmax.f32 v22, v29  }
0x164: {  	v37 =	vmax.f32 v24, v34;
	v14 =	vadd.f32 v36, v14;
	v40 =	vadd.f32 v12, v13  }
0x165: {  	v15 =	vmul.f32 v37, v3;
	v13 =	vunpack.i.l.bf16.f32 v27;
	v12 =	vunpack.i.u.bf16.f32 v27  }
0x166: {  	v22 =	vmul.f32 v22, v4;
	v45 =	vadd.f32 v43, v13;
	v26 =	vadd.f32 v26, v12;
	v44, _, _ =	vpop (xrf2);
	(xrf2) =	vadd.scan.msk.f32 $0xffff, v40  }
0x167: {  	v42 =	vadd.f32 v15, v14;
	v14 =	vunpack.i.l.bf16.f32 v38;
	v28 =	vmul.f32 $1.442695020e+00, v44  }
0x168: {  	v15 =	vunpack.i.u.bf16.f32 v38;
	v46 =	vmul.f32 $2.000000030e-01, v45;
	v30 =	vmul.f32 $2.000000030e-01, v26  }
0x169: {  	v25 =	vadd.f32 v47, v14;
	v22 =	vadd.f32 v42, v22;
	v28 =	vbroadcast v28, $0xF  }
0x16a: {  	v21 =	vadd.f32 v48, v15;
	v27 =	vmax.f32 v45, v46  }
0x16b: {  	v49 =	vmax.f32 v26, v30;
	v50 =	vmul.f32 $2.000000030e-01, v25;
	(xrf2) =	vadd.scan.msk.f32 $0xffff, v22;
	(erf) = vpow2.f32 v28  }
0x16c: {  	v27 =	vmul.f32 v27, v1;
	v24 =	vmul.f32 v49, v2  }
0x16d: {  	v56 =	vld [tilespmem:s19+$0x0];
	v51 =	vmul.f32 $2.000000030e-01, v21;
	v25 =	vmax.f32 v25, v50  }
0x16e: {  	v63 =	vld [tilespmem:s19+$0x10];
	v24 =	vadd.f32 v27, v24;
	v25 =	vmul.f32 v25, v3  }
0x16f: {  	v46 =	vld [tilespmem:s19+$0x20];
	v21 =	vmax.f32 v21, v51  }
0x170: {  	v62 =	vld [tilespmem:s21+$0x10];
	v21 =	vmul.f32 v21, v4;
	v52 =	vadd.f32 v25, v24;
	v53, _, _ =	vpop (xrf2)  }
0x171: {  	v57 =	vmov s15;
	v22 =	vmul.f32 $1.442695020e+00, v53  }
0x172: {  	v55 =	vld [tilespmem:s21+$0x0];
	v58 =	vshrl.u32 v57, $0x3;
	v21 =	vadd.f32 v52, v21  }
0x173: {  	v61 =	vunpack.i.l.bf16.f32 v56;
	v42 =	vunpack.i.u.bf16.f32 v56;
	v54 =	vbroadcast v22, $0xF  }
0x174: {  	s16 =	sadd.s32 s15, s22;
	v43 =	vld [tilespmem:s21+$0x20];
	v56 =	vunpack.i.u.bf16.f32 v46;
	v53 =	vunpack.i.l.bf16.f32 v63;
	(xrf2) =	vadd.scan.msk.f32 $0xffff, v21;
	v21 =	vshll.u32 v58, v0;
	v59 =	vpop (erf)  }
0x175: {  	p1 =	slt.u32 s16, $0x50910;
	v40 =	vld [tilespmem:s19+$0x30];
	v39 =	vbroadcast v21, $0x0;
	v22 =	vunpack.i.u.bf16.f32 v62;
	v60, _, _ =	vpop (xrf2);
	(erf) = vpow2.f32 v54  }
0x176: {  	v58 =	vld [tilespmem:s21+$0x30];
	v38 =	vpsel !p1, $0x0, v59;
	v21 =	vmul.f32 $1.442695020e+00, v60;
	v59 =	vunpack.i.u.bf16.f32 v63  }
0x177: {  	v34 =	vmul.f32 v38, v18;
	v18 =	vunpack.i.l.bf16.f32 v55;
	v35 =	vmul.f32 v38, v17  }
0x178: {  	v36 =	vmul.f32 v38, v20;
	v17 =	vunpack.i.u.bf16.f32 v55;
	v37 =	vmul.f32 v38, v19  }
0x179: {  	v63 =	vld [tilespmem:s19+$0x40];
	v55 =	vunpack.i.l.bf16.f32 v46;
	v19 =	vunpack.i.u.bf16.f32 v43;
	v25 =	vadd.f32 v59, v22  }
0x17a: {  	v24 =	vadd.f32 v61, v18;
	v21 =	vbroadcast v21, $0xF;
	v20 =	vadd.f32 v42, v17  }
0x17b: {  	v32 =	vadd.f32 v56, v19;
	v27 =	vunpack.i.u.bf16.f32 v58;
	v56 =	vunpack.i.u.bf16.f32 v40  }
0x17c: {  	v23 =	vunpack.i.l.bf16.f32 v58;
	v30 =	vadd.f32 v56, v27;
	v45 =	vmul.f32 $2.000000030e-01, v24  }
0x17d: {  	v56 =	vld [tilespmem:s21+$0x70];
	(erf) = vpow2.f32 v21;
	v50 =	vmul.f32 $2.000000030e-01, v20;
	v21 =	vunpack.i.l.bf16.f32 v62  }
0x17e: {  	v61 =	vmul.f32 $2.000000030e-01, v32;
	v54 =	vadd.f32 v53, v21;
	v26 =	vunpack.i.u.bf16.f32 v63  }
0x17f: {  	v49 =	vmax.f32 v24, v45;
	v24 =	vmax.f32 v20, v50;
	v20 =	vunpack.i.l.bf16.f32 v43  }
0x180: {  	v50 =	vunpack.i.l.bf16.f32 v40;
	v52 =	vmul.f32 v49, v1;
	v57 =	vadd.f32 v55, v20  }
0x181: {  	v44, _, _ =	vpop (xrf2);
	v24 =	vmul.f32 v24, v2;
	v31 =	vmul.f32 $2.000000030e-01, v54;
	v49 =	vmax.f32 v32, v61  }
0x182: {  	v53 =	vld [tilespmem:s19+$0x50];
	v47 =	vmul.f32 $1.442695020e+00, v44;
	v32 =	vunpack.i.l.bf16.f32 v56;
	v60 =	vmul.f32 $2.000000030e-01, v57  }
0x183: {  	v29 =	vmax.f32 v54, v31;
	v24 =	vadd.f32 v52, v24;
	v31 =	vmul.f32 v49, v2  }
0x184: {  	v41 =	vld [tilespmem:s21+$0x40];
	v48 =	vpop (erf);
	v54 =	vunpack.i.l.bf16.f32 v63;
	v51 =	vbroadcast v47, $0xF;
	v29 =	vmul.f32 v29, v3  }
0x185: {  	v33 =	vpsel !p1, $0x0, v48;
	v48 =	vmul.f32 $2.000000030e-01, v25;
	v47 =	vmul.f32 $2.000000030e-01, v30  }
0x186: {  	v62 =	vmax.f32 v57, v60;
	v10 =	vmul.f32 v33, v10;
	v6 =	vmul.f32 v33, v6  }
0x187: {  	v52 =	vld [tilespmem:s21+$0x50];
	v46 =	vunpack.i.l.bf16.f32 v53;
	v42 =	vmul.f32 v62, v1;
	(erf) = vpow2.f32 v51  }
0x188: {  	s16 =	sadd.s32 $0x1, s15;
	v25 =	vmax.f32 v25, v48;
	v51 =	vadd.f32 v50, v23;
	v29 =	vadd.f32 v29, v24  }
0x189: {  	v24 =	vunpack.i.u.bf16.f32 v41;
	v48 =	vmov s16;
	v50 =	vmax.f32 v30, v47  }
0x18a: {  	v60 =	vld [tilespmem:s21+$0x60];
	v43 =	vmul.f32 v25, v4;
	v25 =	vunpack.i.l.bf16.f32 v41;
	v57 =	vadd.f32 v26, v24  }
0x18b: {  	v61 =	vld [tilespmem:s19+$0x60];
	v47 =	vmul.f32 v50, v4;
	v31 =	vadd.f32 v42, v31;
	v44 =	vmul.f32 $2.000000030e-01, v51  }
0x18c: {  	v55 =	vadd.f32 v54, v25;
	v26 =	vunpack.i.l.bf16.f32 v52;
	v45 =	vmul.f32 $2.000000030e-01, v57  }
0x18d: {  	v59 =	vadd.f32 v46, v26;
	v43 =	vadd.f32 v29, v43;
	v29 =	vunpack.i.u.bf16.f32 v52  }
0x18e: {  	v52 =	vunpack.i.u.bf16.f32 v53;
	v28 =	vmax.f32 v51, v44;
	v58 =	vmul.f32 $2.000000030e-01, v55  }
0x18f: {  	v54 =	vadd.f32 v52, v29;
	v30 =	vunpack.i.u.bf16.f32 v60;
	v28 =	vmul.f32 v28, v3  }
0x190: {  	v40 =	vmax.f32 v57, v45;
	v63 =	vmul.f32 $2.000000030e-01, v59;
	v45 =	vunpack.i.u.bf16.f32 v61  }
0x191: {  	v41 =	vmax.f32 v55, v58;
	v62 =	vmul.f32 v40, v2;
	v55 =	vunpack.i.l.bf16.f32 v61  }
0x192: {  	v57 =	vld [tilespmem:s19+$0x70];
	v45 =	vadd.f32 v45, v30;
	v41 =	vmul.f32 v41, v1;
	v31 =	vadd.f32 v28, v31  }
0x193: {  	v51 =	vmax.f32 v59, v63;
	v28 =	vunpack.i.l.bf16.f32 v60;
	v59 =	vmul.f32 $2.000000030e-01, v54  }
0x194: {  	v60 =	vshrl.u32 v48, $0x3;
	v53 =	vmul.f32 v51, v3;
	v42 =	vadd.f32 v55, v28  }
0x195: {  	(xrf2) =	vadd.scan.msk.f32 $0xffff, v43;
	v41 =	vadd.f32 v41, v62;
	v58 =	vadd.f32 v31, v47;
	v47 =	vshll.u32 v60, v0  }
0x196: {  	v31 =	vmax.f32 v54, v59;
	v62 =	vmul.f32 $2.000000030e-01, v45;
	v61 =	vmul.f32 $2.000000030e-01, v42  }
0x197: {  	s16 =	sadd.s32 $0x2, s15;
	v47 =	vadd.s32 $0x1, v47;
	v63 =	vmul.f32 v31, v4;
	v50 =	vunpack.i.l.bf16.f32 v57  }
0x198: {  	[tilespmem:v39+s11+$0x0] =	vst.idx.msk $0x1, v38;
	v31 =	vunpack.i.u.bf16.f32 v56;
	v51 =	vunpack.i.u.bf16.f32 v57;
	v56 =	vmov s16  }
0x199: {  	[tilespmem:s12+$0xFFFFFF00] =	vst v34;
	v41 =	vadd.f32 v53, v41;
	v40 =	vmax.f32 v45, v62;
	v45 =	vadd.f32 v50, v32  }
0x19a: {  	s16 =	sadd.s32 $0x3, s15;
	(xrf2) =	vadd.scan.msk.f32 $0xffff, v58;
	v52 =	vadd.f32 v51, v31;
	v53 =	vbroadcast v47, $0x0;
	v34 =	vshrl.u32 v56, $0x3  }
0x19b: {  	v62 =	vmov s16;
	v42 =	vmax.f32 v42, v61;
	v55 =	vmul.f32 $2.000000030e-01, v45  }
0x19c: {  	v40 =	vmul.f32 v40, v2;
	v34 =	vshll.u32 v34, v0;
	v42 =	vmul.f32 v42, v1  }
0x19d: {  	[tilespmem:s12+$0xFFFFFF10] =	vst v35;
	v54 =	vadd.f32 v41, v63;
	v57 =	vmul.f32 $2.000000030e-01, v52;
	v58 =	vmax.f32 v45, v55  }
0x19e: {  	[tilespmem:s12+$0xFFFFFF20] =	vst v36;
	v34 =	vadd.s32 $0x2, v34;
	v40 =	vadd.f32 v42, v40;
	v35 =	vmul.f32 v58, v3  }
0x19f: {  	v34 =	vbroadcast v34, $0x0;
	v59 =	vmax.f32 v52, v57;
	v60, _, _ =	vpop (xrf2);
	(xrf2) =	vadd.scan.msk.f32 $0xffff, v54;
	v42 =	vshrl.u32 v62, $0x3  }
0x1a0: {  	[tilespmem:s12+$0xFFFFFF30] =	vst v37;
	v61 =	vmul.f32 $1.442695020e+00, v60;
	v36 =	vmul.f32 v59, v4;
	v35 =	vadd.f32 v35, v40  }
0x1a1: {  	v9 =	vmul.f32 v33, v9;
	v43 =	vshll.u32 v42, v0;
	[tilespmem:v53+s11+$0x0] =	vst.idx.msk $0x1, v33  }
0x1a2: {  	v41 =	vpop (erf);
	v45 =	vadd.s32 $0x3, v43;
	v63 =	vbroadcast v61, $0xF;
	[tilespmem:s12+$0xFFFFFF40] =	vst v10;
	v40 =	vadd.f32 v35, v36  }
0x1a3: {  	[tilespmem:s12+$0xFFFFFF50] =	vst v6;
	v6 =	vpsel !p1, $0x0, v41;
	v46 =	vbroadcast v45, $0x0  }
0x1a4: {  	[tilespmem:s12+$0xFFFFFF60] =	vst v9;
	v8 =	vmul.f32 v6, v8;
	(erf) = vpow2.f32 v63;
	v44, _, _ =	vpop (xrf2);
	(xrf2) =	vadd.scan.msk.f32 $0xffff, v40  }
0x1a5: {  	s16 =	sadd.s32 $0x4, s15;
	v5 =	vmul.f32 v6, v5;
	[tilespmem:v34+s11+$0x0] =	vst.idx.msk $0x1, v6;
	v9 =	vmul.f32 $1.442695020e+00, v44  }
0x1a6: {  	v39 =	vmul.f32 v33, v11;
	v47 =	vmov s16;
	v7 =	vmul.f32 v6, v7;
	[tilespmem:s12+$0xFFFFFF80] =	vst v8  }
0x1a7: {  	v11 =	vshrl.u32 v47, $0x3;
	v48 =	vpop (erf);
	[tilespmem:s12+$0xFFFFFF90] =	vst v5;
	v5 =	vmul.f32 v6, v16;
	v9 =	vbroadcast v9, $0xF  }
0x1a8: {  	v49 =	vshll.u32 v11, v0;
	v6 =	vpsel !p1, $0x0, v48;
	[tilespmem:s12+$0xFFFFFFA0] =	vst v7  }
0x1a9: {  	s16 =	sadd.s32 $0x5, s15;
	v8 =	vadd.s32 $0x4, v49;
	v7 =	vmul.f32 v6, v13;
	[tilespmem:s12+$0xFFFFFFB0] =	vst v5;
	v50, _, _ =	vpop (xrf2);
	(erf) = vpow2.f32 v9  }
0x1aa: {  	v53 =	vmov s16;
	v5 =	vbroadcast v8, $0x0;
	[tilespmem:v46+s11+$0x0] =	vst.idx.msk $0x1, v6;
	v51 =	vmul.f32 $1.442695020e+00, v50  }
0x1ab: {  	v10 =	vshrl.u32 v53, $0x3;
	v52 =	vmul.f32 v6, v12;
	[tilespmem:s12+$0xFFFFFFC0] =	vst v7;
	v7 =	vmul.f32 v6, v14  }
0x1ac: {  	[tilespmem:s12+$0xFFFFFF70] =	vst v39;
	v10 =	vshll.u32 v10, v0;
	v6 =	vmul.f32 v6, v15;
	v8 =	vbroadcast v51, $0xF  }
0x1ad: {  	v10 =	vadd.s32 $0x5, v10;
	[tilespmem:s12+$0xFFFFFFD0] =	vst v52;
	v54 =	vpop (erf)  }
0x1ae: {  	[tilespmem:s12+$0xFFFFFFF0] =	vst v6;
	v6 =	vbroadcast v10, $0x0;
	v55 =	vpsel !p1, $0x0, v54;
	(erf) = vpow2.f32 v8;
	v56, _, _ =	vpop (xrf2)  }
0x1af: {  	s16 =	sadd.s32 $0x6, s15;
	[tilespmem:s12+$0xFFFFFFE0] =	vst v7;
	v7 =	vmul.f32 v55, v18;
	v8 =	vmul.f32 $1.442695020e+00, v56  }
0x1b0: {  	v57 =	vmov s16;
	[tilespmem:v5+s11+$0x0] =	vst.idx.msk $0x1, v55;
	v5 =	vmul.f32 v55, v17  }
0x1b1: {  	v10 =	vshrl.u32 v57, $0x3;
	[tilespmem:s12+$0x0] =	vst v7;
	v7 =	vmul.f32 v55, v21;
	v8 =	vbroadcast v8, $0xF  }
0x1b2: {  	v10 =	vshll.u32 v10, v0;
	[tilespmem:s12+$0x10] =	vst v5;
	v5 =	vmul.f32 v55, v22;
	v58 =	vpop (erf)  }
0x1b3: {  	v59 =	vadd.s32 $0x6, v10;
	[tilespmem:s12+$0x20] =	vst v7;
	v7 =	vpsel !p1, $0x0, v58;
	(erf) = vpow2.f32 v8  }
0x1b4: {  	s16 =	sadd.s32 $0x7, s15;
	[tilespmem:s12+$0x30] =	vst v5;
	v5 =	vmul.f32 v7, v20;
	v8 =	vbroadcast v59, $0x0  }
0x1b5: {  	v60 =	vmov s16;
	[tilespmem:v6+s11+$0x0] =	vst.idx.msk $0x1, v7;
	v6 =	vmul.f32 v7, v19  }
0x1b6: {  	v9 =	vshrl.u32 v60, $0x3;
	[tilespmem:s12+$0x40] =	vst v5;
	v5 =	vmul.f32 v7, v23  }
0x1b7: {  	v61 =	vpop (erf);
	[tilespmem:s12+$0x50] =	vst v6;
	v6 =	vmul.f32 v7, v27;
	v7 =	vshll.u32 v9, v0  }
0x1b8: {  	v7 =	vadd.s32 $0x7, v7;
	[tilespmem:s12+$0x60] =	vst v5;
	v5 =	vpsel !p1, $0x0, v61  }
0x1b9: {  	[tilespmem:s12+$0x70] =	vst v6;
	v7 =	vbroadcast v7, $0x0;
	v6 =	vmul.f32 v5, v25  }
0x1ba: {  	v62 =	vmul.f32 v5, v24;
	[tilespmem:v8+s11+$0x0] =	vst.idx.msk $0x1, v5  }
0x1bb: {  	[tilespmem:s12+$0x80] =	vst v6;
	v6 =	vmul.f32 v5, v26  }
0x1bc: {  	[tilespmem:s12+$0x90] =	vst v62;
	v5 =	vmul.f32 v5, v29;
	v63 =	vpop (erf)  }
0x1bd: {  	[tilespmem:s12+$0xA0] =	vst v6;
	v6 =	vpsel !p1, $0x0, v63  }
0x1be: {  	[tilespmem:s12+$0xB0] =	vst v5;
	p1 =	slt.u32 s15, $0x118;
	v5 =	vmul.f32 v6, v28  }
.Ltmp3:
0x1bf: {  	[tilespmem:v7+s11+$0x0] =	vst.idx.msk $0x1, v6;
	v7 =	vmul.f32 v6, v30;
	(pc) =	sbr.rel @p1 .LBB2_5-.Ltmp3, $4  }
0x1c0: {  	[tilespmem:s12+$0xC0] =	vst v5;
	v5 =	vmul.f32 v6, v32  }
0x1c1: {  	[tilespmem:s12+$0xD0] =	vst v7;
	v6 =	vmul.f32 v6, v31  }
0x1c2: {  	s21 =	sadd.s32 $0x100, s21;
	[tilespmem:s12+$0xE0] =	vst v5  }
0x1c3: {  	s19 =	sadd.s32 $0x100, s19;
	s15 =	sadd.s32 $0x8, s15;
	[tilespmem:s12+$0xF0] =	vst v6;
	s12 =	sadd.s32 $0x200, s12  }
.Ltmp4:
0x1c4: {  	(pc) =	sbr.rel @p2 .LBB2_8-.Ltmp4, $4  }
0x1c5: {  	_ = 	snop  }
0x1c6: {  	[spmem:s5] =	stream.indirect.scatter.add.f32 [tilespmem:s11], [sflag:$0x4], $0x1, s13, s28, $0xb8;
	[tilespmem:$0x1CBC0] =	vst v63  }
0x1c7: {  	_ = 	snop  }
0x1c8: {  	[spmem:s4] =	stream.indirect.scatter.add.f32 [tilespmem:s26], [sflag:$0x4], $0x40, s13, s28, $0xb8;
	[tilespmem:$0x1CBC0] =	vst v63  }
0x1c9: {  	s12 =	sadd.s32 s14, s18  }
0x1ca: {  	s12 =	sshrl.u32 s12, $0x3  }
0x1cb: {  	s21 =	sadd.s32 s0, s12  }
0x1cc: {  	[tilespmem:s28], [sflag:$0x5] =	stream.linear.gather [hbm4b:s21+s6], $0x120, $0x38;
	[tilespmem:$0x1CBC0] =	vst v63  }
0x1cd: {  	_ =	swait.ge [sflag:s23], $0x120  }
0x1ce: {  	[sflag:s23] =	ssyncset.done $0x0  }
0x1cf: {  	s12 =	sadd.s32 s2, s12;
	[sflag:s23] =	ssyncadd.s32 $0xFFFFFEE0  }
0x1d0: {  	[tilespmem:s31], [sflag:$0x5] =	stream.linear.gather [hbm4b:s12+s6], $0x120, $0x38;
	[tilespmem:$0x1CBC0] =	vst v63  }
0x1d1: {  	_ =	swait.ge [sflag:s23], $0x120  }
.Ltmp5:
0x1d2: {  	[sflag:s23] =	ssyncset.done $0x0;
	(pc) =	sbr.rel .LBB2_2-.Ltmp5, $4  }
0x1d3: {  	[sflag:s23] =	ssyncadd.s32 $0xFFFFFEE0  }
0x1d4: {  	[tilespmem:s1], [sflag:$0x2] =	stream.indirect.gather [hbm4b:s7+s28], $0x20, s28, s28, $0xb8;
	[tilespmem:$0x1CBC0] =	vst v63  }
0x1d5: {  	s24 =	sadd.s32 $0x1, s24;
	s20 =	sadd.s32 $0x240, s20;
	s22 =	sadd.s32 $0x240, s22  }
0x1d6: {  	[tilespmem:s3], [sflag:$0x2] =	stream.indirect.gather [hbm4b:s8+s28], $0x20, s31, s28, $0xb8;
	[tilespmem:$0x1CBC0] =	vst v63  }
.LBB2_9:
0x1d7: {  	_ =	sfence.sel $0x180000  }
0x1d8: {  	[bflag:$0x0] =	sbarrier.arrive $0xFFFF  }
0x1d9: {  	_ =	strace $0x90000047  }
0x1da: {  	[bflag:$0x2] =	sbarrier.arrive $0xFFFF  }
0x1db: {  	s0 =	rddreg [dreg:$0x6]  }
0x1dc: {  	s0 =	sadd.s32 @!p0 $0x100000, s0  }
0x1dd: {  	[sflag:s0] =	ssyncadd.tile.s32 @!p0 $0x1;
	_ =	shalt  }
.Lfunc_end2:
_tile_overlayer_lowered:
.L_overlay_start_2:
0x1de: {  	(tag) =	ssettag $0x2  }
0x1df: {  	s0 =	rddreg [dreg:$0x0];
	s2 =	stileid.u32  }
0x1e0: {  	s1 =	rddreg [dreg:$0x1];
	p0 =	sne.s32 s2, $0x0  }
0x1e1: {  	s3 =	rddreg [dreg:$0x2];
	[bflag:$0x3] =	sbarrier.arrive $0xFFFF;
	s2 =	simm.s32 @!p0 $0x1C05  }
0x1e2: {  	[timem:s3], [sflag:s2] =	dma.local @!p0 [hbm:s0], s1  }
0x1e3: {  	s0 =	simm.s32 @!p0 $0x5  }
0x1e4: {  	_ =	swait.ge @!p0 [sflag:s0], s1  }
0x1e5: {  	s1 =	ssub.s32 @!p0 $0x0, s1;
	[sflag:s0] =	ssyncset.done @!p0 $0x0  }
0x1e6: {  	[sflag:s0] =	ssyncadd.s32 @!p0 s1  }
0x1e7: {  	[bflag:$0x3] =	sbarrier.arrive $0xFFFF  }
0x1e8: {  	_ =	shalt  }

</sc_bundles>
